<compile_context>
chip_gen: v7x
topology: tpu7x:2x2x1
jax: 0.10.2.dev20260603
libtpu: 0.0.44.dev20260713+nightly
codegen_flags: <defaults>
</compile_context>

<pallas_src>
import functools

import jax
import jax.numpy as jnp
from jax import lax
from jax.experimental import pallas as pl
from jax.experimental.pallas import tpu as pltpu
from jax.experimental.pallas import tpu_sc as plsc

N = 10000
D = 128
H = 128
E = 320000
G = 64

NC = 2
NS = 16
NW = NC * NS
C = 128
NCH = 80
EP = NW * NCH * C
NPAD = 10240
RPT = NPAD // NS

_mesh = plsc.VectorSubcoreMesh(
    core_axis_name="c", subcore_axis_name="s", num_cores=NC, num_subcores=NS)


BODY = 8
NB = NCH // BODY


@functools.partial(
    pl.kernel,
    out_type=jax.ShapeDtypeStruct((NC, NPAD, H), jnp.float32),
    mesh=_mesh,
    scratch_types=[
        pltpu.VMEM((2 * BODY, C), jnp.int32),
        pltpu.VMEM((C, H), jnp.float32),
        pltpu.VMEM((C, H), jnp.float32),
        pltpu.VMEM_SHARED((NPAD, H), jnp.float32),
        pltpu.SemaphoreType.DMA,
    ],
)
def _deg_sc(edges2_hbm, out_hbm, ei, ones_v, zero_v, deg_sh, sem):
    cid = lax.axis_index("c")
    sid = lax.axis_index("s")
    wid = cid * NS + sid

    def fill(i, _):
        for j in range(H // 16):
            ones_v[i, pl.ds(j * 16, 16)] = jnp.ones((16,), jnp.float32)
            zero_v[i, pl.ds(j * 16, 16)] = jnp.zeros((16,), jnp.float32)
        return 0
    lax.fori_loop(0, C, fill, 0)

    for j in range(RPT // C):
        pltpu.sync_copy(zero_v, deg_sh.at[pl.ds(sid * RPT + j * C, C)])
    plsc.subcore_barrier()

    def body(m, _):
        row0 = pl.multiple_of(2 * (wid * NCH + m * BODY), 8)
        pltpu.sync_copy(edges2_hbm.at[pl.ds(row0, 2 * BODY)], ei)
        ds = [pltpu.async_copy(ones_v, deg_sh.at[ei.at[2 * j + 1]], sem,
                               add=True)
              for j in range(BODY)]
        for j in range(BODY):
            ds[j].wait()
        return 0
    lax.fori_loop(0, NB, body, 0)
    plsc.subcore_barrier()

    pltpu.sync_copy(deg_sh.at[pl.ds(sid * RPT, RPT)],
                    out_hbm.at[cid, pl.ds(sid * RPT, RPT)])


CA = 80
NCHA = E // (NW * CA)


@functools.partial(
    pl.kernel,
    out_type=jax.ShapeDtypeStruct((NC, NPAD, H), jnp.float32),
    mesh=_mesh,
    scratch_types=[
        pltpu.VMEM((CA,), jnp.int32),
        pltpu.VMEM((CA,), jnp.int32),
        pltpu.VMEM((CA, H), jnp.float32),
        pltpu.VMEM((128, H), jnp.float32),
        pltpu.VMEM_SHARED((NPAD, H), jnp.float32),
        pltpu.SemaphoreType.DMA,
    ],
)
def _agg_sc(src_hbm, dst_hbm, y_hbm, out_hbm, src_v, dst_v, rows_v, zero_v,
            agg_sh, sem):
    cid = lax.axis_index("c")
    sid = lax.axis_index("s")

    def fill_zero(i, _):
        for j in range(H // 16):
            zero_v[i, pl.ds(j * 16, 16)] = jnp.zeros((16,), jnp.float32)
        return 0
    lax.fori_loop(0, 128, fill_zero, 0)

    for j in range(RPT // 128):
        pltpu.sync_copy(zero_v, agg_sh.at[pl.ds(sid * RPT + j * 128, 128)])
    plsc.subcore_barrier()

    base = (cid * NS + sid) * (NCHA * CA)

    def body(i, _):
        off = pl.multiple_of(base + i * CA, 8)
        pltpu.sync_copy(src_hbm.at[pl.ds(off, CA)], src_v)
        pltpu.sync_copy(dst_hbm.at[pl.ds(off, CA)], dst_v)
        pltpu.async_copy(y_hbm.at[src_v], rows_v, sem).wait()
        pltpu.sync_copy(rows_v, agg_sh.at[dst_v], add=True)
        return 0
    lax.fori_loop(0, NCHA, body, 0)
    plsc.subcore_barrier()

    pltpu.sync_copy(agg_sh.at[pl.ds(sid * RPT, RPT)],
                    out_hbm.at[cid, pl.ds(sid * RPT, RPT)])


R = 400
RP = 80


def _xw_body(x_ref, w_ref, xw_ref):
    xw_ref[...] = jnp.dot(x_ref[...], w_ref[...],
                          preferred_element_type=jnp.float32)


def _xw_call(x, W1):
    return pl.pallas_call(
        _xw_body,
        grid=(N // R,),
        in_specs=[
            pl.BlockSpec((R, D), lambda i: (i, 0)),
            pl.BlockSpec((D, H), lambda i: (0, 0)),
        ],
        out_specs=pl.BlockSpec((R, H), lambda i: (i, 0)),
        out_shape=jax.ShapeDtypeStruct((N, H), jnp.float32),
    )(x, W1)


def _y1_body(deg_ref, xw_ref, y_ref, dinv_ref):
    deg = deg_ref[0, :, 0:1] + deg_ref[1, :, 0:1] + 1.0
    dinv = lax.rsqrt(deg)
    y_ref[...] = xw_ref[...] * dinv
    dinv_ref[...] = dinv


def _y1_call(deg_parts, xw):
    return pl.pallas_call(
        _y1_body,
        grid=(N // R,),
        in_specs=[
            pl.BlockSpec((NC, R, H), lambda i: (0, i, 0)),
            pl.BlockSpec((R, H), lambda i: (i, 0)),
        ],
        out_specs=[
            pl.BlockSpec((R, H), lambda i: (i, 0)),
            pl.BlockSpec((R, 1), lambda i: (i, 0)),
        ],
        out_shape=[
            jax.ShapeDtypeStruct((N, H), jnp.float32),
            jax.ShapeDtypeStruct((N, 1), jnp.float32),
        ],
    )(deg_parts, xw)


def _hpre_body(agg_ref, y1_ref, dinv_ref, b1_ref, hpre_ref, stats_ref):
    hp = (agg_ref[0] + agg_ref[1] + y1_ref[...]) * dinv_ref[...] + b1_ref[...]
    hpre_ref[...] = hp

    @pl.when(pl.program_id(0) == 0)
    def _():
        stats_ref[...] = jnp.zeros_like(stats_ref)

    stats_ref[0:1, :] += jnp.sum(hp, axis=0, keepdims=True)
    stats_ref[1:2, :] += jnp.sum(hp * hp, axis=0, keepdims=True)


def _hpre_call(agg1, y1, dinv, b1):
    return pl.pallas_call(
        _hpre_body,
        grid=(N // R,),
        in_specs=[
            pl.BlockSpec((NC, R, H), lambda i: (0, i, 0)),
            pl.BlockSpec((R, H), lambda i: (i, 0)),
            pl.BlockSpec((R, 1), lambda i: (i, 0)),
            pl.BlockSpec((1, H), lambda i: (0, 0)),
        ],
        out_specs=[
            pl.BlockSpec((R, H), lambda i: (i, 0)),
            pl.BlockSpec((2, H), lambda i: (0, 0)),
        ],
        out_shape=[
            jax.ShapeDtypeStruct((N, H), jnp.float32),
            jax.ShapeDtypeStruct((2, H), jnp.float32),
        ],
    )(agg1, y1, dinv, b1)


_SELU_SCALE = 1.0507009873554805
_SELU_ALPHA = 1.6732632423543772


def _y2_body(hpre_ref, stats_ref, bnw_ref, bnb_ref, w2_ref, dinv_ref, y2_ref):
    m = stats_ref[0:1, :] * (1.0 / N)
    v = stats_ref[1:2, :] * (1.0 / N) - m * m
    hn = (hpre_ref[...] - m) * lax.rsqrt(v + 1e-5) * bnw_ref[...] + bnb_ref[...]
    act = _SELU_SCALE * jnp.where(hn > 0, hn, _SELU_ALPHA * (jnp.exp(hn) - 1.0))
    y2_ref[...] = jnp.dot(act, w2_ref[...],
                          preferred_element_type=jnp.float32) * dinv_ref[...]


def _y2_call(hpre, stats, bn_w, bn_b, W2, dinv):
    return pl.pallas_call(
        _y2_body,
        grid=(N // R,),
        in_specs=[
            pl.BlockSpec((R, H), lambda i: (i, 0)),
            pl.BlockSpec((2, H), lambda i: (0, 0)),
            pl.BlockSpec((1, H), lambda i: (0, 0)),
            pl.BlockSpec((1, H), lambda i: (0, 0)),
            pl.BlockSpec((H, H), lambda i: (0, 0)),
            pl.BlockSpec((R, 1), lambda i: (i, 0)),
        ],
        out_specs=pl.BlockSpec((R, H), lambda i: (i, 0)),
        out_shape=jax.ShapeDtypeStruct((N, H), jnp.float32),
    )(hpre, stats, bn_w, bn_b, W2, dinv)


def _pool_body(agg_ref, y2_ref, dinv_ref, b2_ref, bidx_ref, wp_ref, bp_ref,
               s_ref, cnt_ref, mx_ref, out_ref):
    h2 = (agg_ref[0] + agg_ref[1] + y2_ref[...]) * dinv_ref[...] + b2_ref[...]
    cols = lax.broadcasted_iota(jnp.int32, (RP, G), 1)
    mask = bidx_ref[...] == cols
    o = mask.astype(jnp.float32)

    @pl.when(pl.program_id(0) == 0)
    def _():
        s_ref[...] = jnp.zeros_like(s_ref)
        cnt_ref[...] = jnp.zeros_like(cnt_ref)
        mx_ref[...] = jnp.full_like(mx_ref, -jnp.inf)

    dims = (((0,), (0,)), ((), ()))
    s_ref[...] += lax.dot_general(o, h2, dims,
                                  preferred_element_type=jnp.float32)
    cnt_ref[...] += lax.dot_general(o, jnp.ones_like(h2), dims,
                                    preferred_element_type=jnp.float32)
    rows = []
    for g in range(G):
        sel = jnp.where(mask[:, g:g + 1], h2, -jnp.inf)
        rows.append(jnp.max(sel, axis=0, keepdims=True))
    t = jnp.concatenate(rows, axis=0)
    mx_ref[...] = jnp.maximum(mx_ref[...], t)

    @pl.when(pl.program_id(0) == N // RP - 1)
    def _():
        s = s_ref[...]
        cnt = cnt_ref[...]
        mean = s / jnp.maximum(cnt, 1.0)
        mx = jnp.where(cnt > 0, mx_ref[...], 0.0)
        out = jnp.dot(s, wp_ref[0:H, :], preferred_element_type=jnp.float32)
        out += jnp.dot(mean, wp_ref[H:2 * H, :],
                       preferred_element_type=jnp.float32)
        out += jnp.dot(mx, wp_ref[2 * H:3 * H, :],
                       preferred_element_type=jnp.float32)
        out_ref[...] = out + bp_ref[...]


def _pool_call(agg2, y2, dinv, b2, bidx, Wp, bp):
    return pl.pallas_call(
        _pool_body,
        grid=(N // RP,),
        in_specs=[
            pl.BlockSpec((NC, RP, H), lambda i: (0, i, 0)),
            pl.BlockSpec((RP, H), lambda i: (i, 0)),
            pl.BlockSpec((RP, 1), lambda i: (i, 0)),
            pl.BlockSpec((1, H), lambda i: (0, 0)),
            pl.BlockSpec((RP, 1), lambda i: (i, 0)),
            pl.BlockSpec((3 * H, H), lambda i: (0, 0)),
            pl.BlockSpec((1, H), lambda i: (0, 0)),
        ],
        out_specs=[
            pl.BlockSpec((G, H), lambda i: (0, 0)),
            pl.BlockSpec((G, H), lambda i: (0, 0)),
            pl.BlockSpec((G, H), lambda i: (0, 0)),
            pl.BlockSpec((G, H), lambda i: (0, 0)),
        ],
        out_shape=[
            jax.ShapeDtypeStruct((G, H), jnp.float32),
            jax.ShapeDtypeStruct((G, H), jnp.float32),
            jax.ShapeDtypeStruct((G, H), jnp.float32),
            jax.ShapeDtypeStruct((G, H), jnp.float32),
        ],
    )(agg2, y2, dinv, b2, bidx, Wp, bp)


def kernel(x, edge_index, batch_index, W1, b1, bn_w, bn_b, W2, b2, Wp, bp):
    pad = EP - E
    src = jnp.concatenate([edge_index[0], jnp.zeros((pad,), jnp.int32)])
    pad_dst = N + jnp.arange(pad, dtype=jnp.int32) % (NPAD - N)
    dst = jnp.concatenate([edge_index[1], pad_dst])
    edges2 = jnp.stack([src.reshape(NW * NCH, C),
                        dst.reshape(NW * NCH, C)],
                       axis=1).reshape(2 * NW * NCH, C)
    xw = _xw_call(x, W1)
    deg_parts = _deg_sc(edges2)
    src_f = edge_index[0]
    dst_f = edge_index[1]
    y1, dinv = _y1_call(deg_parts, xw)
    agg1 = _agg_sc(src_f, dst_f, y1)
    hpre, stats = _hpre_call(agg1, y1, dinv, b1.reshape(1, H))
    y2 = _y2_call(hpre, stats, bn_w.reshape(1, H), bn_b.reshape(1, H), W2, dinv)
    agg2 = _agg_sc(src_f, dst_f, y2)
    _, _, _, out = _pool_call(agg2, y2, dinv, b2.reshape(1, H),
                              batch_index.reshape(N, 1), Wp,
                              bp.reshape(1, H))
    return out

# --- scband reference (transcript-rebuilt; emitter-appended) ---
"""Pipeline reference for scband-shared-gnnblock-2199023255808 (READ-ONLY COPY).

The authoritative reference and input builder live on the scoring server;
editing this copy changes nothing except your own understanding.
"""

import jax, jax.numpy as jnp
import numpy as np

N = 10000
D = 128
H = 128
E = 320000
G = 64


def setup_inputs(seed: int = 0):
    key = jax.random.key(seed)
    ks = jax.random.split(key, 10)
    x = jax.random.normal(ks[0], (N, D), dtype=jnp.float32)
    edge_index = jax.random.randint(ks[1], (2, E), 0, N, dtype=jnp.int32)
    batch_index = jnp.sort(jax.random.randint(ks[2], (N,), 0, G, dtype=jnp.int32))
    W1 = jax.random.normal(ks[3], (D, H), dtype=jnp.float32) * 0.05
    b1 = jnp.zeros((H,), dtype=jnp.float32)
    bn_w = jnp.ones((H,), dtype=jnp.float32)
    bn_b = jnp.zeros((H,), dtype=jnp.float32)
    W2 = jax.random.normal(ks[4], (H, H), dtype=jnp.float32) * 0.05
    b2 = jnp.zeros((H,), dtype=jnp.float32)
    Wp = jax.random.normal(ks[5], (H * 3, H), dtype=jnp.float32) * 0.05
    bp = jnp.zeros((H,), dtype=jnp.float32)
    return {"x": x, "edge_index": edge_index, "batch_index": batch_index,
            "W1": W1, "b1": b1, "bn_w": bn_w, "bn_b": bn_b,
            "W2": W2, "b2": b2, "Wp": Wp, "bp": bp}


def _gcn(x, src, dst, W, b, n):
    # GCNConv with added self-loops and symmetric normalization
    loop = jnp.arange(n, dtype=src.dtype)
    s = jnp.concatenate([src, loop])
    d = jnp.concatenate([dst, loop])
    deg = jnp.zeros((n,), x.dtype).at[d].add(1.0)
    dinv = jnp.where(deg > 0, 1.0 / jnp.sqrt(deg), 0.0)
    norm = dinv[s] * dinv[d]
    xw = x @ W
    msg = xw[s] * norm[:, None]
    out = jnp.zeros((n, W.shape[1]), x.dtype).at[d].add(msg)
    return out + b


def _bn(h, w, bvec, eps=1e-5):
    # BatchNorm1d in training mode: biased batch statistics over nodes
    m = jnp.mean(h, axis=0)
    v = jnp.var(h, axis=0)
    return (h - m) / jnp.sqrt(v + eps) * w + bvec


def reference(x, edge_index, batch_index, W1, b1, bn_w, bn_b, W2, b2, Wp, bp):
    src, dst = edge_index[0], edge_index[1]
    h = _gcn(x, src, dst, W1, b1, N)
    h = _bn(h, bn_w, bn_b)
    h = jax.nn.selu(h)
    # dropout p=0 -> identity
    h = _gcn(h, src, dst, W2, b2, N)
    s = jax.ops.segment_sum(h, batch_index, num_segments=G)
    cnt = jax.ops.segment_sum(jnp.ones((N, 1), h.dtype), batch_index, num_segments=G)
    mean = s / jnp.maximum(cnt, 1.0)
    mx = jax.ops.segment_max(h, batch_index, num_segments=G)
    mx = jnp.where(cnt > 0, mx, 0.0)
    pooled = jnp.concatenate([s, mean, mx], axis=-1)
    return pooled @ Wp + bp

if __name__ == "__main__":
    import jax
    _d = setup_inputs()
    print(jax.jit(kernel)(*tuple(_d.values())))

</pallas_src>

<mosaic_0001>
#map = affine_map<(d0, d1) -> (0, 0)>
#map1 = affine_map<(d0, d1) -> (0, 0, 0)>
module attributes {stable_mosaic.version = 14 : i64} {
  func.func @_deg_sc(%arg0: i32, %arg1: i32, %arg2: memref<5120x128xi32, #tpu.memory_space<hbm>>, %arg3: memref<2x10240x128xf32, #tpu.memory_space<hbm>>, %arg4: memref<16x128xi32, #tpu.memory_space<vmem>>, %arg5: memref<128x128xf32, #tpu.memory_space<vmem>>, %arg6: memref<128x128xf32, #tpu.memory_space<vmem>>, %arg7: memref<10240x128xf32, #tpu.memory_space<vmem_shared>>, %arg8: memref<!tpu.dma_semaphore, #tpu.memory_space<semaphore_mem>>) attributes {dimension_semantics = [#tpu.dimension_semantics<core_parallel>, #tpu.dimension_semantics<subcore_parallel>], iteration_bounds = array<i64: 2, 16>, scalar_prefetch = 0 : i64, scratch_operands = 5 : i64, tpu.core_type = #tpu.core_type<sc_vector_subcore>, window_params = [{transform_indices = #map}, {transform_indices = #map1}]} {
    %mul3A = arith.constant 16 : i32
    %mul3A_0 = arith.muli %arg0, %mul3A : i32
    %add3A = arith.addi %mul3A_0, %arg1 : i32
    %scan3A = arith.constant 0 : i32
    %scan3A_1 = arith.constant 0 : i32
    %scan3A_2 = arith.constant 128 : i32
    %scan3A_3 = arith.addi %scan3A_1, %scan3A_2 : i32
    %scan3A_4 = arith.constant 1 : i32
    %scan3A_5 = scf.for %scan3A_39 = %scan3A_1 to %scan3A_3 step %scan3A_4 iter_args(%scan3A_40 = %scan3A) -> (i32)  : i32 {
      %broadcast_in_dim3A = arith.constant 1.000000e+00 : f32
      %broadcast_in_dim3A_41 = vector.broadcast %broadcast_in_dim3A : f32 to vector<16xf32>
      %swap3A = arith.index_cast %scan3A_39 : i32 to index
      %swap3A_42 = arith.constant 0 : index
      %swap3A_43 = tpu.vector_load %arg5[%swap3A, %swap3A_42] {strides = array<i32>} : memref<128x128xf32, #tpu.memory_space<vmem>>, vector<1x16xf32>,
      %swap3A_44 = vector.shape_cast %swap3A_43 : vector<1x16xf32> to vector<16xf32>
      %swap3A_45 = vector.shape_cast %broadcast_in_dim3A_41 : vector<16xf32> to vector<1x16xf32>
      tpu.vector_store %arg5[%swap3A, %swap3A_42], %swap3A_45 {strides = array<i32>} : memref<128x128xf32, #tpu.memory_space<vmem>>, vector<1x16xf32>,
      %broadcast_in_dim3A_46 = arith.constant 0.000000e+00 : f32
      %broadcast_in_dim3A_47 = vector.broadcast %broadcast_in_dim3A_46 : f32 to vector<16xf32>
      %swap3A_48 = arith.index_cast %scan3A_39 : i32 to index
      %swap3A_49 = arith.constant 0 : index
      %swap3A_50 = tpu.vector_load %arg6[%swap3A_48, %swap3A_49] {strides = array<i32>} : memref<128x128xf32, #tpu.memory_space<vmem>>, vector<1x16xf32>,
      %swap3A_51 = vector.shape_cast %swap3A_50 : vector<1x16xf32> to vector<16xf32>
      %swap3A_52 = vector.shape_cast %broadcast_in_dim3A_47 : vector<16xf32> to vector<1x16xf32>
      tpu.vector_store %arg6[%swap3A_48, %swap3A_49], %swap3A_52 {strides = array<i32>} : memref<128x128xf32, #tpu.memory_space<vmem>>, vector<1x16xf32>,
      %broadcast_in_dim3A_53 = arith.constant 1.000000e+00 : f32
      %broadcast_in_dim3A_54 = vector.broadcast %broadcast_in_dim3A_53 : f32 to vector<16xf32>
      %swap3A_55 = arith.index_cast %scan3A_39 : i32 to index
      %swap3A_56 = arith.constant 16 : index
      %swap3A_57 = tpu.vector_load %arg5[%swap3A_55, %swap3A_56] {strides = array<i32>} : memref<128x128xf32, #tpu.memory_space<vmem>>, vector<1x16xf32>,
      %swap3A_58 = vector.shape_cast %swap3A_57 : vector<1x16xf32> to vector<16xf32>
      %swap3A_59 = vector.shape_cast %broadcast_in_dim3A_54 : vector<16xf32> to vector<1x16xf32>
      tpu.vector_store %arg5[%swap3A_55, %swap3A_56], %swap3A_59 {strides = array<i32>} : memref<128x128xf32, #tpu.memory_space<vmem>>, vector<1x16xf32>,
      %broadcast_in_dim3A_60 = arith.constant 0.000000e+00 : f32
      %broadcast_in_dim3A_61 = vector.broadcast %broadcast_in_dim3A_60 : f32 to vector<16xf32>
      %swap3A_62 = arith.index_cast %scan3A_39 : i32 to index
      %swap3A_63 = arith.constant 16 : index
      %swap3A_64 = tpu.vector_load %arg6[%swap3A_62, %swap3A_63] {strides = array<i32>} : memref<128x128xf32, #tpu.memory_space<vmem>>, vector<1x16xf32>,
      %swap3A_65 = vector.shape_cast %swap3A_64 : vector<1x16xf32> to vector<16xf32>
      %swap3A_66 = vector.shape_cast %broadcast_in_dim3A_61 : vector<16xf32> to vector<1x16xf32>
      tpu.vector_store %arg6[%swap3A_62, %swap3A_63], %swap3A_66 {strides = array<i32>} : memref<128x128xf32, #tpu.memory_space<vmem>>, vector<1x16xf32>,
      %broadcast_in_dim3A_67 = arith.constant 1.000000e+00 : f32
      %broadcast_in_dim3A_68 = vector.broadcast %broadcast_in_dim3A_67 : f32 to vector<16xf32>
      %swap3A_69 = arith.index_cast %scan3A_39 : i32 to index
      %swap3A_70 = arith.constant 32 : index
      %swap3A_71 = tpu.vector_load %arg5[%swap3A_69, %swap3A_70] {strides = array<i32>} : memref<128x128xf32, #tpu.memory_space<vmem>>, vector<1x16xf32>,
      %swap3A_72 = vector.shape_cast %swap3A_71 : vector<1x16xf32> to vector<16xf32>
      %swap3A_73 = vector.shape_cast %broadcast_in_dim3A_68 : vector<16xf32> to vector<1x16xf32>
      tpu.vector_store %arg5[%swap3A_69, %swap3A_70], %swap3A_73 {strides = array<i32>} : memref<128x128xf32, #tpu.memory_space<vmem>>, vector<1x16xf32>,
      %broadcast_in_dim3A_74 = arith.constant 0.000000e+00 : f32
      %broadcast_in_dim3A_75 = vector.broadcast %broadcast_in_dim3A_74 : f32 to vector<16xf32>
      %swap3A_76 = arith.index_cast %scan3A_39 : i32 to index
      %swap3A_77 = arith.constant 32 : index
      %swap3A_78 = tpu.vector_load %arg6[%swap3A_76, %swap3A_77] {strides = array<i32>} : memref<128x128xf32, #tpu.memory_space<vmem>>, vector<1x16xf32>,
      %swap3A_79 = vector.shape_cast %swap3A_78 : vector<1x16xf32> to vector<16xf32>
      %swap3A_80 = vector.shape_cast %broadcast_in_dim3A_75 : vector<16xf32> to vector<1x16xf32>
      tpu.vector_store %arg6[%swap3A_76, %swap3A_77], %swap3A_80 {strides = array<i32>} : memref<128x128xf32, #tpu.memory_space<vmem>>, vector<1x16xf32>,
      %broadcast_in_dim3A_81 = arith.constant 1.000000e+00 : f32
      %broadcast_in_dim3A_82 = vector.broadcast %broadcast_in_dim3A_81 : f32 to vector<16xf32>
      %swap3A_83 = arith.index_cast %scan3A_39 : i32 to index
      %swap3A_84 = arith.constant 48 : index
      %swap3A_85 = tpu.vector_load %arg5[%swap3A_83, %swap3A_84] {strides = array<i32>} : memref<128x128xf32, #tpu.memory_space<vmem>>, vector<1x16xf32>,
      %swap3A_86 = vector.shape_cast %swap3A_85 : vector<1x16xf32> to vector<16xf32>
      %swap3A_87 = vector.shape_cast %broadcast_in_dim3A_82 : vector<16xf32> to vector<1x16xf32>
      tpu.vector_store %arg5[%swap3A_83, %swap3A_84], %swap3A_87 {strides = array<i32>} : memref<128x128xf32, #tpu.memory_space<vmem>>, vector<1x16xf32>,
      %broadcast_in_dim3A_88 = arith.constant 0.000000e+00 : f32
      %broadcast_in_dim3A_89 = vector.broadcast %broadcast_in_dim3A_88 : f32 to vector<16xf32>
      %swap3A_90 = arith.index_cast %scan3A_39 : i32 to index
      %swap3A_91 = arith.constant 48 : index
      %swap3A_92 = tpu.vector_load %arg6[%swap3A_90, %swap3A_91] {strides = array<i32>} : memref<128x128xf32, #tpu.memory_space<vmem>>, vector<1x16xf32>,
      %swap3A_93 = vector.shape_cast %swap3A_92 : vector<1x16xf32> to vector<16xf32>
      %swap3A_94 = vector.shape_cast %broadcast_in_dim3A_89 : vector<16xf32> to vector<1x16xf32>
      tpu.vector_store %arg6[%swap3A_90, %swap3A_91], %swap3A_94 {strides = array<i32>} : memref<128x128xf32, #tpu.memory_space<vmem>>, vector<1x16xf32>,
      %broadcast_in_dim3A_95 = arith.constant 1.000000e+00 : f32
      %broadcast_in_dim3A_96 = vector.broadcast %broadcast_in_dim3A_95 : f32 to vector<16xf32>
      %swap3A_97 = arith.index_cast %scan3A_39 : i32 to index
      %swap3A_98 = arith.constant 64 : index
      %swap3A_99 = tpu.vector_load %arg5[%swap3A_97, %swap3A_98] {strides = array<i32>} : memref<128x128xf32, #tpu.memory_space<vmem>>, vector<1x16xf32>,
      %swap3A_100 = vector.shape_cast %swap3A_99 : vector<1x16xf32> to vector<16xf32>
      %swap3A_101 = vector.shape_cast %broadcast_in_dim3A_96 : vector<16xf32> to vector<1x16xf32>
      tpu.vector_store %arg5[%swap3A_97, %swap3A_98], %swap3A_101 {strides = array<i32>} : memref<128x128xf32, #tpu.memory_space<vmem>>, vector<1x16xf32>,
      %broadcast_in_dim3A_102 = arith.constant 0.000000e+00 : f32
      %broadcast_in_dim3A_103 = vector.broadcast %broadcast_in_dim3A_102 : f32 to vector<16xf32>
      %swap3A_104 = arith.index_cast %scan3A_39 : i32 to index
      %swap3A_105 = arith.constant 64 : index
      %swap3A_106 = tpu.vector_load %arg6[%swap3A_104, %swap3A_105] {strides = array<i32>} : memref<128x128xf32, #tpu.memory_space<vmem>>, vector<1x16xf32>,
      %swap3A_107 = vector.shape_cast %swap3A_106 : vector<1x16xf32> to vector<16xf32>
      %swap3A_108 = vector.shape_cast %broadcast_in_dim3A_103 : vector<16xf32> to vector<1x16xf32>
      tpu.vector_store %arg6[%swap3A_104, %swap3A_105], %swap3A_108 {strides = array<i32>} : memref<128x128xf32, #tpu.memory_space<vmem>>, vector<1x16xf32>,
      %broadcast_in_dim3A_109 = arith.constant 1.000000e+00 : f32
      %broadcast_in_dim3A_110 = vector.broadcast %broadcast_in_dim3A_109 : f32 to vector<16xf32>
      %swap3A_111 = arith.index_cast %scan3A_39 : i32 to index
      %swap3A_112 = arith.constant 80 : index
      %swap3A_113 = tpu.vector_load %arg5[%swap3A_111, %swap3A_112] {strides = array<i32>} : memref<128x128xf32, #tpu.memory_space<vmem>>, vector<1x16xf32>,
      %swap3A_114 = vector.shape_cast %swap3A_113 : vector<1x16xf32> to vector<16xf32>
      %swap3A_115 = vector.shape_cast %broadcast_in_dim3A_110 : vector<16xf32> to vector<1x16xf32>
      tpu.vector_store %arg5[%swap3A_111, %swap3A_112], %swap3A_115 {strides = array<i32>} : memref<128x128xf32, #tpu.memory_space<vmem>>, vector<1x16xf32>,
      %broadcast_in_dim3A_116 = arith.constant 0.000000e+00 : f32
      %broadcast_in_dim3A_117 = vector.broadcast %broadcast_in_dim3A_116 : f32 to vector<16xf32>
      %swap3A_118 = arith.index_cast %scan3A_39 : i32 to index
      %swap3A_119 = arith.constant 80 : index
      %swap3A_120 = tpu.vector_load %arg6[%swap3A_118, %swap3A_119] {strides = array<i32>} : memref<128x128xf32, #tpu.memory_space<vmem>>, vector<1x16xf32>,
      %swap3A_121 = vector.shape_cast %swap3A_120 : vector<1x16xf32> to vector<16xf32>
      %swap3A_122 = vector.shape_cast %broadcast_in_dim3A_117 : vector<16xf32> to vector<1x16xf32>
      tpu.vector_store %arg6[%swap3A_118, %swap3A_119], %swap3A_122 {strides = array<i32>} : memref<128x128xf32, #tpu.memory_space<vmem>>, vector<1x16xf32>,
      %broadcast_in_dim3A_123 = arith.constant 1.000000e+00 : f32
      %broadcast_in_dim3A_124 = vector.broadcast %broadcast_in_dim3A_123 : f32 to vector<16xf32>
      %swap3A_125 = arith.index_cast %scan3A_39 : i32 to index
      %swap3A_126 = arith.constant 96 : index
      %swap3A_127 = tpu.vector_load %arg5[%swap3A_125, %swap3A_126] {strides = array<i32>} : memref<128x128xf32, #tpu.memory_space<vmem>>, vector<1x16xf32>,
      %swap3A_128 = vector.shape_cast %swap3A_127 : vector<1x16xf32> to vector<16xf32>
      %swap3A_129 = vector.shape_cast %broadcast_in_dim3A_124 : vector<16xf32> to vector<1x16xf32>
      tpu.vector_store %arg5[%swap3A_125, %swap3A_126], %swap3A_129 {strides = array<i32>} : memref<128x128xf32, #tpu.memory_space<vmem>>, vector<1x16xf32>,
      %broadcast_in_dim3A_130 = arith.constant 0.000000e+00 : f32
      %broadcast_in_dim3A_131 = vector.broadcast %broadcast_in_dim3A_130 : f32 to vector<16xf32>
      %swap3A_132 = arith.index_cast %scan3A_39 : i32 to index
      %swap3A_133 = arith.constant 96 : index
      %swap3A_134 = tpu.vector_load %arg6[%swap3A_132, %swap3A_133] {strides = array<i32>} : memref<128x128xf32, #tpu.memory_space<vmem>>, vector<1x16xf32>,
      %swap3A_135 = vector.shape_cast %swap3A_134 : vector<1x16xf32> to vector<16xf32>
      %swap3A_136 = vector.shape_cast %broadcast_in_dim3A_131 : vector<16xf32> to vector<1x16xf32>
      tpu.vector_store %arg6[%swap3A_132, %swap3A_133], %swap3A_136 {strides = array<i32>} : memref<128x128xf32, #tpu.memory_space<vmem>>, vector<1x16xf32>,
      %broadcast_in_dim3A_137 = arith.constant 1.000000e+00 : f32
      %broadcast_in_dim3A_138 = vector.broadcast %broadcast_in_dim3A_137 : f32 to vector<16xf32>
      %swap3A_139 = arith.index_cast %scan3A_39 : i32 to index
      %swap3A_140 = arith.constant 112 : index
      %swap3A_141 = tpu.vector_load %arg5[%swap3A_139, %swap3A_140] {strides = array<i32>} : memref<128x128xf32, #tpu.memory_space<vmem>>, vector<1x16xf32>,
      %swap3A_142 = vector.shape_cast %swap3A_141 : vector<1x16xf32> to vector<16xf32>
      %swap3A_143 = vector.shape_cast %broadcast_in_dim3A_138 : vector<16xf32> to vector<1x16xf32>
      tpu.vector_store %arg5[%swap3A_139, %swap3A_140], %swap3A_143 {strides = array<i32>} : memref<128x128xf32, #tpu.memory_space<vmem>>, vector<1x16xf32>,
      %broadcast_in_dim3A_144 = arith.constant 0.000000e+00 : f32
      %broadcast_in_dim3A_145 = vector.broadcast %broadcast_in_dim3A_144 : f32 to vector<16xf32>
      %swap3A_146 = arith.index_cast %scan3A_39 : i32 to index
      %swap3A_147 = arith.constant 112 : index
      %swap3A_148 = tpu.vector_load %arg6[%swap3A_146, %swap3A_147] {strides = array<i32>} : memref<128x128xf32, #tpu.memory_space<vmem>>, vector<1x16xf32>,
      %swap3A_149 = vector.shape_cast %swap3A_148 : vector<1x16xf32> to vector<16xf32>
      %swap3A_150 = vector.shape_cast %broadcast_in_dim3A_145 : vector<16xf32> to vector<1x16xf32>
      tpu.vector_store %arg6[%swap3A_146, %swap3A_147], %swap3A_150 {strides = array<i32>} : memref<128x128xf32, #tpu.memory_space<vmem>>, vector<1x16xf32>,
      %scan3A_151 = arith.constant 0 : i32
      scf.yield %scan3A_151 : i32
    }
    %scan3A_6 = arith.constant 128 : i32
    %mul3A_7 = arith.constant 640 : i32
    %mul3A_8 = arith.muli %arg1, %mul3A_7 : i32
    %add3A_9 = arith.constant 0 : i32
    %add3A_10 = arith.addi %mul3A_8, %add3A_9 : i32
    "tpu.region"() ({
      %run_scoped3A = tpu.sem_alloc : memref<!tpu.dma_semaphore, #tpu.memory_space<semaphore_mem>>
      %dma_start3A = arith.constant 0 : i32
      %dma_start3A_39 = tpu.memref_slice %arg7[%add3A_10, %dma_start3A] : memref<10240x128xf32, #tpu.memory_space<vmem_shared>> -> memref<128x128xf32, #tpu.memory_space<vmem_shared>>
      %dma_start3A_40 = arith.constant 0 : i32
      %dma_start3A_41 = tpu.memref_slice %arg7[%add3A_10, %dma_start3A_40] : memref<10240x128xf32, #tpu.memory_space<vmem_shared>> -> memref<128x128xf32, #tpu.memory_space<vmem_shared>>
      tpu.enqueue_dma source(%arg6 : memref<128x128xf32, #tpu.memory_space<vmem>>) target(%dma_start3A_41 : memref<128x128xf32, #tpu.memory_space<vmem_shared>>) target_semaphore(%run_scoped3A : memref<!tpu.dma_semaphore, #tpu.memory_space<semaphore_mem>>)
      %dma_wait3A = arith.constant 0 : i32
      %dma_wait3A_42 = tpu.memref_slice %arg7[%add3A_10, %dma_wait3A] : memref<10240x128xf32, #tpu.memory_space<vmem_shared>> -> memref<128x128xf32, #tpu.memory_space<vmem_shared>>
      %dma_wait3A_43 = arith.constant 0 : i32
      %dma_wait3A_44 = tpu.memref_slice %arg7[%add3A_10, %dma_wait3A_43] : memref<10240x128xf32, #tpu.memory_space<vmem_shared>> -> memref<128x128xf32, #tpu.memory_space<vmem_shared>>
      tpu.wait_dma2 semaphore(%run_scoped3A : memref<!tpu.dma_semaphore, #tpu.memory_space<semaphore_mem>>) src(%arg6 : memref<128x128xf32, #tpu.memory_space<vmem>>) dst(%dma_wait3A_44 : memref<128x128xf32, #tpu.memory_space<vmem_shared>>)
      tpu.yield
    }) : () -> ()
    %mul3A_11 = arith.constant 640 : i32
    %mul3A_12 = arith.muli %arg1, %mul3A_11 : i32
    %add3A_13 = arith.constant 128 : i32
    %add3A_14 = arith.addi %mul3A_12, %add3A_13 : i32
    "tpu.region"() ({
      %run_scoped3A = tpu.sem_alloc : memref<!tpu.dma_semaphore, #tpu.memory_space<semaphore_mem>>
      %dma_start3A = arith.constant 0 : i32
      %dma_start3A_39 = tpu.memref_slice %arg7[%add3A_14, %dma_start3A] : memref<10240x128xf32, #tpu.memory_space<vmem_shared>> -> memref<128x128xf32, #tpu.memory_space<vmem_shared>>
      %dma_start3A_40 = arith.constant 0 : i32
      %dma_start3A_41 = tpu.memref_slice %arg7[%add3A_14, %dma_start3A_40] : memref<10240x128xf32, #tpu.memory_space<vmem_shared>> -> memref<128x128xf32, #tpu.memory_space<vmem_shared>>
      tpu.enqueue_dma source(%arg6 : memref<128x128xf32, #tpu.memory_space<vmem>>) target(%dma_start3A_41 : memref<128x128xf32, #tpu.memory_space<vmem_shared>>) target_semaphore(%run_scoped3A : memref<!tpu.dma_semaphore, #tpu.memory_space<semaphore_mem>>)
      %dma_wait3A = arith.constant 0 : i32
      %dma_wait3A_42 = tpu.memref_slice %arg7[%add3A_14, %dma_wait3A] : memref<10240x128xf32, #tpu.memory_space<vmem_shared>> -> memref<128x128xf32, #tpu.memory_space<vmem_shared>>
      %dma_wait3A_43 = arith.constant 0 : i32
      %dma_wait3A_44 = tpu.memref_slice %arg7[%add3A_14, %dma_wait3A_43] : memref<10240x128xf32, #tpu.memory_space<vmem_shared>> -> memref<128x128xf32, #tpu.memory_space<vmem_shared>>
      tpu.wait_dma2 semaphore(%run_scoped3A : memref<!tpu.dma_semaphore, #tpu.memory_space<semaphore_mem>>) src(%arg6 : memref<128x128xf32, #tpu.memory_space<vmem>>) dst(%dma_wait3A_44 : memref<128x128xf32, #tpu.memory_space<vmem_shared>>)
      tpu.yield
    }) : () -> ()
    %mul3A_15 = arith.constant 640 : i32
    %mul3A_16 = arith.muli %arg1, %mul3A_15 : i32
    %add3A_17 = arith.constant 256 : i32
    %add3A_18 = arith.addi %mul3A_16, %add3A_17 : i32
    "tpu.region"() ({
      %run_scoped3A = tpu.sem_alloc : memref<!tpu.dma_semaphore, #tpu.memory_space<semaphore_mem>>
      %dma_start3A = arith.constant 0 : i32
      %dma_start3A_39 = tpu.memref_slice %arg7[%add3A_18, %dma_start3A] : memref<10240x128xf32, #tpu.memory_space<vmem_shared>> -> memref<128x128xf32, #tpu.memory_space<vmem_shared>>
      %dma_start3A_40 = arith.constant 0 : i32
      %dma_start3A_41 = tpu.memref_slice %arg7[%add3A_18, %dma_start3A_40] : memref<10240x128xf32, #tpu.memory_space<vmem_shared>> -> memref<128x128xf32, #tpu.memory_space<vmem_shared>>
      tpu.enqueue_dma source(%arg6 : memref<128x128xf32, #tpu.memory_space<vmem>>) target(%dma_start3A_41 : memref<128x128xf32, #tpu.memory_space<vmem_shared>>) target_semaphore(%run_scoped3A : memref<!tpu.dma_semaphore, #tpu.memory_space<semaphore_mem>>)
      %dma_wait3A = arith.constant 0 : i32
      %dma_wait3A_42 = tpu.memref_slice %arg7[%add3A_18, %dma_wait3A] : memref<10240x128xf32, #tpu.memory_space<vmem_shared>> -> memref<128x128xf32, #tpu.memory_space<vmem_shared>>
      %dma_wait3A_43 = arith.constant 0 : i32
      %dma_wait3A_44 = tpu.memref_slice %arg7[%add3A_18, %dma_wait3A_43] : memref<10240x128xf32, #tpu.memory_space<vmem_shared>> -> memref<128x128xf32, #tpu.memory_space<vmem_shared>>
      tpu.wait_dma2 semaphore(%run_scoped3A : memref<!tpu.dma_semaphore, #tpu.memory_space<semaphore_mem>>) src(%arg6 : memref<128x128xf32, #tpu.memory_space<vmem>>) dst(%dma_wait3A_44 : memref<128x128xf32, #tpu.memory_space<vmem_shared>>)
      tpu.yield
    }) : () -> ()
    %mul3A_19 = arith.constant 640 : i32
    %mul3A_20 = arith.muli %arg1, %mul3A_19 : i32
    %add3A_21 = arith.constant 384 : i32
    %add3A_22 = arith.addi %mul3A_20, %add3A_21 : i32
    "tpu.region"() ({
      %run_scoped3A = tpu.sem_alloc : memref<!tpu.dma_semaphore, #tpu.memory_space<semaphore_mem>>
      %dma_start3A = arith.constant 0 : i32
      %dma_start3A_39 = tpu.memref_slice %arg7[%add3A_22, %dma_start3A] : memref<10240x128xf32, #tpu.memory_space<vmem_shared>> -> memref<128x128xf32, #tpu.memory_space<vmem_shared>>
      %dma_start3A_40 = arith.constant 0 : i32
      %dma_start3A_41 = tpu.memref_slice %arg7[%add3A_22, %dma_start3A_40] : memref<10240x128xf32, #tpu.memory_space<vmem_shared>> -> memref<128x128xf32, #tpu.memory_space<vmem_shared>>
      tpu.enqueue_dma source(%arg6 : memref<128x128xf32, #tpu.memory_space<vmem>>) target(%dma_start3A_41 : memref<128x128xf32, #tpu.memory_space<vmem_shared>>) target_semaphore(%run_scoped3A : memref<!tpu.dma_semaphore, #tpu.memory_space<semaphore_mem>>)
      %dma_wait3A = arith.constant 0 : i32
      %dma_wait3A_42 = tpu.memref_slice %arg7[%add3A_22, %dma_wait3A] : memref<10240x128xf32, #tpu.memory_space<vmem_shared>> -> memref<128x128xf32, #tpu.memory_space<vmem_shared>>
      %dma_wait3A_43 = arith.constant 0 : i32
      %dma_wait3A_44 = tpu.memref_slice %arg7[%add3A_22, %dma_wait3A_43] : memref<10240x128xf32, #tpu.memory_space<vmem_shared>> -> memref<128x128xf32, #tpu.memory_space<vmem_shared>>
      tpu.wait_dma2 semaphore(%run_scoped3A : memref<!tpu.dma_semaphore, #tpu.memory_space<semaphore_mem>>) src(%arg6 : memref<128x128xf32, #tpu.memory_space<vmem>>) dst(%dma_wait3A_44 : memref<128x128xf32, #tpu.memory_space<vmem_shared>>)
      tpu.yield
    }) : () -> ()
    %mul3A_23 = arith.constant 640 : i32
    %mul3A_24 = arith.muli %arg1, %mul3A_23 : i32
    %add3A_25 = arith.constant 512 : i32
    %add3A_26 = arith.addi %mul3A_24, %add3A_25 : i32
    "tpu.region"() ({
      %run_scoped3A = tpu.sem_alloc : memref<!tpu.dma_semaphore, #tpu.memory_space<semaphore_mem>>
      %dma_start3A = arith.constant 0 : i32
      %dma_start3A_39 = tpu.memref_slice %arg7[%add3A_26, %dma_start3A] : memref<10240x128xf32, #tpu.memory_space<vmem_shared>> -> memref<128x128xf32, #tpu.memory_space<vmem_shared>>
      %dma_start3A_40 = arith.constant 0 : i32
      %dma_start3A_41 = tpu.memref_slice %arg7[%add3A_26, %dma_start3A_40] : memref<10240x128xf32, #tpu.memory_space<vmem_shared>> -> memref<128x128xf32, #tpu.memory_space<vmem_shared>>
      tpu.enqueue_dma source(%arg6 : memref<128x128xf32, #tpu.memory_space<vmem>>) target(%dma_start3A_41 : memref<128x128xf32, #tpu.memory_space<vmem_shared>>) target_semaphore(%run_scoped3A : memref<!tpu.dma_semaphore, #tpu.memory_space<semaphore_mem>>)
      %dma_wait3A = arith.constant 0 : i32
      %dma_wait3A_42 = tpu.memref_slice %arg7[%add3A_26, %dma_wait3A] : memref<10240x128xf32, #tpu.memory_space<vmem_shared>> -> memref<128x128xf32, #tpu.memory_space<vmem_shared>>
      %dma_wait3A_43 = arith.constant 0 : i32
      %dma_wait3A_44 = tpu.memref_slice %arg7[%add3A_26, %dma_wait3A_43] : memref<10240x128xf32, #tpu.memory_space<vmem_shared>> -> memref<128x128xf32, #tpu.memory_space<vmem_shared>>
      tpu.wait_dma2 semaphore(%run_scoped3A : memref<!tpu.dma_semaphore, #tpu.memory_space<semaphore_mem>>) src(%arg6 : memref<128x128xf32, #tpu.memory_space<vmem>>) dst(%dma_wait3A_44 : memref<128x128xf32, #tpu.memory_space<vmem_shared>>)
      tpu.yield
    }) : () -> ()
    %barrier3A = arith.constant 0 : index
    tpu.barrier barrier_id(%barrier3A)
    %scan3A_27 = arith.constant 0 : i32
    %scan3A_28 = arith.constant 0 : i32
    %scan3A_29 = arith.constant 10 : i32
    %scan3A_30 = arith.addi %scan3A_28, %scan3A_29 : i32
    %scan3A_31 = arith.constant 1 : i32
    %scan3A_32 = scf.for %scan3A_39 = %scan3A_28 to %scan3A_30 step %scan3A_31 iter_args(%scan3A_40 = %scan3A_27) -> (i32)  : i32 {
      %mul3A_41 = arith.constant 80 : i32
      %mul3A_42 = arith.muli %add3A, %mul3A_41 : i32
      %mul3A_43 = arith.constant 8 : i32
      %mul3A_44 = arith.muli %scan3A_39, %mul3A_43 : i32
      %add3A_45 = arith.addi %mul3A_42, %mul3A_44 : i32
      %mul3A_46 = arith.constant 2 : i32
      %mul3A_47 = arith.muli %mul3A_46, %add3A_45 : i32
      %multiple_of3A = tpu.assume_multiple %mul3A_47, 8 : i32
      "tpu.region"() ({
        %run_scoped3A = tpu.sem_alloc : memref<!tpu.dma_semaphore, #tpu.memory_space<semaphore_mem>>
        %dma_start3A_159 = arith.constant 0 : i32
        %dma_start3A_160 = tpu.memref_slice %arg2[%multiple_of3A, %dma_start3A_159] : memref<5120x128xi32, #tpu.memory_space<hbm>> -> memref<16x128xi32, #tpu.memory_space<hbm>>
        %dma_start3A_161 = arith.constant 0 : i32
        %dma_start3A_162 = tpu.memref_slice %arg2[%multiple_of3A, %dma_start3A_161] : memref<5120x128xi32, #tpu.memory_space<hbm>> -> memref<16x128xi32, #tpu.memory_space<hbm>>
        tpu.enqueue_dma source(%dma_start3A_162 : memref<16x128xi32, #tpu.memory_space<hbm>>) target(%arg4 : memref<16x128xi32, #tpu.memory_space<vmem>>) target_semaphore(%run_scoped3A : memref<!tpu.dma_semaphore, #tpu.memory_space<semaphore_mem>>)
        %dma_wait3A_163 = arith.constant 0 : i32
        %dma_wait3A_164 = tpu.memref_slice %arg2[%multiple_of3A, %dma_wait3A_163] : memref<5120x128xi32, #tpu.memory_space<hbm>> -> memref<16x128xi32, #tpu.memory_space<hbm>>
        %dma_wait3A_165 = arith.constant 0 : i32
        %dma_wait3A_166 = tpu.memref_slice %arg2[%multiple_of3A, %dma_wait3A_165] : memref<5120x128xi32, #tpu.memory_space<hbm>> -> memref<16x128xi32, #tpu.memory_space<hbm>>
        tpu.wait_dma2 semaphore(%run_scoped3A : memref<!tpu.dma_semaphore, #tpu.memory_space<semaphore_mem>>) src(%dma_wait3A_166 : memref<16x128xi32, #tpu.memory_space<hbm>>) dst(%arg4 : memref<16x128xi32, #tpu.memory_space<vmem>>)
        tpu.yield
      }) : () -> ()
      %dma_start3A = arith.constant 1 : i32
      %dma_start3A_48 = arith.constant 0 : i32
      %dma_start3A_49 = tpu.memref_slice %arg4[%dma_start3A, %dma_start3A_48] : memref<16x128xi32, #tpu.memory_space<vmem>> -> memref<1x128xi32, #tpu.memory_space<vmem>>
      %dma_start3A_50 = tpu.memref_squeeze %dma_start3A_49 : memref<1x128xi32, #tpu.memory_space<vmem>> -> memref<128xi32, #tpu.memory_space<vmem>>
      %dma_start3A_51 = arith.constant 0 : i32
      %dma_start3A_52 = arith.constant 0 : i32
      %dma_start3A_53 = tpu.memref_slice %arg7[%dma_start3A_51, %dma_start3A_52] : memref<10240x128xf32, #tpu.memory_space<vmem_shared>> -> memref<10240x128xf32, #tpu.memory_space<vmem_shared>>
      tpu.enqueue_indirect_dma source(%arg5 : memref<128x128xf32, #tpu.memory_space<vmem>>) target(%dma_start3A_53 : memref<10240x128xf32, #tpu.memory_space<vmem_shared>>) offsets(%dma_start3A_50 : memref<128xi32, #tpu.memory_space<vmem>>) semaphore(%arg8 : memref<!tpu.dma_semaphore, #tpu.memory_space<semaphore_mem>>) {add = true}
      %dma_start3A_54 = arith.constant 3 : i32
      %dma_start3A_55 = arith.constant 0 : i32
      %dma_start3A_56 = tpu.memref_slice %arg4[%dma_start3A_54, %dma_start3A_55] : memref<16x128xi32, #tpu.memory_space<vmem>> -> memref<1x128xi32, #tpu.memory_space<vmem>>
      %dma_start3A_57 = tpu.memref_squeeze %dma_start3A_56 : memref<1x128xi32, #tpu.memory_space<vmem>> -> memref<128xi32, #tpu.memory_space<vmem>>
      %dma_start3A_58 = arith.constant 0 : i32
      %dma_start3A_59 = arith.constant 0 : i32
      %dma_start3A_60 = tpu.memref_slice %arg7[%dma_start3A_58, %dma_start3A_59] : memref<10240x128xf32, #tpu.memory_space<vmem_shared>> -> memref<10240x128xf32, #tpu.memory_space<vmem_shared>>
      tpu.enqueue_indirect_dma source(%arg5 : memref<128x128xf32, #tpu.memory_space<vmem>>) target(%dma_start3A_60 : memref<10240x128xf32, #tpu.memory_space<vmem_shared>>) offsets(%dma_start3A_57 : memref<128xi32, #tpu.memory_space<vmem>>) semaphore(%arg8 : memref<!tpu.dma_semaphore, #tpu.memory_space<semaphore_mem>>) {add = true}
      %dma_start3A_61 = arith.constant 5 : i32
      %dma_start3A_62 = arith.constant 0 : i32
      %dma_start3A_63 = tpu.memref_slice %arg4[%dma_start3A_61, %dma_start3A_62] : memref<16x128xi32, #tpu.memory_space<vmem>> -> memref<1x128xi32, #tpu.memory_space<vmem>>
      %dma_start3A_64 = tpu.memref_squeeze %dma_start3A_63 : memref<1x128xi32, #tpu.memory_space<vmem>> -> memref<128xi32, #tpu.memory_space<vmem>>
      %dma_start3A_65 = arith.constant 0 : i32
      %dma_start3A_66 = arith.constant 0 : i32
      %dma_start3A_67 = tpu.memref_slice %arg7[%dma_start3A_65, %dma_start3A_66] : memref<10240x128xf32, #tpu.memory_space<vmem_shared>> -> memref<10240x128xf32, #tpu.memory_space<vmem_shared>>
      tpu.enqueue_indirect_dma source(%arg5 : memref<128x128xf32, #tpu.memory_space<vmem>>) target(%dma_start3A_67 : memref<10240x128xf32, #tpu.memory_space<vmem_shared>>) offsets(%dma_start3A_64 : memref<128xi32, #tpu.memory_space<vmem>>) semaphore(%arg8 : memref<!tpu.dma_semaphore, #tpu.memory_space<semaphore_mem>>) {add = true}
      %dma_start3A_68 = arith.constant 7 : i32
      %dma_start3A_69 = arith.constant 0 : i32
      %dma_start3A_70 = tpu.memref_slice %arg4[%dma_start3A_68, %dma_start3A_69] : memref<16x128xi32, #tpu.memory_space<vmem>> -> memref<1x128xi32, #tpu.memory_space<vmem>>
      %dma_start3A_71 = tpu.memref_squeeze %dma_start3A_70 : memref<1x128xi32, #tpu.memory_space<vmem>> -> memref<128xi32, #tpu.memory_space<vmem>>
      %dma_start3A_72 = arith.constant 0 : i32
      %dma_start3A_73 = arith.constant 0 : i32
      %dma_start3A_74 = tpu.memref_slice %arg7[%dma_start3A_72, %dma_start3A_73] : memref<10240x128xf32, #tpu.memory_space<vmem_shared>> -> memref<10240x128xf32, #tpu.memory_space<vmem_shared>>
      tpu.enqueue_indirect_dma source(%arg5 : memref<128x128xf32, #tpu.memory_space<vmem>>) target(%dma_start3A_74 : memref<10240x128xf32, #tpu.memory_space<vmem_shared>>) offsets(%dma_start3A_71 : memref<128xi32, #tpu.memory_space<vmem>>) semaphore(%arg8 : memref<!tpu.dma_semaphore, #tpu.memory_space<semaphore_mem>>) {add = true}
      %dma_start3A_75 = arith.constant 9 : i32
      %dma_start3A_76 = arith.constant 0 : i32
      %dma_start3A_77 = tpu.memref_slice %arg4[%dma_start3A_75, %dma_start3A_76] : memref<16x128xi32, #tpu.memory_space<vmem>> -> memref<1x128xi32, #tpu.memory_space<vmem>>
      %dma_start3A_78 = tpu.memref_squeeze %dma_start3A_77 : memref<1x128xi32, #tpu.memory_space<vmem>> -> memref<128xi32, #tpu.memory_space<vmem>>
      %dma_start3A_79 = arith.constant 0 : i32
      %dma_start3A_80 = arith.constant 0 : i32
      %dma_start3A_81 = tpu.memref_slice %arg7[%dma_start3A_79, %dma_start3A_80] : memref<10240x128xf32, #tpu.memory_space<vmem_shared>> -> memref<10240x128xf32, #tpu.memory_space<vmem_shared>>
      tpu.enqueue_indirect_dma source(%arg5 : memref<128x128xf32, #tpu.memory_space<vmem>>) target(%dma_start3A_81 : memref<10240x128xf32, #tpu.memory_space<vmem_shared>>) offsets(%dma_start3A_78 : memref<128xi32, #tpu.memory_space<vmem>>) semaphore(%arg8 : memref<!tpu.dma_semaphore, #tpu.memory_space<semaphore_mem>>) {add = true}
      %dma_start3A_82 = arith.constant 11 : i32
      %dma_start3A_83 = arith.constant 0 : i32
      %dma_start3A_84 = tpu.memref_slice %arg4[%dma_start3A_82, %dma_start3A_83] : memref<16x128xi32, #tpu.memory_space<vmem>> -> memref<1x128xi32, #tpu.memory_space<vmem>>
      %dma_start3A_85 = tpu.memref_squeeze %dma_start3A_84 : memref<1x128xi32, #tpu.memory_space<vmem>> -> memref<128xi32, #tpu.memory_space<vmem>>
      %dma_start3A_86 = arith.constant 0 : i32
      %dma_start3A_87 = arith.constant 0 : i32
      %dma_start3A_88 = tpu.memref_slice %arg7[%dma_start3A_86, %dma_start3A_87] : memref<10240x128xf32, #tpu.memory_space<vmem_shared>> -> memref<10240x128xf32, #tpu.memory_space<vmem_shared>>
      tpu.enqueue_indirect_dma source(%arg5 : memref<128x128xf32, #tpu.memory_space<vmem>>) target(%dma_start3A_88 : memref<10240x128xf32, #tpu.memory_space<vmem_shared>>) offsets(%dma_start3A_85 : memref<128xi32, #tpu.memory_space<vmem>>) semaphore(%arg8 : memref<!tpu.dma_semaphore, #tpu.memory_space<semaphore_mem>>) {add = true}
      %dma_start3A_89 = arith.constant 13 : i32
      %dma_start3A_90 = arith.constant 0 : i32
      %dma_start3A_91 = tpu.memref_slice %arg4[%dma_start3A_89, %dma_start3A_90] : memref<16x128xi32, #tpu.memory_space<vmem>> -> memref<1x128xi32, #tpu.memory_space<vmem>>
      %dma_start3A_92 = tpu.memref_squeeze %dma_start3A_91 : memref<1x128xi32, #tpu.memory_space<vmem>> -> memref<128xi32, #tpu.memory_space<vmem>>
      %dma_start3A_93 = arith.constant 0 : i32
      %dma_start3A_94 = arith.constant 0 : i32
      %dma_start3A_95 = tpu.memref_slice %arg7[%dma_start3A_93, %dma_start3A_94] : memref<10240x128xf32, #tpu.memory_space<vmem_shared>> -> memref<10240x128xf32, #tpu.memory_space<vmem_shared>>
      tpu.enqueue_indirect_dma source(%arg5 : memref<128x128xf32, #tpu.memory_space<vmem>>) target(%dma_start3A_95 : memref<10240x128xf32, #tpu.memory_space<vmem_shared>>) offsets(%dma_start3A_92 : memref<128xi32, #tpu.memory_space<vmem>>) semaphore(%arg8 : memref<!tpu.dma_semaphore, #tpu.memory_space<semaphore_mem>>) {add = true}
      %dma_start3A_96 = arith.constant 15 : i32
      %dma_start3A_97 = arith.constant 0 : i32
      %dma_start3A_98 = tpu.memref_slice %arg4[%dma_start3A_96, %dma_start3A_97] : memref<16x128xi32, #tpu.memory_space<vmem>> -> memref<1x128xi32, #tpu.memory_space<vmem>>
      %dma_start3A_99 = tpu.memref_squeeze %dma_start3A_98 : memref<1x128xi32, #tpu.memory_space<vmem>> -> memref<128xi32, #tpu.memory_space<vmem>>
      %dma_start3A_100 = arith.constant 0 : i32
      %dma_start3A_101 = arith.constant 0 : i32
      %dma_start3A_102 = tpu.memref_slice %arg7[%dma_start3A_100, %dma_start3A_101] : memref<10240x128xf32, #tpu.memory_space<vmem_shared>> -> memref<10240x128xf32, #tpu.memory_space<vmem_shared>>
      tpu.enqueue_indirect_dma source(%arg5 : memref<128x128xf32, #tpu.memory_space<vmem>>) target(%dma_start3A_102 : memref<10240x128xf32, #tpu.memory_space<vmem_shared>>) offsets(%dma_start3A_99 : memref<128xi32, #tpu.memory_space<vmem>>) semaphore(%arg8 : memref<!tpu.dma_semaphore, #tpu.memory_space<semaphore_mem>>) {add = true}
      %dma_wait3A = arith.constant 1 : i32
      %dma_wait3A_103 = arith.constant 0 : i32
      %dma_wait3A_104 = tpu.memref_slice %arg4[%dma_wait3A, %dma_wait3A_103] : memref<16x128xi32, #tpu.memory_space<vmem>> -> memref<1x128xi32, #tpu.memory_space<vmem>>
      %dma_wait3A_105 = tpu.memref_squeeze %dma_wait3A_104 : memref<1x128xi32, #tpu.memory_space<vmem>> -> memref<128xi32, #tpu.memory_space<vmem>>
      %dma_wait3A_106 = arith.constant 0 : i32
      %dma_wait3A_107 = arith.constant 0 : i32
      %dma_wait3A_108 = tpu.memref_slice %arg7[%dma_wait3A_106, %dma_wait3A_107] : memref<10240x128xf32, #tpu.memory_space<vmem_shared>> -> memref<10240x128xf32, #tpu.memory_space<vmem_shared>>
      tpu.wait_indirect_dma semaphore(%arg8 : memref<!tpu.dma_semaphore, #tpu.memory_space<semaphore_mem>>) src(%arg5 : memref<128x128xf32, #tpu.memory_space<vmem>>) dst(%dma_wait3A_108 : memref<10240x128xf32, #tpu.memory_space<vmem_shared>>)
      %dma_wait3A_109 = arith.constant 3 : i32
      %dma_wait3A_110 = arith.constant 0 : i32
      %dma_wait3A_111 = tpu.memref_slice %arg4[%dma_wait3A_109, %dma_wait3A_110] : memref<16x128xi32, #tpu.memory_space<vmem>> -> memref<1x128xi32, #tpu.memory_space<vmem>>
      %dma_wait3A_112 = tpu.memref_squeeze %dma_wait3A_111 : memref<1x128xi32, #tpu.memory_space<vmem>> -> memref<128xi32, #tpu.memory_space<vmem>>
      %dma_wait3A_113 = arith.constant 0 : i32
      %dma_wait3A_114 = arith.constant 0 : i32
      %dma_wait3A_115 = tpu.memref_slice %arg7[%dma_wait3A_113, %dma_wait3A_114] : memref<10240x128xf32, #tpu.memory_space<vmem_shared>> -> memref<10240x128xf32, #tpu.memory_space<vmem_shared>>
      tpu.wait_indirect_dma semaphore(%arg8 : memref<!tpu.dma_semaphore, #tpu.memory_space<semaphore_mem>>) src(%arg5 : memref<128x128xf32, #tpu.memory_space<vmem>>) dst(%dma_wait3A_115 : memref<10240x128xf32, #tpu.memory_space<vmem_shared>>)
      %dma_wait3A_116 = arith.constant 5 : i32
      %dma_wait3A_117 = arith.constant 0 : i32
      %dma_wait3A_118 = tpu.memref_slice %arg4[%dma_wait3A_116, %dma_wait3A_117] : memref<16x128xi32, #tpu.memory_space<vmem>> -> memref<1x128xi32, #tpu.memory_space<vmem>>
      %dma_wait3A_119 = tpu.memref_squeeze %dma_wait3A_118 : memref<1x128xi32, #tpu.memory_space<vmem>> -> memref<128xi32, #tpu.memory_space<vmem>>
      %dma_wait3A_120 = arith.constant 0 : i32
      %dma_wait3A_121 = arith.constant 0 : i32
      %dma_wait3A_122 = tpu.memref_slice %arg7[%dma_wait3A_120, %dma_wait3A_121] : memref<10240x128xf32, #tpu.memory_space<vmem_shared>> -> memref<10240x128xf32, #tpu.memory_space<vmem_shared>>
      tpu.wait_indirect_dma semaphore(%arg8 : memref<!tpu.dma_semaphore, #tpu.memory_space<semaphore_mem>>) src(%arg5 : memref<128x128xf32, #tpu.memory_space<vmem>>) dst(%dma_wait3A_122 : memref<10240x128xf32, #tpu.memory_space<vmem_shared>>)
      %dma_wait3A_123 = arith.constant 7 : i32
      %dma_wait3A_124 = arith.constant 0 : i32
      %dma_wait3A_125 = tpu.memref_slice %arg4[%dma_wait3A_123, %dma_wait3A_124] : memref<16x128xi32, #tpu.memory_space<vmem>> -> memref<1x128xi32, #tpu.memory_space<vmem>>
      %dma_wait3A_126 = tpu.memref_squeeze %dma_wait3A_125 : memref<1x128xi32, #tpu.memory_space<vmem>> -> memref<128xi32, #tpu.memory_space<vmem>>
      %dma_wait3A_127 = arith.constant 0 : i32
      %dma_wait3A_128 = arith.constant 0 : i32
      %dma_wait3A_129 = tpu.memref_slice %arg7[%dma_wait3A_127, %dma_wait3A_128] : memref<10240x128xf32, #tpu.memory_space<vmem_shared>> -> memref<10240x128xf32, #tpu.memory_space<vmem_shared>>
      tpu.wait_indirect_dma semaphore(%arg8 : memref<!tpu.dma_semaphore, #tpu.memory_space<semaphore_mem>>) src(%arg5 : memref<128x128xf32, #tpu.memory_space<vmem>>) dst(%dma_wait3A_129 : memref<10240x128xf32, #tpu.memory_space<vmem_shared>>)
      %dma_wait3A_130 = arith.constant 9 : i32
      %dma_wait3A_131 = arith.constant 0 : i32
      %dma_wait3A_132 = tpu.memref_slice %arg4[%dma_wait3A_130, %dma_wait3A_131] : memref<16x128xi32, #tpu.memory_space<vmem>> -> memref<1x128xi32, #tpu.memory_space<vmem>>
      %dma_wait3A_133 = tpu.memref_squeeze %dma_wait3A_132 : memref<1x128xi32, #tpu.memory_space<vmem>> -> memref<128xi32, #tpu.memory_space<vmem>>
      %dma_wait3A_134 = arith.constant 0 : i32
      %dma_wait3A_135 = arith.constant 0 : i32
      %dma_wait3A_136 = tpu.memref_slice %arg7[%dma_wait3A_134, %dma_wait3A_135] : memref<10240x128xf32, #tpu.memory_space<vmem_shared>> -> memref<10240x128xf32, #tpu.memory_space<vmem_shared>>
      tpu.wait_indirect_dma semaphore(%arg8 : memref<!tpu.dma_semaphore, #tpu.memory_space<semaphore_mem>>) src(%arg5 : memref<128x128xf32, #tpu.memory_space<vmem>>) dst(%dma_wait3A_136 : memref<10240x128xf32, #tpu.memory_space<vmem_shared>>)
      %dma_wait3A_137 = arith.constant 11 : i32
      %dma_wait3A_138 = arith.constant 0 : i32
      %dma_wait3A_139 = tpu.memref_slice %arg4[%dma_wait3A_137, %dma_wait3A_138] : memref<16x128xi32, #tpu.memory_space<vmem>> -> memref<1x128xi32, #tpu.memory_space<vmem>>
      %dma_wait3A_140 = tpu.memref_squeeze %dma_wait3A_139 : memref<1x128xi32, #tpu.memory_space<vmem>> -> memref<128xi32, #tpu.memory_space<vmem>>
      %dma_wait3A_141 = arith.constant 0 : i32
      %dma_wait3A_142 = arith.constant 0 : i32
      %dma_wait3A_143 = tpu.memref_slice %arg7[%dma_wait3A_141, %dma_wait3A_142] : memref<10240x128xf32, #tpu.memory_space<vmem_shared>> -> memref<10240x128xf32, #tpu.memory_space<vmem_shared>>
      tpu.wait_indirect_dma semaphore(%arg8 : memref<!tpu.dma_semaphore, #tpu.memory_space<semaphore_mem>>) src(%arg5 : memref<128x128xf32, #tpu.memory_space<vmem>>) dst(%dma_wait3A_143 : memref<10240x128xf32, #tpu.memory_space<vmem_shared>>)
      %dma_wait3A_144 = arith.constant 13 : i32
      %dma_wait3A_145 = arith.constant 0 : i32
      %dma_wait3A_146 = tpu.memref_slice %arg4[%dma_wait3A_144, %dma_wait3A_145] : memref<16x128xi32, #tpu.memory_space<vmem>> -> memref<1x128xi32, #tpu.memory_space<vmem>>
      %dma_wait3A_147 = tpu.memref_squeeze %dma_wait3A_146 : memref<1x128xi32, #tpu.memory_space<vmem>> -> memref<128xi32, #tpu.memory_space<vmem>>
      %dma_wait3A_148 = arith.constant 0 : i32
      %dma_wait3A_149 = arith.constant 0 : i32
      %dma_wait3A_150 = tpu.memref_slice %arg7[%dma_wait3A_148, %dma_wait3A_149] : memref<10240x128xf32, #tpu.memory_space<vmem_shared>> -> memref<10240x128xf32, #tpu.memory_space<vmem_shared>>
      tpu.wait_indirect_dma semaphore(%arg8 : memref<!tpu.dma_semaphore, #tpu.memory_space<semaphore_mem>>) src(%arg5 : memref<128x128xf32, #tpu.memory_space<vmem>>) dst(%dma_wait3A_150 : memref<10240x128xf32, #tpu.memory_space<vmem_shared>>)
      %dma_wait3A_151 = arith.constant 15 : i32
      %dma_wait3A_152 = arith.constant 0 : i32
      %dma_wait3A_153 = tpu.memref_slice %arg4[%dma_wait3A_151, %dma_wait3A_152] : memref<16x128xi32, #tpu.memory_space<vmem>> -> memref<1x128xi32, #tpu.memory_space<vmem>>
      %dma_wait3A_154 = tpu.memref_squeeze %dma_wait3A_153 : memref<1x128xi32, #tpu.memory_space<vmem>> -> memref<128xi32, #tpu.memory_space<vmem>>
      %dma_wait3A_155 = arith.constant 0 : i32
      %dma_wait3A_156 = arith.constant 0 : i32
      %dma_wait3A_157 = tpu.memref_slice %arg7[%dma_wait3A_155, %dma_wait3A_156] : memref<10240x128xf32, #tpu.memory_space<vmem_shared>> -> memref<10240x128xf32, #tpu.memory_space<vmem_shared>>
      tpu.wait_indirect_dma semaphore(%arg8 : memref<!tpu.dma_semaphore, #tpu.memory_space<semaphore_mem>>) src(%arg5 : memref<128x128xf32, #tpu.memory_space<vmem>>) dst(%dma_wait3A_157 : memref<10240x128xf32, #tpu.memory_space<vmem_shared>>)
      %scan3A_158 = arith.constant 0 : i32
      scf.yield %scan3A_158 : i32
    }
    %scan3A_33 = arith.constant 10 : i32
    %barrier3A_34 = arith.constant 0 : index
    tpu.barrier barrier_id(%barrier3A_34)
    %mul3A_35 = arith.constant 640 : i32
    %mul3A_36 = arith.muli %arg1, %mul3A_35 : i32
    %mul3A_37 = arith.constant 640 : i32
    %mul3A_38 = arith.muli %arg1, %mul3A_37 : i32
    "tpu.region"() ({
      %run_scoped3A = tpu.sem_alloc : memref<!tpu.dma_semaphore, #tpu.memory_space<semaphore_mem>>
      %dma_start3A = arith.constant 0 : i32
      %dma_start3A_39 = tpu.memref_slice %arg3[%arg0, %mul3A_38, %dma_start3A] : memref<2x10240x128xf32, #tpu.memory_space<hbm>> -> memref<1x640x128xf32, #tpu.memory_space<hbm>>
      %dma_start3A_40 = tpu.memref_squeeze %dma_start3A_39 : memref<1x640x128xf32, #tpu.memory_space<hbm>> -> memref<640x128xf32, #tpu.memory_space<hbm>>
      %dma_start3A_41 = arith.constant 0 : i32
      %dma_start3A_42 = tpu.memref_slice %arg7[%mul3A_36, %dma_start3A_41] : memref<10240x128xf32, #tpu.memory_space<vmem_shared>> -> memref<640x128xf32, #tpu.memory_space<vmem_shared>>
      tpu.enqueue_dma source(%dma_start3A_42 : memref<640x128xf32, #tpu.memory_space<vmem_shared>>) target(%dma_start3A_40 : memref<640x128xf32, #tpu.memory_space<hbm>>) target_semaphore(%run_scoped3A : memref<!tpu.dma_semaphore, #tpu.memory_space<semaphore_mem>>)
      %dma_wait3A = arith.constant 0 : i32
      %dma_wait3A_43 = tpu.memref_slice %arg3[%arg0, %mul3A_38, %dma_wait3A] : memref<2x10240x128xf32, #tpu.memory_space<hbm>> -> memref<1x640x128xf32, #tpu.memory_space<hbm>>
      %dma_wait3A_44 = tpu.memref_squeeze %dma_wait3A_43 : memref<1x640x128xf32, #tpu.memory_space<hbm>> -> memref<640x128xf32, #tpu.memory_space<hbm>>
      %dma_wait3A_45 = arith.constant 0 : i32
      %dma_wait3A_46 = tpu.memref_slice %arg7[%mul3A_36, %dma_wait3A_45] : memref<10240x128xf32, #tpu.memory_space<vmem_shared>> -> memref<640x128xf32, #tpu.memory_space<vmem_shared>>
      tpu.wait_dma2 semaphore(%run_scoped3A : memref<!tpu.dma_semaphore, #tpu.memory_space<semaphore_mem>>) src(%dma_wait3A_46 : memref<640x128xf32, #tpu.memory_space<vmem_shared>>) dst(%dma_wait3A_44 : memref<640x128xf32, #tpu.memory_space<hbm>>)
      tpu.yield
    }) : () -> ()
    return
  }
}

#map = affine_map<(d0, d1) -> (0)>
#map1 = affine_map<(d0, d1) -> (0, 0)>
#map2 = affine_map<(d0, d1) -> (0, 0, 0)>
module attributes {stable_mosaic.version = 14 : i64} {
  func.func @_agg_sc(%arg0: i32, %arg1: i32, %arg2: memref<320000xi32, #tpu.memory_space<hbm>>, %arg3: memref<320000xi32, #tpu.memory_space<hbm>>, %arg4: memref<10000x128xf32, #tpu.memory_space<hbm>>, %arg5: memref<2x10240x128xf32, #tpu.memory_space<hbm>>, %arg6: memref<80xi32, #tpu.memory_space<vmem>>, %arg7: memref<80xi32, #tpu.memory_space<vmem>>, %arg8: memref<80x128xf32, #tpu.memory_space<vmem>>, %arg9: memref<128x128xf32, #tpu.memory_space<vmem>>, %arg10: memref<10240x128xf32, #tpu.memory_space<vmem_shared>>, %arg11: memref<!tpu.dma_semaphore, #tpu.memory_space<semaphore_mem>>) attributes {dimension_semantics = [#tpu.dimension_semantics<core_parallel>, #tpu.dimension_semantics<subcore_parallel>], iteration_bounds = array<i64: 2, 16>, scalar_prefetch = 0 : i64, scratch_operands = 6 : i64, tpu.core_type = #tpu.core_type<sc_vector_subcore>, window_params = [{transform_indices = #map}, {transform_indices = #map}, {transform_indices = #map1}, {transform_indices = #map2}]} {
    %scan3A = arith.constant 0 : i32
    %scan3A_0 = arith.constant 0 : i32
    %scan3A_1 = arith.constant 128 : i32
    %scan3A_2 = arith.addi %scan3A_0, %scan3A_1 : i32
    %scan3A_3 = arith.constant 1 : i32
    %scan3A_4 = scf.for %scan3A_41 = %scan3A_0 to %scan3A_2 step %scan3A_3 iter_args(%scan3A_42 = %scan3A) -> (i32)  : i32 {
      %broadcast_in_dim3A = arith.constant 0.000000e+00 : f32
      %broadcast_in_dim3A_43 = vector.broadcast %broadcast_in_dim3A : f32 to vector<16xf32>
      %swap3A = arith.index_cast %scan3A_41 : i32 to index
      %swap3A_44 = arith.constant 0 : index
      %swap3A_45 = tpu.vector_load %arg9[%swap3A, %swap3A_44] {strides = array<i32>} : memref<128x128xf32, #tpu.memory_space<vmem>>, vector<1x16xf32>,
      %swap3A_46 = vector.shape_cast %swap3A_45 : vector<1x16xf32> to vector<16xf32>
      %swap3A_47 = vector.shape_cast %broadcast_in_dim3A_43 : vector<16xf32> to vector<1x16xf32>
      tpu.vector_store %arg9[%swap3A, %swap3A_44], %swap3A_47 {strides = array<i32>} : memref<128x128xf32, #tpu.memory_space<vmem>>, vector<1x16xf32>,
      %broadcast_in_dim3A_48 = arith.constant 0.000000e+00 : f32
      %broadcast_in_dim3A_49 = vector.broadcast %broadcast_in_dim3A_48 : f32 to vector<16xf32>
      %swap3A_50 = arith.index_cast %scan3A_41 : i32 to index
      %swap3A_51 = arith.constant 16 : index
      %swap3A_52 = tpu.vector_load %arg9[%swap3A_50, %swap3A_51] {strides = array<i32>} : memref<128x128xf32, #tpu.memory_space<vmem>>, vector<1x16xf32>,
      %swap3A_53 = vector.shape_cast %swap3A_52 : vector<1x16xf32> to vector<16xf32>
      %swap3A_54 = vector.shape_cast %broadcast_in_dim3A_49 : vector<16xf32> to vector<1x16xf32>
      tpu.vector_store %arg9[%swap3A_50, %swap3A_51], %swap3A_54 {strides = array<i32>} : memref<128x128xf32, #tpu.memory_space<vmem>>, vector<1x16xf32>,
      %broadcast_in_dim3A_55 = arith.constant 0.000000e+00 : f32
      %broadcast_in_dim3A_56 = vector.broadcast %broadcast_in_dim3A_55 : f32 to vector<16xf32>
      %swap3A_57 = arith.index_cast %scan3A_41 : i32 to index
      %swap3A_58 = arith.constant 32 : index
      %swap3A_59 = tpu.vector_load %arg9[%swap3A_57, %swap3A_58] {strides = array<i32>} : memref<128x128xf32, #tpu.memory_space<vmem>>, vector<1x16xf32>,
      %swap3A_60 = vector.shape_cast %swap3A_59 : vector<1x16xf32> to vector<16xf32>
      %swap3A_61 = vector.shape_cast %broadcast_in_dim3A_56 : vector<16xf32> to vector<1x16xf32>
      tpu.vector_store %arg9[%swap3A_57, %swap3A_58], %swap3A_61 {strides = array<i32>} : memref<128x128xf32, #tpu.memory_space<vmem>>, vector<1x16xf32>,
      %broadcast_in_dim3A_62 = arith.constant 0.000000e+00 : f32
      %broadcast_in_dim3A_63 = vector.broadcast %broadcast_in_dim3A_62 : f32 to vector<16xf32>
      %swap3A_64 = arith.index_cast %scan3A_41 : i32 to index
      %swap3A_65 = arith.constant 48 : index
      %swap3A_66 = tpu.vector_load %arg9[%swap3A_64, %swap3A_65] {strides = array<i32>} : memref<128x128xf32, #tpu.memory_space<vmem>>, vector<1x16xf32>,
      %swap3A_67 = vector.shape_cast %swap3A_66 : vector<1x16xf32> to vector<16xf32>
      %swap3A_68 = vector.shape_cast %broadcast_in_dim3A_63 : vector<16xf32> to vector<1x16xf32>
      tpu.vector_store %arg9[%swap3A_64, %swap3A_65], %swap3A_68 {strides = array<i32>} : memref<128x128xf32, #tpu.memory_space<vmem>>, vector<1x16xf32>,
      %broadcast_in_dim3A_69 = arith.constant 0.000000e+00 : f32
      %broadcast_in_dim3A_70 = vector.broadcast %broadcast_in_dim3A_69 : f32 to vector<16xf32>
      %swap3A_71 = arith.index_cast %scan3A_41 : i32 to index
      %swap3A_72 = arith.constant 64 : index
      %swap3A_73 = tpu.vector_load %arg9[%swap3A_71, %swap3A_72] {strides = array<i32>} : memref<128x128xf32, #tpu.memory_space<vmem>>, vector<1x16xf32>,
      %swap3A_74 = vector.shape_cast %swap3A_73 : vector<1x16xf32> to vector<16xf32>
      %swap3A_75 = vector.shape_cast %broadcast_in_dim3A_70 : vector<16xf32> to vector<1x16xf32>
      tpu.vector_store %arg9[%swap3A_71, %swap3A_72], %swap3A_75 {strides = array<i32>} : memref<128x128xf32, #tpu.memory_space<vmem>>, vector<1x16xf32>,
      %broadcast_in_dim3A_76 = arith.constant 0.000000e+00 : f32
      %broadcast_in_dim3A_77 = vector.broadcast %broadcast_in_dim3A_76 : f32 to vector<16xf32>
      %swap3A_78 = arith.index_cast %scan3A_41 : i32 to index
      %swap3A_79 = arith.constant 80 : index
      %swap3A_80 = tpu.vector_load %arg9[%swap3A_78, %swap3A_79] {strides = array<i32>} : memref<128x128xf32, #tpu.memory_space<vmem>>, vector<1x16xf32>,
      %swap3A_81 = vector.shape_cast %swap3A_80 : vector<1x16xf32> to vector<16xf32>
      %swap3A_82 = vector.shape_cast %broadcast_in_dim3A_77 : vector<16xf32> to vector<1x16xf32>
      tpu.vector_store %arg9[%swap3A_78, %swap3A_79], %swap3A_82 {strides = array<i32>} : memref<128x128xf32, #tpu.memory_space<vmem>>, vector<1x16xf32>,
      %broadcast_in_dim3A_83 = arith.constant 0.000000e+00 : f32
      %broadcast_in_dim3A_84 = vector.broadcast %broadcast_in_dim3A_83 : f32 to vector<16xf32>
      %swap3A_85 = arith.index_cast %scan3A_41 : i32 to index
      %swap3A_86 = arith.constant 96 : index
      %swap3A_87 = tpu.vector_load %arg9[%swap3A_85, %swap3A_86] {strides = array<i32>} : memref<128x128xf32, #tpu.memory_space<vmem>>, vector<1x16xf32>,
      %swap3A_88 = vector.shape_cast %swap3A_87 : vector<1x16xf32> to vector<16xf32>
      %swap3A_89 = vector.shape_cast %broadcast_in_dim3A_84 : vector<16xf32> to vector<1x16xf32>
      tpu.vector_store %arg9[%swap3A_85, %swap3A_86], %swap3A_89 {strides = array<i32>} : memref<128x128xf32, #tpu.memory_space<vmem>>, vector<1x16xf32>,
      %broadcast_in_dim3A_90 = arith.constant 0.000000e+00 : f32
      %broadcast_in_dim3A_91 = vector.broadcast %broadcast_in_dim3A_90 : f32 to vector<16xf32>
      %swap3A_92 = arith.index_cast %scan3A_41 : i32 to index
      %swap3A_93 = arith.constant 112 : index
      %swap3A_94 = tpu.vector_load %arg9[%swap3A_92, %swap3A_93] {strides = array<i32>} : memref<128x128xf32, #tpu.memory_space<vmem>>, vector<1x16xf32>,
      %swap3A_95 = vector.shape_cast %swap3A_94 : vector<1x16xf32> to vector<16xf32>
      %swap3A_96 = vector.shape_cast %broadcast_in_dim3A_91 : vector<16xf32> to vector<1x16xf32>
      tpu.vector_store %arg9[%swap3A_92, %swap3A_93], %swap3A_96 {strides = array<i32>} : memref<128x128xf32, #tpu.memory_space<vmem>>, vector<1x16xf32>,
      %scan3A_97 = arith.constant 0 : i32
      scf.yield %scan3A_97 : i32
    }
    %scan3A_5 = arith.constant 128 : i32
    %mul3A = arith.constant 640 : i32
    %mul3A_6 = arith.muli %arg1, %mul3A : i32
    %add3A = arith.constant 0 : i32
    %add3A_7 = arith.addi %mul3A_6, %add3A : i32
    "tpu.region"() ({
      %run_scoped3A = tpu.sem_alloc : memref<!tpu.dma_semaphore, #tpu.memory_space<semaphore_mem>>
      %dma_start3A = arith.constant 0 : i32
      %dma_start3A_41 = tpu.memref_slice %arg10[%add3A_7, %dma_start3A] : memref<10240x128xf32, #tpu.memory_space<vmem_shared>> -> memref<128x128xf32, #tpu.memory_space<vmem_shared>>
      %dma_start3A_42 = arith.constant 0 : i32
      %dma_start3A_43 = tpu.memref_slice %arg10[%add3A_7, %dma_start3A_42] : memref<10240x128xf32, #tpu.memory_space<vmem_shared>> -> memref<128x128xf32, #tpu.memory_space<vmem_shared>>
      tpu.enqueue_dma source(%arg9 : memref<128x128xf32, #tpu.memory_space<vmem>>) target(%dma_start3A_43 : memref<128x128xf32, #tpu.memory_space<vmem_shared>>) target_semaphore(%run_scoped3A : memref<!tpu.dma_semaphore, #tpu.memory_space<semaphore_mem>>)
      %dma_wait3A = arith.constant 0 : i32
      %dma_wait3A_44 = tpu.memref_slice %arg10[%add3A_7, %dma_wait3A] : memref<10240x128xf32, #tpu.memory_space<vmem_shared>> -> memref<128x128xf32, #tpu.memory_space<vmem_shared>>
      %dma_wait3A_45 = arith.constant 0 : i32
      %dma_wait3A_46 = tpu.memref_slice %arg10[%add3A_7, %dma_wait3A_45] : memref<10240x128xf32, #tpu.memory_space<vmem_shared>> -> memref<128x128xf32, #tpu.memory_space<vmem_shared>>
      tpu.wait_dma2 semaphore(%run_scoped3A : memref<!tpu.dma_semaphore, #tpu.memory_space<semaphore_mem>>) src(%arg9 : memref<128x128xf32, #tpu.memory_space<vmem>>) dst(%dma_wait3A_46 : memref<128x128xf32, #tpu.memory_space<vmem_shared>>)
      tpu.yield
    }) : () -> ()
    %mul3A_8 = arith.constant 640 : i32
    %mul3A_9 = arith.muli %arg1, %mul3A_8 : i32
    %add3A_10 = arith.constant 128 : i32
    %add3A_11 = arith.addi %mul3A_9, %add3A_10 : i32
    "tpu.region"() ({
      %run_scoped3A = tpu.sem_alloc : memref<!tpu.dma_semaphore, #tpu.memory_space<semaphore_mem>>
      %dma_start3A = arith.constant 0 : i32
      %dma_start3A_41 = tpu.memref_slice %arg10[%add3A_11, %dma_start3A] : memref<10240x128xf32, #tpu.memory_space<vmem_shared>> -> memref<128x128xf32, #tpu.memory_space<vmem_shared>>
      %dma_start3A_42 = arith.constant 0 : i32
      %dma_start3A_43 = tpu.memref_slice %arg10[%add3A_11, %dma_start3A_42] : memref<10240x128xf32, #tpu.memory_space<vmem_shared>> -> memref<128x128xf32, #tpu.memory_space<vmem_shared>>
      tpu.enqueue_dma source(%arg9 : memref<128x128xf32, #tpu.memory_space<vmem>>) target(%dma_start3A_43 : memref<128x128xf32, #tpu.memory_space<vmem_shared>>) target_semaphore(%run_scoped3A : memref<!tpu.dma_semaphore, #tpu.memory_space<semaphore_mem>>)
      %dma_wait3A = arith.constant 0 : i32
      %dma_wait3A_44 = tpu.memref_slice %arg10[%add3A_11, %dma_wait3A] : memref<10240x128xf32, #tpu.memory_space<vmem_shared>> -> memref<128x128xf32, #tpu.memory_space<vmem_shared>>
      %dma_wait3A_45 = arith.constant 0 : i32
      %dma_wait3A_46 = tpu.memref_slice %arg10[%add3A_11, %dma_wait3A_45] : memref<10240x128xf32, #tpu.memory_space<vmem_shared>> -> memref<128x128xf32, #tpu.memory_space<vmem_shared>>
      tpu.wait_dma2 semaphore(%run_scoped3A : memref<!tpu.dma_semaphore, #tpu.memory_space<semaphore_mem>>) src(%arg9 : memref<128x128xf32, #tpu.memory_space<vmem>>) dst(%dma_wait3A_46 : memref<128x128xf32, #tpu.memory_space<vmem_shared>>)
      tpu.yield
    }) : () -> ()
    %mul3A_12 = arith.constant 640 : i32
    %mul3A_13 = arith.muli %arg1, %mul3A_12 : i32
    %add3A_14 = arith.constant 256 : i32
    %add3A_15 = arith.addi %mul3A_13, %add3A_14 : i32
    "tpu.region"() ({
      %run_scoped3A = tpu.sem_alloc : memref<!tpu.dma_semaphore, #tpu.memory_space<semaphore_mem>>
      %dma_start3A = arith.constant 0 : i32
      %dma_start3A_41 = tpu.memref_slice %arg10[%add3A_15, %dma_start3A] : memref<10240x128xf32, #tpu.memory_space<vmem_shared>> -> memref<128x128xf32, #tpu.memory_space<vmem_shared>>
      %dma_start3A_42 = arith.constant 0 : i32
      %dma_start3A_43 = tpu.memref_slice %arg10[%add3A_15, %dma_start3A_42] : memref<10240x128xf32, #tpu.memory_space<vmem_shared>> -> memref<128x128xf32, #tpu.memory_space<vmem_shared>>
      tpu.enqueue_dma source(%arg9 : memref<128x128xf32, #tpu.memory_space<vmem>>) target(%dma_start3A_43 : memref<128x128xf32, #tpu.memory_space<vmem_shared>>) target_semaphore(%run_scoped3A : memref<!tpu.dma_semaphore, #tpu.memory_space<semaphore_mem>>)
      %dma_wait3A = arith.constant 0 : i32
      %dma_wait3A_44 = tpu.memref_slice %arg10[%add3A_15, %dma_wait3A] : memref<10240x128xf32, #tpu.memory_space<vmem_shared>> -> memref<128x128xf32, #tpu.memory_space<vmem_shared>>
      %dma_wait3A_45 = arith.constant 0 : i32
      %dma_wait3A_46 = tpu.memref_slice %arg10[%add3A_15, %dma_wait3A_45] : memref<10240x128xf32, #tpu.memory_space<vmem_shared>> -> memref<128x128xf32, #tpu.memory_space<vmem_shared>>
      tpu.wait_dma2 semaphore(%run_scoped3A : memref<!tpu.dma_semaphore, #tpu.memory_space<semaphore_mem>>) src(%arg9 : memref<128x128xf32, #tpu.memory_space<vmem>>) dst(%dma_wait3A_46 : memref<128x128xf32, #tpu.memory_space<vmem_shared>>)
      tpu.yield
    }) : () -> ()
    %mul3A_16 = arith.constant 640 : i32
    %mul3A_17 = arith.muli %arg1, %mul3A_16 : i32
    %add3A_18 = arith.constant 384 : i32
    %add3A_19 = arith.addi %mul3A_17, %add3A_18 : i32
    "tpu.region"() ({
      %run_scoped3A = tpu.sem_alloc : memref<!tpu.dma_semaphore, #tpu.memory_space<semaphore_mem>>
      %dma_start3A = arith.constant 0 : i32
      %dma_start3A_41 = tpu.memref_slice %arg10[%add3A_19, %dma_start3A] : memref<10240x128xf32, #tpu.memory_space<vmem_shared>> -> memref<128x128xf32, #tpu.memory_space<vmem_shared>>
      %dma_start3A_42 = arith.constant 0 : i32
      %dma_start3A_43 = tpu.memref_slice %arg10[%add3A_19, %dma_start3A_42] : memref<10240x128xf32, #tpu.memory_space<vmem_shared>> -> memref<128x128xf32, #tpu.memory_space<vmem_shared>>
      tpu.enqueue_dma source(%arg9 : memref<128x128xf32, #tpu.memory_space<vmem>>) target(%dma_start3A_43 : memref<128x128xf32, #tpu.memory_space<vmem_shared>>) target_semaphore(%run_scoped3A : memref<!tpu.dma_semaphore, #tpu.memory_space<semaphore_mem>>)
      %dma_wait3A = arith.constant 0 : i32
      %dma_wait3A_44 = tpu.memref_slice %arg10[%add3A_19, %dma_wait3A] : memref<10240x128xf32, #tpu.memory_space<vmem_shared>> -> memref<128x128xf32, #tpu.memory_space<vmem_shared>>
      %dma_wait3A_45 = arith.constant 0 : i32
      %dma_wait3A_46 = tpu.memref_slice %arg10[%add3A_19, %dma_wait3A_45] : memref<10240x128xf32, #tpu.memory_space<vmem_shared>> -> memref<128x128xf32, #tpu.memory_space<vmem_shared>>
      tpu.wait_dma2 semaphore(%run_scoped3A : memref<!tpu.dma_semaphore, #tpu.memory_space<semaphore_mem>>) src(%arg9 : memref<128x128xf32, #tpu.memory_space<vmem>>) dst(%dma_wait3A_46 : memref<128x128xf32, #tpu.memory_space<vmem_shared>>)
      tpu.yield
    }) : () -> ()
    %mul3A_20 = arith.constant 640 : i32
    %mul3A_21 = arith.muli %arg1, %mul3A_20 : i32
    %add3A_22 = arith.constant 512 : i32
    %add3A_23 = arith.addi %mul3A_21, %add3A_22 : i32
    "tpu.region"() ({
      %run_scoped3A = tpu.sem_alloc : memref<!tpu.dma_semaphore, #tpu.memory_space<semaphore_mem>>
      %dma_start3A = arith.constant 0 : i32
      %dma_start3A_41 = tpu.memref_slice %arg10[%add3A_23, %dma_start3A] : memref<10240x128xf32, #tpu.memory_space<vmem_shared>> -> memref<128x128xf32, #tpu.memory_space<vmem_shared>>
      %dma_start3A_42 = arith.constant 0 : i32
      %dma_start3A_43 = tpu.memref_slice %arg10[%add3A_23, %dma_start3A_42] : memref<10240x128xf32, #tpu.memory_space<vmem_shared>> -> memref<128x128xf32, #tpu.memory_space<vmem_shared>>
      tpu.enqueue_dma source(%arg9 : memref<128x128xf32, #tpu.memory_space<vmem>>) target(%dma_start3A_43 : memref<128x128xf32, #tpu.memory_space<vmem_shared>>) target_semaphore(%run_scoped3A : memref<!tpu.dma_semaphore, #tpu.memory_space<semaphore_mem>>)
      %dma_wait3A = arith.constant 0 : i32
      %dma_wait3A_44 = tpu.memref_slice %arg10[%add3A_23, %dma_wait3A] : memref<10240x128xf32, #tpu.memory_space<vmem_shared>> -> memref<128x128xf32, #tpu.memory_space<vmem_shared>>
      %dma_wait3A_45 = arith.constant 0 : i32
      %dma_wait3A_46 = tpu.memref_slice %arg10[%add3A_23, %dma_wait3A_45] : memref<10240x128xf32, #tpu.memory_space<vmem_shared>> -> memref<128x128xf32, #tpu.memory_space<vmem_shared>>
      tpu.wait_dma2 semaphore(%run_scoped3A : memref<!tpu.dma_semaphore, #tpu.memory_space<semaphore_mem>>) src(%arg9 : memref<128x128xf32, #tpu.memory_space<vmem>>) dst(%dma_wait3A_46 : memref<128x128xf32, #tpu.memory_space<vmem_shared>>)
      tpu.yield
    }) : () -> ()
    %barrier3A = arith.constant 0 : index
    tpu.barrier barrier_id(%barrier3A)
    %mul3A_24 = arith.constant 16 : i32
    %mul3A_25 = arith.muli %arg0, %mul3A_24 : i32
    %add3A_26 = arith.addi %mul3A_25, %arg1 : i32
    %mul3A_27 = arith.constant 10000 : i32
    %mul3A_28 = arith.muli %add3A_26, %mul3A_27 : i32
    %scan3A_29 = arith.constant 0 : i32
    %scan3A_30 = arith.constant 0 : i32
    %scan3A_31 = arith.constant 125 : i32
    %scan3A_32 = arith.addi %scan3A_30, %scan3A_31 : i32
    %scan3A_33 = arith.constant 1 : i32
    %scan3A_34 = scf.for %scan3A_41 = %scan3A_30 to %scan3A_32 step %scan3A_33 iter_args(%scan3A_42 = %scan3A_29) -> (i32)  : i32 {
      %mul3A_43 = arith.constant 80 : i32
      %mul3A_44 = arith.muli %scan3A_41, %mul3A_43 : i32
      %add3A_45 = arith.addi %mul3A_28, %mul3A_44 : i32
      %multiple_of3A = tpu.assume_multiple %add3A_45, 8 : i32
      "tpu.region"() ({
        %run_scoped3A = tpu.sem_alloc : memref<!tpu.dma_semaphore, #tpu.memory_space<semaphore_mem>>
        %dma_start3A_51 = tpu.memref_slice %arg2[%multiple_of3A] : memref<320000xi32, #tpu.memory_space<hbm>> -> memref<80xi32, #tpu.memory_space<hbm>>
        %dma_start3A_52 = tpu.memref_slice %arg2[%multiple_of3A] : memref<320000xi32, #tpu.memory_space<hbm>> -> memref<80xi32, #tpu.memory_space<hbm>>
        tpu.enqueue_dma source(%dma_start3A_52 : memref<80xi32, #tpu.memory_space<hbm>>) target(%arg6 : memref<80xi32, #tpu.memory_space<vmem>>) target_semaphore(%run_scoped3A : memref<!tpu.dma_semaphore, #tpu.memory_space<semaphore_mem>>)
        %dma_wait3A_53 = tpu.memref_slice %arg2[%multiple_of3A] : memref<320000xi32, #tpu.memory_space<hbm>> -> memref<80xi32, #tpu.memory_space<hbm>>
        %dma_wait3A_54 = tpu.memref_slice %arg2[%multiple_of3A] : memref<320000xi32, #tpu.memory_space<hbm>> -> memref<80xi32, #tpu.memory_space<hbm>>
        tpu.wait_dma2 semaphore(%run_scoped3A : memref<!tpu.dma_semaphore, #tpu.memory_space<semaphore_mem>>) src(%dma_wait3A_54 : memref<80xi32, #tpu.memory_space<hbm>>) dst(%arg6 : memref<80xi32, #tpu.memory_space<vmem>>)
        tpu.yield
      }) : () -> ()
      "tpu.region"() ({
        %run_scoped3A = tpu.sem_alloc : memref<!tpu.dma_semaphore, #tpu.memory_space<semaphore_mem>>
        %dma_start3A_51 = tpu.memref_slice %arg3[%multiple_of3A] : memref<320000xi32, #tpu.memory_space<hbm>> -> memref<80xi32, #tpu.memory_space<hbm>>
        %dma_start3A_52 = tpu.memref_slice %arg3[%multiple_of3A] : memref<320000xi32, #tpu.memory_space<hbm>> -> memref<80xi32, #tpu.memory_space<hbm>>
        tpu.enqueue_dma source(%dma_start3A_52 : memref<80xi32, #tpu.memory_space<hbm>>) target(%arg7 : memref<80xi32, #tpu.memory_space<vmem>>) target_semaphore(%run_scoped3A : memref<!tpu.dma_semaphore, #tpu.memory_space<semaphore_mem>>)
        %dma_wait3A_53 = tpu.memref_slice %arg3[%multiple_of3A] : memref<320000xi32, #tpu.memory_space<hbm>> -> memref<80xi32, #tpu.memory_space<hbm>>
        %dma_wait3A_54 = tpu.memref_slice %arg3[%multiple_of3A] : memref<320000xi32, #tpu.memory_space<hbm>> -> memref<80xi32, #tpu.memory_space<hbm>>
        tpu.wait_dma2 semaphore(%run_scoped3A : memref<!tpu.dma_semaphore, #tpu.memory_space<semaphore_mem>>) src(%dma_wait3A_54 : memref<80xi32, #tpu.memory_space<hbm>>) dst(%arg7 : memref<80xi32, #tpu.memory_space<vmem>>)
        tpu.yield
      }) : () -> ()
      %dma_start3A = arith.constant 0 : i32
      %dma_start3A_46 = arith.constant 0 : i32
      %dma_start3A_47 = tpu.memref_slice %arg4[%dma_start3A, %dma_start3A_46] : memref<10000x128xf32, #tpu.memory_space<hbm>> -> memref<10000x128xf32, #tpu.memory_space<hbm>>
      tpu.enqueue_indirect_dma source(%dma_start3A_47 : memref<10000x128xf32, #tpu.memory_space<hbm>>) target(%arg8 : memref<80x128xf32, #tpu.memory_space<vmem>>) offsets(%arg6 : memref<80xi32, #tpu.memory_space<vmem>>) semaphore(%arg11 : memref<!tpu.dma_semaphore, #tpu.memory_space<semaphore_mem>>)
      %dma_wait3A = arith.constant 0 : i32
      %dma_wait3A_48 = arith.constant 0 : i32
      %dma_wait3A_49 = tpu.memref_slice %arg4[%dma_wait3A, %dma_wait3A_48] : memref<10000x128xf32, #tpu.memory_space<hbm>> -> memref<10000x128xf32, #tpu.memory_space<hbm>>
      tpu.wait_indirect_dma semaphore(%arg11 : memref<!tpu.dma_semaphore, #tpu.memory_space<semaphore_mem>>) src(%dma_wait3A_49 : memref<10000x128xf32, #tpu.memory_space<hbm>>) dst(%arg8 : memref<80x128xf32, #tpu.memory_space<vmem>>)
      "tpu.region"() ({
        %run_scoped3A = tpu.sem_alloc : memref<!tpu.dma_semaphore, #tpu.memory_space<semaphore_mem>>
        %dma_start3A_51 = arith.constant 0 : i32
        %dma_start3A_52 = arith.constant 0 : i32
        %dma_start3A_53 = tpu.memref_slice %arg10[%dma_start3A_51, %dma_start3A_52] : memref<10240x128xf32, #tpu.memory_space<vmem_shared>> -> memref<10240x128xf32, #tpu.memory_space<vmem_shared>>
        tpu.enqueue_indirect_dma source(%arg8 : memref<80x128xf32, #tpu.memory_space<vmem>>) target(%dma_start3A_53 : memref<10240x128xf32, #tpu.memory_space<vmem_shared>>) offsets(%arg7 : memref<80xi32, #tpu.memory_space<vmem>>) semaphore(%run_scoped3A : memref<!tpu.dma_semaphore, #tpu.memory_space<semaphore_mem>>) {add = true}
        %dma_wait3A_54 = arith.constant 0 : i32
        %dma_wait3A_55 = arith.constant 0 : i32
        %dma_wait3A_56 = tpu.memref_slice %arg10[%dma_wait3A_54, %dma_wait3A_55] : memref<10240x128xf32, #tpu.memory_space<vmem_shared>> -> memref<10240x128xf32, #tpu.memory_space<vmem_shared>>
        tpu.wait_indirect_dma semaphore(%run_scoped3A : memref<!tpu.dma_semaphore, #tpu.memory_space<semaphore_mem>>) src(%arg8 : memref<80x128xf32, #tpu.memory_space<vmem>>) dst(%dma_wait3A_56 : memref<10240x128xf32, #tpu.memory_space<vmem_shared>>)
        tpu.yield
      }) : () -> ()
      %scan3A_50 = arith.constant 0 : i32
      scf.yield %scan3A_50 : i32
    }
    %scan3A_35 = arith.constant 125 : i32
    %barrier3A_36 = arith.constant 0 : index
    tpu.barrier barrier_id(%barrier3A_36)
    %mul3A_37 = arith.constant 640 : i32
    %mul3A_38 = arith.muli %arg1, %mul3A_37 : i32
    %mul3A_39 = arith.constant 640 : i32
    %mul3A_40 = arith.muli %arg1, %mul3A_39 : i32
    "tpu.region"() ({
      %run_scoped3A = tpu.sem_alloc : memref<!tpu.dma_semaphore, #tpu.memory_space<semaphore_mem>>
      %dma_start3A = arith.constant 0 : i32
      %dma_start3A_41 = tpu.memref_slice %arg5[%arg0, %mul3A_40, %dma_start3A] : memref<2x10240x128xf32, #tpu.memory_space<hbm>> -> memref<1x640x128xf32, #tpu.memory_space<hbm>>
      %dma_start3A_42 = tpu.memref_squeeze %dma_start3A_41 : memref<1x640x128xf32, #tpu.memory_space<hbm>> -> memref<640x128xf32, #tpu.memory_space<hbm>>
      %dma_start3A_43 = arith.constant 0 : i32
      %dma_start3A_44 = tpu.memref_slice %arg10[%mul3A_38, %dma_start3A_43] : memref<10240x128xf32, #tpu.memory_space<vmem_shared>> -> memref<640x128xf32, #tpu.memory_space<vmem_shared>>
      tpu.enqueue_dma source(%dma_start3A_44 : memref<640x128xf32, #tpu.memory_space<vmem_shared>>) target(%dma_start3A_42 : memref<640x128xf32, #tpu.memory_space<hbm>>) target_semaphore(%run_scoped3A : memref<!tpu.dma_semaphore, #tpu.memory_space<semaphore_mem>>)
      %dma_wait3A = arith.constant 0 : i32
      %dma_wait3A_45 = tpu.memref_slice %arg5[%arg0, %mul3A_40, %dma_wait3A] : memref<2x10240x128xf32, #tpu.memory_space<hbm>> -> memref<1x640x128xf32, #tpu.memory_space<hbm>>
      %dma_wait3A_46 = tpu.memref_squeeze %dma_wait3A_45 : memref<1x640x128xf32, #tpu.memory_space<hbm>> -> memref<640x128xf32, #tpu.memory_space<hbm>>
      %dma_wait3A_47 = arith.constant 0 : i32
      %dma_wait3A_48 = tpu.memref_slice %arg10[%mul3A_38, %dma_wait3A_47] : memref<10240x128xf32, #tpu.memory_space<vmem_shared>> -> memref<640x128xf32, #tpu.memory_space<vmem_shared>>
      tpu.wait_dma2 semaphore(%run_scoped3A : memref<!tpu.dma_semaphore, #tpu.memory_space<semaphore_mem>>) src(%dma_wait3A_48 : memref<640x128xf32, #tpu.memory_space<vmem_shared>>) dst(%dma_wait3A_46 : memref<640x128xf32, #tpu.memory_space<hbm>>)
      tpu.yield
    }) : () -> ()
    return
  }
}

#map = affine_map<(d0, d1) -> (0)>
#map1 = affine_map<(d0, d1) -> (0, 0)>
#map2 = affine_map<(d0, d1) -> (0, 0, 0)>
module attributes {stable_mosaic.version = 14 : i64} {
  func.func @_agg_sc(%arg0: i32, %arg1: i32, %arg2: memref<320000xi32, #tpu.memory_space<hbm>>, %arg3: memref<320000xi32, #tpu.memory_space<hbm>>, %arg4: memref<10000x128xf32, #tpu.memory_space<hbm>>, %arg5: memref<2x10240x128xf32, #tpu.memory_space<hbm>>, %arg6: memref<80xi32, #tpu.memory_space<vmem>>, %arg7: memref<80xi32, #tpu.memory_space<vmem>>, %arg8: memref<80x128xf32, #tpu.memory_space<vmem>>, %arg9: memref<128x128xf32, #tpu.memory_space<vmem>>, %arg10: memref<10240x128xf32, #tpu.memory_space<vmem_shared>>, %arg11: memref<!tpu.dma_semaphore, #tpu.memory_space<semaphore_mem>>) attributes {dimension_semantics = [#tpu.dimension_semantics<core_parallel>, #tpu.dimension_semantics<subcore_parallel>], iteration_bounds = array<i64: 2, 16>, scalar_prefetch = 0 : i64, scratch_operands = 6 : i64, tpu.core_type = #tpu.core_type<sc_vector_subcore>, window_params = [{transform_indices = #map}, {transform_indices = #map}, {transform_indices = #map1}, {transform_indices = #map2}]} {
    %scan3A = arith.constant 0 : i32
    %scan3A_0 = arith.constant 0 : i32
    %scan3A_1 = arith.constant 128 : i32
    %scan3A_2 = arith.addi %scan3A_0, %scan3A_1 : i32
    %scan3A_3 = arith.constant 1 : i32
    %scan3A_4 = scf.for %scan3A_41 = %scan3A_0 to %scan3A_2 step %scan3A_3 iter_args(%scan3A_42 = %scan3A) -> (i32)  : i32 {
      %broadcast_in_dim3A = arith.constant 0.000000e+00 : f32
      %broadcast_in_dim3A_43 = vector.broadcast %broadcast_in_dim3A : f32 to vector<16xf32>
      %swap3A = arith.index_cast %scan3A_41 : i32 to index
      %swap3A_44 = arith.constant 0 : index
      %swap3A_45 = tpu.vector_load %arg9[%swap3A, %swap3A_44] {strides = array<i32>} : memref<128x128xf32, #tpu.memory_space<vmem>>, vector<1x16xf32>,
      %swap3A_46 = vector.shape_cast %swap3A_45 : vector<1x16xf32> to vector<16xf32>
      %swap3A_47 = vector.shape_cast %broadcast_in_dim3A_43 : vector<16xf32> to vector<1x16xf32>
      tpu.vector_store %arg9[%swap3A, %swap3A_44], %swap3A_47 {strides = array<i32>} : memref<128x128xf32, #tpu.memory_space<vmem>>, vector<1x16xf32>,
      %broadcast_in_dim3A_48 = arith.constant 0.000000e+00 : f32
      %broadcast_in_dim3A_49 = vector.broadcast %broadcast_in_dim3A_48 : f32 to vector<16xf32>
      %swap3A_50 = arith.index_cast %scan3A_41 : i32 to index
      %swap3A_51 = arith.constant 16 : index
      %swap3A_52 = tpu.vector_load %arg9[%swap3A_50, %swap3A_51] {strides = array<i32>} : memref<128x128xf32, #tpu.memory_space<vmem>>, vector<1x16xf32>,
      %swap3A_53 = vector.shape_cast %swap3A_52 : vector<1x16xf32> to vector<16xf32>
      %swap3A_54 = vector.shape_cast %broadcast_in_dim3A_49 : vector<16xf32> to vector<1x16xf32>
      tpu.vector_store %arg9[%swap3A_50, %swap3A_51], %swap3A_54 {strides = array<i32>} : memref<128x128xf32, #tpu.memory_space<vmem>>, vector<1x16xf32>,
      %broadcast_in_dim3A_55 = arith.constant 0.000000e+00 : f32
      %broadcast_in_dim3A_56 = vector.broadcast %broadcast_in_dim3A_55 : f32 to vector<16xf32>
      %swap3A_57 = arith.index_cast %scan3A_41 : i32 to index
      %swap3A_58 = arith.constant 32 : index
      %swap3A_59 = tpu.vector_load %arg9[%swap3A_57, %swap3A_58] {strides = array<i32>} : memref<128x128xf32, #tpu.memory_space<vmem>>, vector<1x16xf32>,
      %swap3A_60 = vector.shape_cast %swap3A_59 : vector<1x16xf32> to vector<16xf32>
      %swap3A_61 = vector.shape_cast %broadcast_in_dim3A_56 : vector<16xf32> to vector<1x16xf32>
      tpu.vector_store %arg9[%swap3A_57, %swap3A_58], %swap3A_61 {strides = array<i32>} : memref<128x128xf32, #tpu.memory_space<vmem>>, vector<1x16xf32>,
      %broadcast_in_dim3A_62 = arith.constant 0.000000e+00 : f32
      %broadcast_in_dim3A_63 = vector.broadcast %broadcast_in_dim3A_62 : f32 to vector<16xf32>
      %swap3A_64 = arith.index_cast %scan3A_41 : i32 to index
      %swap3A_65 = arith.constant 48 : index
      %swap3A_66 = tpu.vector_load %arg9[%swap3A_64, %swap3A_65] {strides = array<i32>} : memref<128x128xf32, #tpu.memory_space<vmem>>, vector<1x16xf32>,
      %swap3A_67 = vector.shape_cast %swap3A_66 : vector<1x16xf32> to vector<16xf32>
      %swap3A_68 = vector.shape_cast %broadcast_in_dim3A_63 : vector<16xf32> to vector<1x16xf32>
      tpu.vector_store %arg9[%swap3A_64, %swap3A_65], %swap3A_68 {strides = array<i32>} : memref<128x128xf32, #tpu.memory_space<vmem>>, vector<1x16xf32>,
      %broadcast_in_dim3A_69 = arith.constant 0.000000e+00 : f32
      %broadcast_in_dim3A_70 = vector.broadcast %broadcast_in_dim3A_69 : f32 to vector<16xf32>
      %swap3A_71 = arith.index_cast %scan3A_41 : i32 to index
      %swap3A_72 = arith.constant 64 : index
      %swap3A_73 = tpu.vector_load %arg9[%swap3A_71, %swap3A_72] {strides = array<i32>} : memref<128x128xf32, #tpu.memory_space<vmem>>, vector<1x16xf32>,
      %swap3A_74 = vector.shape_cast %swap3A_73 : vector<1x16xf32> to vector<16xf32>
      %swap3A_75 = vector.shape_cast %broadcast_in_dim3A_70 : vector<16xf32> to vector<1x16xf32>
      tpu.vector_store %arg9[%swap3A_71, %swap3A_72], %swap3A_75 {strides = array<i32>} : memref<128x128xf32, #tpu.memory_space<vmem>>, vector<1x16xf32>,
      %broadcast_in_dim3A_76 = arith.constant 0.000000e+00 : f32
      %broadcast_in_dim3A_77 = vector.broadcast %broadcast_in_dim3A_76 : f32 to vector<16xf32>
      %swap3A_78 = arith.index_cast %scan3A_41 : i32 to index
      %swap3A_79 = arith.constant 80 : index
      %swap3A_80 = tpu.vector_load %arg9[%swap3A_78, %swap3A_79] {strides = array<i32>} : memref<128x128xf32, #tpu.memory_space<vmem>>, vector<1x16xf32>,
      %swap3A_81 = vector.shape_cast %swap3A_80 : vector<1x16xf32> to vector<16xf32>
      %swap3A_82 = vector.shape_cast %broadcast_in_dim3A_77 : vector<16xf32> to vector<1x16xf32>
      tpu.vector_store %arg9[%swap3A_78, %swap3A_79], %swap3A_82 {strides = array<i32>} : memref<128x128xf32, #tpu.memory_space<vmem>>, vector<1x16xf32>,
      %broadcast_in_dim3A_83 = arith.constant 0.000000e+00 : f32
      %broadcast_in_dim3A_84 = vector.broadcast %broadcast_in_dim3A_83 : f32 to vector<16xf32>
      %swap3A_85 = arith.index_cast %scan3A_41 : i32 to index
      %swap3A_86 = arith.constant 96 : index
      %swap3A_87 = tpu.vector_load %arg9[%swap3A_85, %swap3A_86] {strides = array<i32>} : memref<128x128xf32, #tpu.memory_space<vmem>>, vector<1x16xf32>,
      %swap3A_88 = vector.shape_cast %swap3A_87 : vector<1x16xf32> to vector<16xf32>
      %swap3A_89 = vector.shape_cast %broadcast_in_dim3A_84 : vector<16xf32> to vector<1x16xf32>
      tpu.vector_store %arg9[%swap3A_85, %swap3A_86], %swap3A_89 {strides = array<i32>} : memref<128x128xf32, #tpu.memory_space<vmem>>, vector<1x16xf32>,
      %broadcast_in_dim3A_90 = arith.constant 0.000000e+00 : f32
      %broadcast_in_dim3A_91 = vector.broadcast %broadcast_in_dim3A_90 : f32 to vector<16xf32>
      %swap3A_92 = arith.index_cast %scan3A_41 : i32 to index
      %swap3A_93 = arith.constant 112 : index
      %swap3A_94 = tpu.vector_load %arg9[%swap3A_92, %swap3A_93] {strides = array<i32>} : memref<128x128xf32, #tpu.memory_space<vmem>>, vector<1x16xf32>,
      %swap3A_95 = vector.shape_cast %swap3A_94 : vector<1x16xf32> to vector<16xf32>
      %swap3A_96 = vector.shape_cast %broadcast_in_dim3A_91 : vector<16xf32> to vector<1x16xf32>
      tpu.vector_store %arg9[%swap3A_92, %swap3A_93], %swap3A_96 {strides = array<i32>} : memref<128x128xf32, #tpu.memory_space<vmem>>, vector<1x16xf32>,
      %scan3A_97 = arith.constant 0 : i32
      scf.yield %scan3A_97 : i32
    }
    %scan3A_5 = arith.constant 128 : i32
    %mul3A = arith.constant 640 : i32
    %mul3A_6 = arith.muli %arg1, %mul3A : i32
    %add3A = arith.constant 0 : i32
    %add3A_7 = arith.addi %mul3A_6, %add3A : i32
    "tpu.region"() ({
      %run_scoped3A = tpu.sem_alloc : memref<!tpu.dma_semaphore, #tpu.memory_space<semaphore_mem>>
      %dma_start3A = arith.constant 0 : i32
      %dma_start3A_41 = tpu.memref_slice %arg10[%add3A_7, %dma_start3A] : memref<10240x128xf32, #tpu.memory_space<vmem_shared>> -> memref<128x128xf32, #tpu.memory_space<vmem_shared>>
      %dma_start3A_42 = arith.constant 0 : i32
      %dma_start3A_43 = tpu.memref_slice %arg10[%add3A_7, %dma_start3A_42] : memref<10240x128xf32, #tpu.memory_space<vmem_shared>> -> memref<128x128xf32, #tpu.memory_space<vmem_shared>>
      tpu.enqueue_dma source(%arg9 : memref<128x128xf32, #tpu.memory_space<vmem>>) target(%dma_start3A_43 : memref<128x128xf32, #tpu.memory_space<vmem_shared>>) target_semaphore(%run_scoped3A : memref<!tpu.dma_semaphore, #tpu.memory_space<semaphore_mem>>)
      %dma_wait3A = arith.constant 0 : i32
      %dma_wait3A_44 = tpu.memref_slice %arg10[%add3A_7, %dma_wait3A] : memref<10240x128xf32, #tpu.memory_space<vmem_shared>> -> memref<128x128xf32, #tpu.memory_space<vmem_shared>>
      %dma_wait3A_45 = arith.constant 0 : i32
      %dma_wait3A_46 = tpu.memref_slice %arg10[%add3A_7, %dma_wait3A_45] : memref<10240x128xf32, #tpu.memory_space<vmem_shared>> -> memref<128x128xf32, #tpu.memory_space<vmem_shared>>
      tpu.wait_dma2 semaphore(%run_scoped3A : memref<!tpu.dma_semaphore, #tpu.memory_space<semaphore_mem>>) src(%arg9 : memref<128x128xf32, #tpu.memory_space<vmem>>) dst(%dma_wait3A_46 : memref<128x128xf32, #tpu.memory_space<vmem_shared>>)
      tpu.yield
    }) : () -> ()
    %mul3A_8 = arith.constant 640 : i32
    %mul3A_9 = arith.muli %arg1, %mul3A_8 : i32
    %add3A_10 = arith.constant 128 : i32
    %add3A_11 = arith.addi %mul3A_9, %add3A_10 : i32
    "tpu.region"() ({
      %run_scoped3A = tpu.sem_alloc : memref<!tpu.dma_semaphore, #tpu.memory_space<semaphore_mem>>
      %dma_start3A = arith.constant 0 : i32
      %dma_start3A_41 = tpu.memref_slice %arg10[%add3A_11, %dma_start3A] : memref<10240x128xf32, #tpu.memory_space<vmem_shared>> -> memref<128x128xf32, #tpu.memory_space<vmem_shared>>
      %dma_start3A_42 = arith.constant 0 : i32
      %dma_start3A_43 = tpu.memref_slice %arg10[%add3A_11, %dma_start3A_42] : memref<10240x128xf32, #tpu.memory_space<vmem_shared>> -> memref<128x128xf32, #tpu.memory_space<vmem_shared>>
      tpu.enqueue_dma source(%arg9 : memref<128x128xf32, #tpu.memory_space<vmem>>) target(%dma_start3A_43 : memref<128x128xf32, #tpu.memory_space<vmem_shared>>) target_semaphore(%run_scoped3A : memref<!tpu.dma_semaphore, #tpu.memory_space<semaphore_mem>>)
      %dma_wait3A = arith.constant 0 : i32
      %dma_wait3A_44 = tpu.memref_slice %arg10[%add3A_11, %dma_wait3A] : memref<10240x128xf32, #tpu.memory_space<vmem_shared>> -> memref<128x128xf32, #tpu.memory_space<vmem_shared>>
      %dma_wait3A_45 = arith.constant 0 : i32
      %dma_wait3A_46 = tpu.memref_slice %arg10[%add3A_11, %dma_wait3A_45] : memref<10240x128xf32, #tpu.memory_space<vmem_shared>> -> memref<128x128xf32, #tpu.memory_space<vmem_shared>>
      tpu.wait_dma2 semaphore(%run_scoped3A : memref<!tpu.dma_semaphore, #tpu.memory_space<semaphore_mem>>) src(%arg9 : memref<128x128xf32, #tpu.memory_space<vmem>>) dst(%dma_wait3A_46 : memref<128x128xf32, #tpu.memory_space<vmem_shared>>)
      tpu.yield
    }) : () -> ()
    %mul3A_12 = arith.constant 640 : i32
    %mul3A_13 = arith.muli %arg1, %mul3A_12 : i32
    %add3A_14 = arith.constant 256 : i32
    %add3A_15 = arith.addi %mul3A_13, %add3A_14 : i32
    "tpu.region"() ({
      %run_scoped3A = tpu.sem_alloc : memref<!tpu.dma_semaphore, #tpu.memory_space<semaphore_mem>>
      %dma_start3A = arith.constant 0 : i32
      %dma_start3A_41 = tpu.memref_slice %arg10[%add3A_15, %dma_start3A] : memref<10240x128xf32, #tpu.memory_space<vmem_shared>> -> memref<128x128xf32, #tpu.memory_space<vmem_shared>>
      %dma_start3A_42 = arith.constant 0 : i32
      %dma_start3A_43 = tpu.memref_slice %arg10[%add3A_15, %dma_start3A_42] : memref<10240x128xf32, #tpu.memory_space<vmem_shared>> -> memref<128x128xf32, #tpu.memory_space<vmem_shared>>
      tpu.enqueue_dma source(%arg9 : memref<128x128xf32, #tpu.memory_space<vmem>>) target(%dma_start3A_43 : memref<128x128xf32, #tpu.memory_space<vmem_shared>>) target_semaphore(%run_scoped3A : memref<!tpu.dma_semaphore, #tpu.memory_space<semaphore_mem>>)
      %dma_wait3A = arith.constant 0 : i32
      %dma_wait3A_44 = tpu.memref_slice %arg10[%add3A_15, %dma_wait3A] : memref<10240x128xf32, #tpu.memory_space<vmem_shared>> -> memref<128x128xf32, #tpu.memory_space<vmem_shared>>
      %dma_wait3A_45 = arith.constant 0 : i32
      %dma_wait3A_46 = tpu.memref_slice %arg10[%add3A_15, %dma_wait3A_45] : memref<10240x128xf32, #tpu.memory_space<vmem_shared>> -> memref<128x128xf32, #tpu.memory_space<vmem_shared>>
      tpu.wait_dma2 semaphore(%run_scoped3A : memref<!tpu.dma_semaphore, #tpu.memory_space<semaphore_mem>>) src(%arg9 : memref<128x128xf32, #tpu.memory_space<vmem>>) dst(%dma_wait3A_46 : memref<128x128xf32, #tpu.memory_space<vmem_shared>>)
      tpu.yield
    }) : () -> ()
    %mul3A_16 = arith.constant 640 : i32
    %mul3A_17 = arith.muli %arg1, %mul3A_16 : i32
    %add3A_18 = arith.constant 384 : i32
    %add3A_19 = arith.addi %mul3A_17, %add3A_18 : i32
    "tpu.region"() ({
      %run_scoped3A = tpu.sem_alloc : memref<!tpu.dma_semaphore, #tpu.memory_space<semaphore_mem>>
      %dma_start3A = arith.constant 0 : i32
      %dma_start3A_41 = tpu.memref_slice %arg10[%add3A_19, %dma_start3A] : memref<10240x128xf32, #tpu.memory_space<vmem_shared>> -> memref<128x128xf32, #tpu.memory_space<vmem_shared>>
      %dma_start3A_42 = arith.constant 0 : i32
      %dma_start3A_43 = tpu.memref_slice %arg10[%add3A_19, %dma_start3A_42] : memref<10240x128xf32, #tpu.memory_space<vmem_shared>> -> memref<128x128xf32, #tpu.memory_space<vmem_shared>>
      tpu.enqueue_dma source(%arg9 : memref<128x128xf32, #tpu.memory_space<vmem>>) target(%dma_start3A_43 : memref<128x128xf32, #tpu.memory_space<vmem_shared>>) target_semaphore(%run_scoped3A : memref<!tpu.dma_semaphore, #tpu.memory_space<semaphore_mem>>)
      %dma_wait3A = arith.constant 0 : i32
      %dma_wait3A_44 = tpu.memref_slice %arg10[%add3A_19, %dma_wait3A] : memref<10240x128xf32, #tpu.memory_space<vmem_shared>> -> memref<128x128xf32, #tpu.memory_space<vmem_shared>>
      %dma_wait3A_45 = arith.constant 0 : i32
      %dma_wait3A_46 = tpu.memref_slice %arg10[%add3A_19, %dma_wait3A_45] : memref<10240x128xf32, #tpu.memory_space<vmem_shared>> -> memref<128x128xf32, #tpu.memory_space<vmem_shared>>
      tpu.wait_dma2 semaphore(%run_scoped3A : memref<!tpu.dma_semaphore, #tpu.memory_space<semaphore_mem>>) src(%arg9 : memref<128x128xf32, #tpu.memory_space<vmem>>) dst(%dma_wait3A_46 : memref<128x128xf32, #tpu.memory_space<vmem_shared>>)
      tpu.yield
    }) : () -> ()
    %mul3A_20 = arith.constant 640 : i32
    %mul3A_21 = arith.muli %arg1, %mul3A_20 : i32
    %add3A_22 = arith.constant 512 : i32
    %add3A_23 = arith.addi %mul3A_21, %add3A_22 : i32
    "tpu.region"() ({
      %run_scoped3A = tpu.sem_alloc : memref<!tpu.dma_semaphore, #tpu.memory_space<semaphore_mem>>
      %dma_start3A = arith.constant 0 : i32
      %dma_start3A_41 = tpu.memref_slice %arg10[%add3A_23, %dma_start3A] : memref<10240x128xf32, #tpu.memory_space<vmem_shared>> -> memref<128x128xf32, #tpu.memory_space<vmem_shared>>
      %dma_start3A_42 = arith.constant 0 : i32
      %dma_start3A_43 = tpu.memref_slice %arg10[%add3A_23, %dma_start3A_42] : memref<10240x128xf32, #tpu.memory_space<vmem_shared>> -> memref<128x128xf32, #tpu.memory_space<vmem_shared>>
      tpu.enqueue_dma source(%arg9 : memref<128x128xf32, #tpu.memory_space<vmem>>) target(%dma_start3A_43 : memref<128x128xf32, #tpu.memory_space<vmem_shared>>) target_semaphore(%run_scoped3A : memref<!tpu.dma_semaphore, #tpu.memory_space<semaphore_mem>>)
      %dma_wait3A = arith.constant 0 : i32
      %dma_wait3A_44 = tpu.memref_slice %arg10[%add3A_23, %dma_wait3A] : memref<10240x128xf32, #tpu.memory_space<vmem_shared>> -> memref<128x128xf32, #tpu.memory_space<vmem_shared>>
      %dma_wait3A_45 = arith.constant 0 : i32
      %dma_wait3A_46 = tpu.memref_slice %arg10[%add3A_23, %dma_wait3A_45] : memref<10240x128xf32, #tpu.memory_space<vmem_shared>> -> memref<128x128xf32, #tpu.memory_space<vmem_shared>>
      tpu.wait_dma2 semaphore(%run_scoped3A : memref<!tpu.dma_semaphore, #tpu.memory_space<semaphore_mem>>) src(%arg9 : memref<128x128xf32, #tpu.memory_space<vmem>>) dst(%dma_wait3A_46 : memref<128x128xf32, #tpu.memory_space<vmem_shared>>)
      tpu.yield
    }) : () -> ()
    %barrier3A = arith.constant 0 : index
    tpu.barrier barrier_id(%barrier3A)
    %mul3A_24 = arith.constant 16 : i32
    %mul3A_25 = arith.muli %arg0, %mul3A_24 : i32
    %add3A_26 = arith.addi %mul3A_25, %arg1 : i32
    %mul3A_27 = arith.constant 10000 : i32
    %mul3A_28 = arith.muli %add3A_26, %mul3A_27 : i32
    %scan3A_29 = arith.constant 0 : i32
    %scan3A_30 = arith.constant 0 : i32
    %scan3A_31 = arith.constant 125 : i32
    %scan3A_32 = arith.addi %scan3A_30, %scan3A_31 : i32
    %scan3A_33 = arith.constant 1 : i32
    %scan3A_34 = scf.for %scan3A_41 = %scan3A_30 to %scan3A_32 step %scan3A_33 iter_args(%scan3A_42 = %scan3A_29) -> (i32)  : i32 {
      %mul3A_43 = arith.constant 80 : i32
      %mul3A_44 = arith.muli %scan3A_41, %mul3A_43 : i32
      %add3A_45 = arith.addi %mul3A_28, %mul3A_44 : i32
      %multiple_of3A = tpu.assume_multiple %add3A_45, 8 : i32
      "tpu.region"() ({
        %run_scoped3A = tpu.sem_alloc : memref<!tpu.dma_semaphore, #tpu.memory_space<semaphore_mem>>
        %dma_start3A_51 = tpu.memref_slice %arg2[%multiple_of3A] : memref<320000xi32, #tpu.memory_space<hbm>> -> memref<80xi32, #tpu.memory_space<hbm>>
        %dma_start3A_52 = tpu.memref_slice %arg2[%multiple_of3A] : memref<320000xi32, #tpu.memory_space<hbm>> -> memref<80xi32, #tpu.memory_space<hbm>>
        tpu.enqueue_dma source(%dma_start3A_52 : memref<80xi32, #tpu.memory_space<hbm>>) target(%arg6 : memref<80xi32, #tpu.memory_space<vmem>>) target_semaphore(%run_scoped3A : memref<!tpu.dma_semaphore, #tpu.memory_space<semaphore_mem>>)
        %dma_wait3A_53 = tpu.memref_slice %arg2[%multiple_of3A] : memref<320000xi32, #tpu.memory_space<hbm>> -> memref<80xi32, #tpu.memory_space<hbm>>
        %dma_wait3A_54 = tpu.memref_slice %arg2[%multiple_of3A] : memref<320000xi32, #tpu.memory_space<hbm>> -> memref<80xi32, #tpu.memory_space<hbm>>
        tpu.wait_dma2 semaphore(%run_scoped3A : memref<!tpu.dma_semaphore, #tpu.memory_space<semaphore_mem>>) src(%dma_wait3A_54 : memref<80xi32, #tpu.memory_space<hbm>>) dst(%arg6 : memref<80xi32, #tpu.memory_space<vmem>>)
        tpu.yield
      }) : () -> ()
      "tpu.region"() ({
        %run_scoped3A = tpu.sem_alloc : memref<!tpu.dma_semaphore, #tpu.memory_space<semaphore_mem>>
        %dma_start3A_51 = tpu.memref_slice %arg3[%multiple_of3A] : memref<320000xi32, #tpu.memory_space<hbm>> -> memref<80xi32, #tpu.memory_space<hbm>>
        %dma_start3A_52 = tpu.memref_slice %arg3[%multiple_of3A] : memref<320000xi32, #tpu.memory_space<hbm>> -> memref<80xi32, #tpu.memory_space<hbm>>
        tpu.enqueue_dma source(%dma_start3A_52 : memref<80xi32, #tpu.memory_space<hbm>>) target(%arg7 : memref<80xi32, #tpu.memory_space<vmem>>) target_semaphore(%run_scoped3A : memref<!tpu.dma_semaphore, #tpu.memory_space<semaphore_mem>>)
        %dma_wait3A_53 = tpu.memref_slice %arg3[%multiple_of3A] : memref<320000xi32, #tpu.memory_space<hbm>> -> memref<80xi32, #tpu.memory_space<hbm>>
        %dma_wait3A_54 = tpu.memref_slice %arg3[%multiple_of3A] : memref<320000xi32, #tpu.memory_space<hbm>> -> memref<80xi32, #tpu.memory_space<hbm>>
        tpu.wait_dma2 semaphore(%run_scoped3A : memref<!tpu.dma_semaphore, #tpu.memory_space<semaphore_mem>>) src(%dma_wait3A_54 : memref<80xi32, #tpu.memory_space<hbm>>) dst(%arg7 : memref<80xi32, #tpu.memory_space<vmem>>)
        tpu.yield
      }) : () -> ()
      %dma_start3A = arith.constant 0 : i32
      %dma_start3A_46 = arith.constant 0 : i32
      %dma_start3A_47 = tpu.memref_slice %arg4[%dma_start3A, %dma_start3A_46] : memref<10000x128xf32, #tpu.memory_space<hbm>> -> memref<10000x128xf32, #tpu.memory_space<hbm>>
      tpu.enqueue_indirect_dma source(%dma_start3A_47 : memref<10000x128xf32, #tpu.memory_space<hbm>>) target(%arg8 : memref<80x128xf32, #tpu.memory_space<vmem>>) offsets(%arg6 : memref<80xi32, #tpu.memory_space<vmem>>) semaphore(%arg11 : memref<!tpu.dma_semaphore, #tpu.memory_space<semaphore_mem>>)
      %dma_wait3A = arith.constant 0 : i32
      %dma_wait3A_48 = arith.constant 0 : i32
      %dma_wait3A_49 = tpu.memref_slice %arg4[%dma_wait3A, %dma_wait3A_48] : memref<10000x128xf32, #tpu.memory_space<hbm>> -> memref<10000x128xf32, #tpu.memory_space<hbm>>
      tpu.wait_indirect_dma semaphore(%arg11 : memref<!tpu.dma_semaphore, #tpu.memory_space<semaphore_mem>>) src(%dma_wait3A_49 : memref<10000x128xf32, #tpu.memory_space<hbm>>) dst(%arg8 : memref<80x128xf32, #tpu.memory_space<vmem>>)
      "tpu.region"() ({
        %run_scoped3A = tpu.sem_alloc : memref<!tpu.dma_semaphore, #tpu.memory_space<semaphore_mem>>
        %dma_start3A_51 = arith.constant 0 : i32
        %dma_start3A_52 = arith.constant 0 : i32
        %dma_start3A_53 = tpu.memref_slice %arg10[%dma_start3A_51, %dma_start3A_52] : memref<10240x128xf32, #tpu.memory_space<vmem_shared>> -> memref<10240x128xf32, #tpu.memory_space<vmem_shared>>
        tpu.enqueue_indirect_dma source(%arg8 : memref<80x128xf32, #tpu.memory_space<vmem>>) target(%dma_start3A_53 : memref<10240x128xf32, #tpu.memory_space<vmem_shared>>) offsets(%arg7 : memref<80xi32, #tpu.memory_space<vmem>>) semaphore(%run_scoped3A : memref<!tpu.dma_semaphore, #tpu.memory_space<semaphore_mem>>) {add = true}
        %dma_wait3A_54 = arith.constant 0 : i32
        %dma_wait3A_55 = arith.constant 0 : i32
        %dma_wait3A_56 = tpu.memref_slice %arg10[%dma_wait3A_54, %dma_wait3A_55] : memref<10240x128xf32, #tpu.memory_space<vmem_shared>> -> memref<10240x128xf32, #tpu.memory_space<vmem_shared>>
        tpu.wait_indirect_dma semaphore(%run_scoped3A : memref<!tpu.dma_semaphore, #tpu.memory_space<semaphore_mem>>) src(%arg8 : memref<80x128xf32, #tpu.memory_space<vmem>>) dst(%dma_wait3A_56 : memref<10240x128xf32, #tpu.memory_space<vmem_shared>>)
        tpu.yield
      }) : () -> ()
      %scan3A_50 = arith.constant 0 : i32
      scf.yield %scan3A_50 : i32
    }
    %scan3A_35 = arith.constant 125 : i32
    %barrier3A_36 = arith.constant 0 : index
    tpu.barrier barrier_id(%barrier3A_36)
    %mul3A_37 = arith.constant 640 : i32
    %mul3A_38 = arith.muli %arg1, %mul3A_37 : i32
    %mul3A_39 = arith.constant 640 : i32
    %mul3A_40 = arith.muli %arg1, %mul3A_39 : i32
    "tpu.region"() ({
      %run_scoped3A = tpu.sem_alloc : memref<!tpu.dma_semaphore, #tpu.memory_space<semaphore_mem>>
      %dma_start3A = arith.constant 0 : i32
      %dma_start3A_41 = tpu.memref_slice %arg5[%arg0, %mul3A_40, %dma_start3A] : memref<2x10240x128xf32, #tpu.memory_space<hbm>> -> memref<1x640x128xf32, #tpu.memory_space<hbm>>
      %dma_start3A_42 = tpu.memref_squeeze %dma_start3A_41 : memref<1x640x128xf32, #tpu.memory_space<hbm>> -> memref<640x128xf32, #tpu.memory_space<hbm>>
      %dma_start3A_43 = arith.constant 0 : i32
      %dma_start3A_44 = tpu.memref_slice %arg10[%mul3A_38, %dma_start3A_43] : memref<10240x128xf32, #tpu.memory_space<vmem_shared>> -> memref<640x128xf32, #tpu.memory_space<vmem_shared>>
      tpu.enqueue_dma source(%dma_start3A_44 : memref<640x128xf32, #tpu.memory_space<vmem_shared>>) target(%dma_start3A_42 : memref<640x128xf32, #tpu.memory_space<hbm>>) target_semaphore(%run_scoped3A : memref<!tpu.dma_semaphore, #tpu.memory_space<semaphore_mem>>)
      %dma_wait3A = arith.constant 0 : i32
      %dma_wait3A_45 = tpu.memref_slice %arg5[%arg0, %mul3A_40, %dma_wait3A] : memref<2x10240x128xf32, #tpu.memory_space<hbm>> -> memref<1x640x128xf32, #tpu.memory_space<hbm>>
      %dma_wait3A_46 = tpu.memref_squeeze %dma_wait3A_45 : memref<1x640x128xf32, #tpu.memory_space<hbm>> -> memref<640x128xf32, #tpu.memory_space<hbm>>
      %dma_wait3A_47 = arith.constant 0 : i32
      %dma_wait3A_48 = tpu.memref_slice %arg10[%mul3A_38, %dma_wait3A_47] : memref<10240x128xf32, #tpu.memory_space<vmem_shared>> -> memref<640x128xf32, #tpu.memory_space<vmem_shared>>
      tpu.wait_dma2 semaphore(%run_scoped3A : memref<!tpu.dma_semaphore, #tpu.memory_space<semaphore_mem>>) src(%dma_wait3A_48 : memref<640x128xf32, #tpu.memory_space<vmem_shared>>) dst(%dma_wait3A_46 : memref<640x128xf32, #tpu.memory_space<hbm>>)
      tpu.yield
    }) : () -> ()
    return
  }
}

module attributes {stable_mosaic.version = 14 : i64} {
  func.func @_y1_body(%arg0: i32, %arg1: memref<2x400x128xf32, #tpu.memory_space<vmem>>, %arg2: memref<400x128xf32, #tpu.memory_space<vmem>>, %arg3: memref<400x128xf32, #tpu.memory_space<vmem>>, %arg4: memref<400x1xf32, #tpu.memory_space<vmem>>) attributes {dimension_semantics = [#tpu.dimension_semantics<arbitrary>], iteration_bounds = array<i64: 25>, scalar_prefetch = 0 : i64, scratch_operands = 0 : i64, tpu.core_type = #tpu.core_type<tc>, window_params = [{transform_indices = @transform_0, window_bounds = array<i64: 2, 400, 128>}, {transform_indices = @transform_1, window_bounds = array<i64: 400, 128>}, {transform_indices = @transform_2, window_bounds = array<i64: 400, 128>}, {transform_indices = @transform_3, window_bounds = array<i64: 400, 1>}]} {
    %get3A = arith.constant 0 : index
    %get3A_0 = arith.constant 0 : index
    %get3A_1 = arith.constant 0 : index
    %get3A_2 = vector.load %arg1[%get3A, %get3A_0, %get3A_1] : memref<2x400x128xf32, #tpu.memory_space<vmem>>, vector<1x400x1xf32>
    %get3A_3 = vector.shape_cast %get3A_2 : vector<1x400x1xf32> to vector<400x1xf32>
    %get3A_4 = arith.constant 1 : index
    %get3A_5 = arith.constant 0 : index
    %get3A_6 = arith.constant 0 : index
    %get3A_7 = vector.load %arg1[%get3A_4, %get3A_5, %get3A_6] : memref<2x400x128xf32, #tpu.memory_space<vmem>>, vector<1x400x1xf32>
    %get3A_8 = vector.shape_cast %get3A_7 : vector<1x400x1xf32> to vector<400x1xf32>
    %add3A = arith.addf %get3A_3, %get3A_8 : vector<400x1xf32>
    %add3A_9 = arith.constant 1.000000e+00 : f32
    %add3A_10 = vector.broadcast %add3A_9 : f32 to vector<400x1xf32>
    %add3A_11 = arith.addf %add3A, %add3A_10 : vector<400x1xf32>
    %rsqrt3A = math.rsqrt %add3A_11 : vector<400x1xf32>
    %get3A_12 = arith.constant 0 : index
    %get3A_13 = arith.constant 0 : index
    %get3A_14 = vector.load %arg2[%get3A_12, %get3A_13] : memref<400x128xf32, #tpu.memory_space<vmem>>, vector<400x128xf32>
    %mul3A = vector.broadcast %rsqrt3A : vector<400x1xf32> to vector<400x128xf32>
    %mul3A_15 = arith.mulf %get3A_14, %mul3A : vector<400x128xf32>
    %swap3A = arith.constant 0 : index
    %swap3A_16 = arith.constant 0 : index
    %swap3A_17 = vector.load %arg3[%swap3A, %swap3A_16] : memref<400x128xf32, #tpu.memory_space<vmem>>, vector<400x128xf32>
    tpu.vector_store %arg3[%swap3A, %swap3A_16], %mul3A_15 {strides = array<i32>} : memref<400x128xf32, #tpu.memory_space<vmem>>, vector<400x128xf32>,
    %swap3A_18 = arith.constant 0 : index
    %swap3A_19 = arith.constant 0 : index
    %swap3A_20 = vector.load %arg4[%swap3A_18, %swap3A_19] : memref<400x1xf32, #tpu.memory_space<vmem>>, vector<400x1xf32>
    tpu.vector_store %arg4[%swap3A_18, %swap3A_19], %rsqrt3A {strides = array<i32>} : memref<400x1xf32, #tpu.memory_space<vmem>>, vector<400x1xf32>,
    return
  }
  func.func @transform_0(%arg0: i32) -> (i32, i32, i32) {
    %c0_i32 = arith.constant 0 : i32
    %c0_i32_0 = arith.constant 0 : i32
    %c0_i32_1 = arith.constant 0 : i32
    return %c0_i32, %arg0, %c0_i32_0 : i32, i32, i32
  }
  func.func @transform_1(%arg0: i32) -> (i32, i32) {
    %c0_i32 = arith.constant 0 : i32
    %c0_i32_0 = arith.constant 0 : i32
    return %arg0, %c0_i32 : i32, i32
  }
  func.func @transform_2(%arg0: i32) -> (i32, i32) {
    %c0_i32 = arith.constant 0 : i32
    %c0_i32_0 = arith.constant 0 : i32
    return %arg0, %c0_i32 : i32, i32
  }
  func.func @transform_3(%arg0: i32) -> (i32, i32) {
    %c0_i32 = arith.constant 0 : i32
    %c0_i32_0 = arith.constant 0 : i32
    return %arg0, %c0_i32 : i32, i32
  }
}

module attributes {stable_mosaic.version = 14 : i64} {
  func.func @_xw_body(%arg0: i32, %arg1: memref<400x128xf32, #tpu.memory_space<vmem>>, %arg2: memref<128x128xf32, #tpu.memory_space<vmem>>, %arg3: memref<400x128xf32, #tpu.memory_space<vmem>>) attributes {dimension_semantics = [#tpu.dimension_semantics<arbitrary>], iteration_bounds = array<i64: 25>, scalar_prefetch = 0 : i64, scratch_operands = 0 : i64, tpu.core_type = #tpu.core_type<tc>, window_params = [{transform_indices = @transform_0, window_bounds = array<i64: 400, 128>}, {pipeline_mode = #tpu.pipeline_mode<synchronous>, transform_indices = @transform_1, window_bounds = array<i64: 128, 128>}, {transform_indices = @transform_2, window_bounds = array<i64: 400, 128>}]} {
    %get3A = arith.constant 0 : index
    %get3A_0 = arith.constant 0 : index
    %get3A_1 = vector.load %arg1[%get3A, %get3A_0] : memref<400x128xf32, #tpu.memory_space<vmem>>, vector<400x128xf32>
    %get3A_2 = arith.constant 0 : index
    %get3A_3 = arith.constant 0 : index
    %get3A_4 = vector.load %arg2[%get3A_2, %get3A_3] : memref<128x128xf32, #tpu.memory_space<vmem>>, vector<128x128xf32>
    %dot_general3A = arith.constant dense<0.000000e+00> : vector<400x128xf32>
    %dot_general3A_5 = tpu.matmul %get3A_1, %get3A_4, %dot_general3A {dimension_numbers = #tpu.dot_dimension_numbers<[1], [0], [0], [1], [0, 0, 1, 1], [], []>, transpose_lhs_hint = false} : vector<400x128xf32>, vector<128x128xf32>, vector<400x128xf32> -> vector<400x128xf32>
    %swap3A = arith.constant 0 : index
    %swap3A_6 = arith.constant 0 : index
    %swap3A_7 = vector.load %arg3[%swap3A, %swap3A_6] : memref<400x128xf32, #tpu.memory_space<vmem>>, vector<400x128xf32>
    tpu.vector_store %arg3[%swap3A, %swap3A_6], %dot_general3A_5 {strides = array<i32>} : memref<400x128xf32, #tpu.memory_space<vmem>>, vector<400x128xf32>,
    return
  }
  func.func @transform_0(%arg0: i32) -> (i32, i32) {
    %c0_i32 = arith.constant 0 : i32
    %c0_i32_0 = arith.constant 0 : i32
    return %arg0, %c0_i32 : i32, i32
  }
  func.func @transform_1(%arg0: i32) -> (i32, i32) {
    %c0_i32 = arith.constant 0 : i32
    %c0_i32_0 = arith.constant 0 : i32
    %c0_i32_1 = arith.constant 0 : i32
    return %c0_i32, %c0_i32_0 : i32, i32
  }
  func.func @transform_2(%arg0: i32) -> (i32, i32) {
    %c0_i32 = arith.constant 0 : i32
    %c0_i32_0 = arith.constant 0 : i32
    return %arg0, %c0_i32 : i32, i32
  }
}

module attributes {stable_mosaic.version = 14 : i64} {
  func.func @_hpre_body(%arg0: i32, %arg1: memref<2x400x128xf32, #tpu.memory_space<vmem>>, %arg2: memref<400x128xf32, #tpu.memory_space<vmem>>, %arg3: memref<400x1xf32, #tpu.memory_space<vmem>>, %arg4: memref<1x128xf32, #tpu.memory_space<vmem>>, %arg5: memref<400x128xf32, #tpu.memory_space<vmem>>, %arg6: memref<2x128xf32, #tpu.memory_space<vmem>>) attributes {dimension_semantics = [#tpu.dimension_semantics<arbitrary>], iteration_bounds = array<i64: 25>, scalar_prefetch = 0 : i64, scratch_operands = 0 : i64, tpu.core_type = #tpu.core_type<tc>, window_params = [{transform_indices = @transform_0, window_bounds = array<i64: 2, 400, 128>}, {transform_indices = @transform_1, window_bounds = array<i64: 400, 128>}, {transform_indices = @transform_2, window_bounds = array<i64: 400, 1>}, {pipeline_mode = #tpu.pipeline_mode<synchronous>, transform_indices = @transform_3, window_bounds = array<i64: 1, 128>}, {transform_indices = @transform_4, window_bounds = array<i64: 400, 128>}, {pipeline_mode = #tpu.pipeline_mode<synchronous>, transform_indices = @transform_5, window_bounds = array<i64: 2, 128>}]} {
    %get3A = arith.constant 0 : index
    %get3A_0 = arith.constant 0 : index
    %get3A_1 = arith.constant 0 : index
    %get3A_2 = vector.load %arg1[%get3A, %get3A_0, %get3A_1] : memref<2x400x128xf32, #tpu.memory_space<vmem>>, vector<1x400x128xf32>
    %get3A_3 = vector.shape_cast %get3A_2 : vector<1x400x128xf32> to vector<400x128xf32>
    %get3A_4 = arith.constant 1 : index
    %get3A_5 = arith.constant 0 : index
    %get3A_6 = arith.constant 0 : index
    %get3A_7 = vector.load %arg1[%get3A_4, %get3A_5, %get3A_6] : memref<2x400x128xf32, #tpu.memory_space<vmem>>, vector<1x400x128xf32>
    %get3A_8 = vector.shape_cast %get3A_7 : vector<1x400x128xf32> to vector<400x128xf32>
    %add3A = arith.addf %get3A_3, %get3A_8 : vector<400x128xf32>
    %get3A_9 = arith.constant 0 : index
    %get3A_10 = arith.constant 0 : index
    %get3A_11 = vector.load %arg2[%get3A_9, %get3A_10] : memref<400x128xf32, #tpu.memory_space<vmem>>, vector<400x128xf32>
    %add3A_12 = arith.addf %add3A, %get3A_11 : vector<400x128xf32>
    %get3A_13 = arith.constant 0 : index
    %get3A_14 = arith.constant 0 : index
    %get3A_15 = vector.load %arg3[%get3A_13, %get3A_14] : memref<400x1xf32, #tpu.memory_space<vmem>>, vector<400x1xf32>
    %mul3A = vector.broadcast %get3A_15 : vector<400x1xf32> to vector<400x128xf32>
    %mul3A_16 = arith.mulf %add3A_12, %mul3A : vector<400x128xf32>
    %get3A_17 = arith.constant 0 : index
    %get3A_18 = arith.constant 0 : index
    %get3A_19 = vector.load %arg4[%get3A_17, %get3A_18] : memref<1x128xf32, #tpu.memory_space<vmem>>, vector<1x128xf32>
    %add3A_20 = vector.broadcast %get3A_19 : vector<1x128xf32> to vector<400x128xf32>
    %add3A_21 = arith.addf %mul3A_16, %add3A_20 : vector<400x128xf32>
    %swap3A = arith.constant 0 : index
    %swap3A_22 = arith.constant 0 : index
    %swap3A_23 = vector.load %arg5[%swap3A, %swap3A_22] : memref<400x128xf32, #tpu.memory_space<vmem>>, vector<400x128xf32>
    tpu.vector_store %arg5[%swap3A, %swap3A_22], %add3A_21 {strides = array<i32>} : memref<400x128xf32, #tpu.memory_space<vmem>>, vector<400x128xf32>,
    %eq3A = arith.constant 0 : i32
    %eq3A_24 = arith.cmpi eq, %arg0, %eq3A : i32
    %convert_element_type3A = arith.extui %eq3A_24 : i1 to i32
    %cond3A = arith.constant 0 : i32
    %cond3A_25 = arith.cmpi ne, %convert_element_type3A, %cond3A : i32
    scf.if %cond3A_25 {
      %broadcast_in_dim3A_45 = arith.constant 0.000000e+00 : f32
      %broadcast_in_dim3A_46 = vector.broadcast %broadcast_in_dim3A_45 : f32 to vector<2x128xf32>
      %swap3A_47 = arith.constant 0 : index
      %swap3A_48 = arith.constant 0 : index
      %swap3A_49 = vector.load %arg6[%swap3A_47, %swap3A_48] : memref<2x128xf32, #tpu.memory_space<vmem>>, vector<2x128xf32>
      tpu.vector_store %arg6[%swap3A_47, %swap3A_48], %broadcast_in_dim3A_46 {strides = array<i32>} : memref<2x128xf32, #tpu.memory_space<vmem>>, vector<2x128xf32>,
    } else {
    }
    %get3A_26 = arith.constant 0 : index
    %get3A_27 = arith.constant 0 : index
    %get3A_28 = vector.load %arg6[%get3A_26, %get3A_27] : memref<2x128xf32, #tpu.memory_space<vmem>>, vector<1x128xf32>
    %reduce_sum3A = arith.constant dense<0.000000e+00> : vector<128xf32>
    %reduce_sum3A_29 = vector.multi_reduction <add>, %add3A_21, %reduce_sum3A [0] : vector<400x128xf32> to vector<128xf32>
    %broadcast_in_dim3A = vector.shape_cast %reduce_sum3A_29 : vector<128xf32> to vector<1x128xf32>
    %add3A_30 = arith.addf %get3A_28, %broadcast_in_dim3A : vector<1x128xf32>
    %swap3A_31 = arith.constant 0 : index
    %swap3A_32 = arith.constant 0 : index
    %swap3A_33 = vector.load %arg6[%swap3A_31, %swap3A_32] : memref<2x128xf32, #tpu.memory_space<vmem>>, vector<1x128xf32>
    tpu.vector_store %arg6[%swap3A_31, %swap3A_32], %add3A_30 {strides = array<i32>} : memref<2x128xf32, #tpu.memory_space<vmem>>, vector<1x128xf32>,
    %get3A_34 = arith.constant 1 : index
    %get3A_35 = arith.constant 0 : index
    %get3A_36 = vector.load %arg6[%get3A_34, %get3A_35] : memref<2x128xf32, #tpu.memory_space<vmem>>, vector<1x128xf32>
    %mul3A_37 = arith.mulf %add3A_21, %add3A_21 : vector<400x128xf32>
    %reduce_sum3A_38 = arith.constant dense<0.000000e+00> : vector<128xf32>
    %reduce_sum3A_39 = vector.multi_reduction <add>, %mul3A_37, %reduce_sum3A_38 [0] : vector<400x128xf32> to vector<128xf32>
    %broadcast_in_dim3A_40 = vector.shape_cast %reduce_sum3A_39 : vector<128xf32> to vector<1x128xf32>
    %add3A_41 = arith.addf %get3A_36, %broadcast_in_dim3A_40 : vector<1x128xf32>
    %swap3A_42 = arith.constant 1 : index
    %swap3A_43 = arith.constant 0 : index
    %swap3A_44 = vector.load %arg6[%swap3A_42, %swap3A_43] : memref<2x128xf32, #tpu.memory_space<vmem>>, vector<1x128xf32>
    tpu.vector_store %arg6[%swap3A_42, %swap3A_43], %add3A_41 {strides = array<i32>} : memref<2x128xf32, #tpu.memory_space<vmem>>, vector<1x128xf32>,
    return
  }
  func.func @transform_0(%arg0: i32) -> (i32, i32, i32) {
    %c0_i32 = arith.constant 0 : i32
    %c0_i32_0 = arith.constant 0 : i32
    %c0_i32_1 = arith.constant 0 : i32
    return %c0_i32, %arg0, %c0_i32_0 : i32, i32, i32
  }
  func.func @transform_1(%arg0: i32) -> (i32, i32) {
    %c0_i32 = arith.constant 0 : i32
    %c0_i32_0 = arith.constant 0 : i32
    return %arg0, %c0_i32 : i32, i32
  }
  func.func @transform_2(%arg0: i32) -> (i32, i32) {
    %c0_i32 = arith.constant 0 : i32
    %c0_i32_0 = arith.constant 0 : i32
    return %arg0, %c0_i32 : i32, i32
  }
  func.func @transform_3(%arg0: i32) -> (i32, i32) {
    %c0_i32 = arith.constant 0 : i32
    %c0_i32_0 = arith.constant 0 : i32
    %c0_i32_1 = arith.constant 0 : i32
    return %c0_i32, %c0_i32_0 : i32, i32
  }
  func.func @transform_4(%arg0: i32) -> (i32, i32) {
    %c0_i32 = arith.constant 0 : i32
    %c0_i32_0 = arith.constant 0 : i32
    return %arg0, %c0_i32 : i32, i32
  }
  func.func @transform_5(%arg0: i32) -> (i32, i32) {
    %c0_i32 = arith.constant 0 : i32
    %c0_i32_0 = arith.constant 0 : i32
    %c0_i32_1 = arith.constant 0 : i32
    return %c0_i32, %c0_i32_0 : i32, i32
  }
}

module attributes {stable_mosaic.version = 14 : i64} {
  func.func @_y2_body(%arg0: i32, %arg1: memref<400x128xf32, #tpu.memory_space<vmem>>, %arg2: memref<2x128xf32, #tpu.memory_space<vmem>>, %arg3: memref<1x128xf32, #tpu.memory_space<vmem>>, %arg4: memref<1x128xf32, #tpu.memory_space<vmem>>, %arg5: memref<128x128xf32, #tpu.memory_space<vmem>>, %arg6: memref<400x1xf32, #tpu.memory_space<vmem>>, %arg7: memref<400x128xf32, #tpu.memory_space<vmem>>) attributes {dimension_semantics = [#tpu.dimension_semantics<arbitrary>], iteration_bounds = array<i64: 25>, scalar_prefetch = 0 : i64, scratch_operands = 0 : i64, tpu.core_type = #tpu.core_type<tc>, window_params = [{transform_indices = @transform_0, window_bounds = array<i64: 400, 128>}, {pipeline_mode = #tpu.pipeline_mode<synchronous>, transform_indices = @transform_1, window_bounds = array<i64: 2, 128>}, {pipeline_mode = #tpu.pipeline_mode<synchronous>, transform_indices = @transform_2, window_bounds = array<i64: 1, 128>}, {pipeline_mode = #tpu.pipeline_mode<synchronous>, transform_indices = @transform_3, window_bounds = array<i64: 1, 128>}, {pipeline_mode = #tpu.pipeline_mode<synchronous>, transform_indices = @transform_4, window_bounds = array<i64: 128, 128>}, {transform_indices = @transform_5, window_bounds = array<i64: 400, 1>}, {transform_indices = @transform_6, window_bounds = array<i64: 400, 128>}]} {
    %get3A = arith.constant 0 : index
    %get3A_0 = arith.constant 0 : index
    %get3A_1 = vector.load %arg2[%get3A, %get3A_0] : memref<2x128xf32, #tpu.memory_space<vmem>>, vector<1x128xf32>
    %mul3A = arith.constant 9.99999974E-5 : f32
    %mul3A_2 = vector.broadcast %mul3A : f32 to vector<1x128xf32>
    %mul3A_3 = arith.mulf %get3A_1, %mul3A_2 : vector<1x128xf32>
    %get3A_4 = arith.constant 1 : index
    %get3A_5 = arith.constant 0 : index
    %get3A_6 = vector.load %arg2[%get3A_4, %get3A_5] : memref<2x128xf32, #tpu.memory_space<vmem>>, vector<1x128xf32>
    %mul3A_7 = arith.constant 9.99999974E-5 : f32
    %mul3A_8 = vector.broadcast %mul3A_7 : f32 to vector<1x128xf32>
    %mul3A_9 = arith.mulf %get3A_6, %mul3A_8 : vector<1x128xf32>
    %mul3A_10 = arith.mulf %mul3A_3, %mul3A_3 : vector<1x128xf32>
    %sub3A = arith.subf %mul3A_9, %mul3A_10 : vector<1x128xf32>
    %get3A_11 = arith.constant 0 : index
    %get3A_12 = arith.constant 0 : index
    %get3A_13 = vector.load %arg1[%get3A_11, %get3A_12] : memref<400x128xf32, #tpu.memory_space<vmem>>, vector<400x128xf32>
    %sub3A_14 = vector.broadcast %mul3A_3 : vector<1x128xf32> to vector<400x128xf32>
    %sub3A_15 = arith.subf %get3A_13, %sub3A_14 : vector<400x128xf32>
    %add3A = arith.constant 9.99999974E-6 : f32
    %add3A_16 = vector.broadcast %add3A : f32 to vector<1x128xf32>
    %add3A_17 = arith.addf %sub3A, %add3A_16 : vector<1x128xf32>
    %rsqrt3A = math.rsqrt %add3A_17 : vector<1x128xf32>
    %mul3A_18 = vector.broadcast %rsqrt3A : vector<1x128xf32> to vector<400x128xf32>
    %mul3A_19 = arith.mulf %sub3A_15, %mul3A_18 : vector<400x128xf32>
    %get3A_20 = arith.constant 0 : index
    %get3A_21 = arith.constant 0 : index
    %get3A_22 = vector.load %arg3[%get3A_20, %get3A_21] : memref<1x128xf32, #tpu.memory_space<vmem>>, vector<1x128xf32>
    %mul3A_23 = vector.broadcast %get3A_22 : vector<1x128xf32> to vector<400x128xf32>
    %mul3A_24 = arith.mulf %mul3A_19, %mul3A_23 : vector<400x128xf32>
    %get3A_25 = arith.constant 0 : index
    %get3A_26 = arith.constant 0 : index
    %get3A_27 = vector.load %arg4[%get3A_25, %get3A_26] : memref<1x128xf32, #tpu.memory_space<vmem>>, vector<1x128xf32>
    %add3A_28 = vector.broadcast %get3A_27 : vector<1x128xf32> to vector<400x128xf32>
    %add3A_29 = arith.addf %mul3A_24, %add3A_28 : vector<400x128xf32>
    %gt3A = arith.constant 0.000000e+00 : f32
    %gt3A_30 = vector.broadcast %gt3A : f32 to vector<400x128xf32>
    %gt3A_31 = arith.cmpf ogt, %add3A_29, %gt3A_30 : vector<400x128xf32>
    %exp3A = math.exp %add3A_29 : vector<400x128xf32>
    %sub3A_32 = arith.constant 1.000000e+00 : f32
    %sub3A_33 = vector.broadcast %sub3A_32 : f32 to vector<400x128xf32>
    %sub3A_34 = arith.subf %exp3A, %sub3A_33 : vector<400x128xf32>
    %mul3A_35 = arith.constant 1.67326319 : f32
    %mul3A_36 = vector.broadcast %mul3A_35 : f32 to vector<400x128xf32>
    %mul3A_37 = arith.mulf %mul3A_36, %sub3A_34 : vector<400x128xf32>
    %select_n3A = arith.select %gt3A_31, %add3A_29, %mul3A_37 : vector<400x128xi1>, vector<400x128xf32>
    %mul3A_38 = arith.constant 1.05070102 : f32
    %mul3A_39 = vector.broadcast %mul3A_38 : f32 to vector<400x128xf32>
    %mul3A_40 = arith.mulf %mul3A_39, %select_n3A : vector<400x128xf32>
    %get3A_41 = arith.constant 0 : index
    %get3A_42 = arith.constant 0 : index
    %get3A_43 = vector.load %arg5[%get3A_41, %get3A_42] : memref<128x128xf32, #tpu.memory_space<vmem>>, vector<128x128xf32>
    %dot_general3A = arith.constant dense<0.000000e+00> : vector<400x128xf32>
    %dot_general3A_44 = tpu.matmul %mul3A_40, %get3A_43, %dot_general3A {dimension_numbers = #tpu.dot_dimension_numbers<[1], [0], [0], [1], [0, 0, 1, 1], [], []>, transpose_lhs_hint = false} : vector<400x128xf32>, vector<128x128xf32>, vector<400x128xf32> -> vector<400x128xf32>
    %get3A_45 = arith.constant 0 : index
    %get3A_46 = arith.constant 0 : index
    %get3A_47 = vector.load %arg6[%get3A_45, %get3A_46] : memref<400x1xf32, #tpu.memory_space<vmem>>, vector<400x1xf32>
    %mul3A_48 = vector.broadcast %get3A_47 : vector<400x1xf32> to vector<400x128xf32>
    %mul3A_49 = arith.mulf %dot_general3A_44, %mul3A_48 : vector<400x128xf32>
    %swap3A = arith.constant 0 : index
    %swap3A_50 = arith.constant 0 : index
    %swap3A_51 = vector.load %arg7[%swap3A, %swap3A_50] : memref<400x128xf32, #tpu.memory_space<vmem>>, vector<400x128xf32>
    tpu.vector_store %arg7[%swap3A, %swap3A_50], %mul3A_49 {strides = array<i32>} : memref<400x128xf32, #tpu.memory_space<vmem>>, vector<400x128xf32>,
    return
  }
  func.func @transform_0(%arg0: i32) -> (i32, i32) {
    %c0_i32 = arith.constant 0 : i32
    %c0_i32_0 = arith.constant 0 : i32
    return %arg0, %c0_i32 : i32, i32
  }
  func.func @transform_1(%arg0: i32) -> (i32, i32) {
    %c0_i32 = arith.constant 0 : i32
    %c0_i32_0 = arith.constant 0 : i32
    %c0_i32_1 = arith.constant 0 : i32
    return %c0_i32, %c0_i32_0 : i32, i32
  }
  func.func @transform_2(%arg0: i32) -> (i32, i32) {
    %c0_i32 = arith.constant 0 : i32
    %c0_i32_0 = arith.constant 0 : i32
    %c0_i32_1 = arith.constant 0 : i32
    return %c0_i32, %c0_i32_0 : i32, i32
  }
  func.func @transform_3(%arg0: i32) -> (i32, i32) {
    %c0_i32 = arith.constant 0 : i32
    %c0_i32_0 = arith.constant 0 : i32
    %c0_i32_1 = arith.constant 0 : i32
    return %c0_i32, %c0_i32_0 : i32, i32
  }
  func.func @transform_4(%arg0: i32) -> (i32, i32) {
    %c0_i32 = arith.constant 0 : i32
    %c0_i32_0 = arith.constant 0 : i32
    %c0_i32_1 = arith.constant 0 : i32
    return %c0_i32, %c0_i32_0 : i32, i32
  }
  func.func @transform_5(%arg0: i32) -> (i32, i32) {
    %c0_i32 = arith.constant 0 : i32
    %c0_i32_0 = arith.constant 0 : i32
    return %arg0, %c0_i32 : i32, i32
  }
  func.func @transform_6(%arg0: i32) -> (i32, i32) {
    %c0_i32 = arith.constant 0 : i32
    %c0_i32_0 = arith.constant 0 : i32
    return %arg0, %c0_i32 : i32, i32
  }
}

module attributes {stable_mosaic.version = 14 : i64} {
  func.func @_pool_body(%arg0: i32, %arg1: memref<2x80x128xf32, #tpu.memory_space<vmem>>, %arg2: memref<80x128xf32, #tpu.memory_space<vmem>>, %arg3: memref<80x1xf32, #tpu.memory_space<vmem>>, %arg4: memref<1x128xf32, #tpu.memory_space<vmem>>, %arg5: memref<80x1xi32, #tpu.memory_space<vmem>>, %arg6: memref<384x128xf32, #tpu.memory_space<vmem>>, %arg7: memref<1x128xf32, #tpu.memory_space<vmem>>, %arg8: memref<64x128xf32, #tpu.memory_space<vmem>>, %arg9: memref<64x128xf32, #tpu.memory_space<vmem>>, %arg10: memref<64x128xf32, #tpu.memory_space<vmem>>, %arg11: memref<64x128xf32, #tpu.memory_space<vmem>>) attributes {dimension_semantics = [#tpu.dimension_semantics<arbitrary>], iteration_bounds = array<i64: 125>, scalar_prefetch = 0 : i64, scratch_operands = 0 : i64, tpu.core_type = #tpu.core_type<tc>, window_params = [{transform_indices = @transform_0, window_bounds = array<i64: 2, 80, 128>}, {transform_indices = @transform_1, window_bounds = array<i64: 80, 128>}, {transform_indices = @transform_2, window_bounds = array<i64: 80, 1>}, {pipeline_mode = #tpu.pipeline_mode<synchronous>, transform_indices = @transform_3, window_bounds = array<i64: 1, 128>}, {transform_indices = @transform_4, window_bounds = array<i64: 80, 1>}, {pipeline_mode = #tpu.pipeline_mode<synchronous>, transform_indices = @transform_5, window_bounds = array<i64: 384, 128>}, {pipeline_mode = #tpu.pipeline_mode<synchronous>, transform_indices = @transform_6, window_bounds = array<i64: 1, 128>}, {pipeline_mode = #tpu.pipeline_mode<synchronous>, transform_indices = @transform_7, window_bounds = array<i64: 64, 128>}, {pipeline_mode = #tpu.pipeline_mode<synchronous>, transform_indices = @transform_8, window_bounds = array<i64: 64, 128>}, {pipeline_mode = #tpu.pipeline_mode<synchronous>, transform_indices = @transform_9, window_bounds = array<i64: 64, 128>}, {pipeline_mode = #tpu.pipeline_mode<synchronous>, transform_indices = @transform_10, window_bounds = array<i64: 64, 128>}]} {
    %get3A = arith.constant 0 : index
    %get3A_0 = arith.constant 0 : index
    %get3A_1 = arith.constant 0 : index
    %get3A_2 = vector.load %arg1[%get3A, %get3A_0, %get3A_1] : memref<2x80x128xf32, #tpu.memory_space<vmem>>, vector<1x80x128xf32>
    %get3A_3 = vector.shape_cast %get3A_2 : vector<1x80x128xf32> to vector<80x128xf32>
    %get3A_4 = arith.constant 1 : index
    %get3A_5 = arith.constant 0 : index
    %get3A_6 = arith.constant 0 : index
    %get3A_7 = vector.load %arg1[%get3A_4, %get3A_5, %get3A_6] : memref<2x80x128xf32, #tpu.memory_space<vmem>>, vector<1x80x128xf32>
    %get3A_8 = vector.shape_cast %get3A_7 : vector<1x80x128xf32> to vector<80x128xf32>
    %add3A = arith.addf %get3A_3, %get3A_8 : vector<80x128xf32>
    %get3A_9 = arith.constant 0 : index
    %get3A_10 = arith.constant 0 : index
    %get3A_11 = vector.load %arg2[%get3A_9, %get3A_10] : memref<80x128xf32, #tpu.memory_space<vmem>>, vector<80x128xf32>
    %add3A_12 = arith.addf %add3A, %get3A_11 : vector<80x128xf32>
    %get3A_13 = arith.constant 0 : index
    %get3A_14 = arith.constant 0 : index
    %get3A_15 = vector.load %arg3[%get3A_13, %get3A_14] : memref<80x1xf32, #tpu.memory_space<vmem>>, vector<80x1xf32>
    %mul3A = vector.broadcast %get3A_15 : vector<80x1xf32> to vector<80x128xf32>
    %mul3A_16 = arith.mulf %add3A_12, %mul3A : vector<80x128xf32>
    %get3A_17 = arith.constant 0 : index
    %get3A_18 = arith.constant 0 : index
    %get3A_19 = vector.load %arg4[%get3A_17, %get3A_18] : memref<1x128xf32, #tpu.memory_space<vmem>>, vector<1x128xf32>
    %add3A_20 = vector.broadcast %get3A_19 : vector<1x128xf32> to vector<80x128xf32>
    %add3A_21 = arith.addf %mul3A_16, %add3A_20 : vector<80x128xf32>
    %iota3A = tpu.iota {dimensions = array<i32: 1>} : vector<80x64xi32>
    %get3A_22 = arith.constant 0 : index
    %get3A_23 = arith.constant 0 : index
    %get3A_24 = vector.load %arg5[%get3A_22, %get3A_23] : memref<80x1xi32, #tpu.memory_space<vmem>>, vector<80x1xi32>
    %eq3A = vector.broadcast %get3A_24 : vector<80x1xi32> to vector<80x64xi32>
    %eq3A_25 = arith.cmpi eq, %eq3A, %iota3A : vector<80x64xi32>
    %convert_element_type3A = arith.extui %eq3A_25 : vector<80x64xi1> to vector<80x64xi32>
    %convert_element_type3A_26 = arith.sitofp %convert_element_type3A : vector<80x64xi32> to vector<80x64xf32>
    %eq3A_27 = arith.constant 0 : i32
    %eq3A_28 = arith.cmpi eq, %arg0, %eq3A_27 : i32
    %convert_element_type3A_29 = arith.extui %eq3A_28 : i1 to i32
    %cond3A = arith.constant 0 : i32
    %cond3A_30 = arith.cmpi ne, %convert_element_type3A_29, %cond3A : i32
    scf.if %cond3A_30 {
      %broadcast_in_dim3A_631 = arith.constant 0.000000e+00 : f32
      %broadcast_in_dim3A_632 = vector.broadcast %broadcast_in_dim3A_631 : f32 to vector<64x128xf32>
      %swap3A_633 = arith.constant 0 : index
      %swap3A_634 = arith.constant 0 : index
      %swap3A_635 = vector.load %arg8[%swap3A_633, %swap3A_634] : memref<64x128xf32, #tpu.memory_space<vmem>>, vector<64x128xf32>
      tpu.vector_store %arg8[%swap3A_633, %swap3A_634], %broadcast_in_dim3A_632 {strides = array<i32>} : memref<64x128xf32, #tpu.memory_space<vmem>>, vector<64x128xf32>,
      %broadcast_in_dim3A_636 = arith.constant 0.000000e+00 : f32
      %broadcast_in_dim3A_637 = vector.broadcast %broadcast_in_dim3A_636 : f32 to vector<64x128xf32>
      %swap3A_638 = arith.constant 0 : index
      %swap3A_639 = arith.constant 0 : index
      %swap3A_640 = vector.load %arg9[%swap3A_638, %swap3A_639] : memref<64x128xf32, #tpu.memory_space<vmem>>, vector<64x128xf32>
      tpu.vector_store %arg9[%swap3A_638, %swap3A_639], %broadcast_in_dim3A_637 {strides = array<i32>} : memref<64x128xf32, #tpu.memory_space<vmem>>, vector<64x128xf32>,
      %broadcast_in_dim3A_641 = arith.constant 0xFF800000 : f32
      %broadcast_in_dim3A_642 = vector.broadcast %broadcast_in_dim3A_641 : f32 to vector<64x128xf32>
      %swap3A_643 = arith.constant 0 : index
      %swap3A_644 = arith.constant 0 : index
      %swap3A_645 = vector.load %arg10[%swap3A_643, %swap3A_644] : memref<64x128xf32, #tpu.memory_space<vmem>>, vector<64x128xf32>
      tpu.vector_store %arg10[%swap3A_643, %swap3A_644], %broadcast_in_dim3A_642 {strides = array<i32>} : memref<64x128xf32, #tpu.memory_space<vmem>>, vector<64x128xf32>,
    } else {
    }
    %get3A_31 = arith.constant 0 : index
    %get3A_32 = arith.constant 0 : index
    %get3A_33 = vector.load %arg8[%get3A_31, %get3A_32] : memref<64x128xf32, #tpu.memory_space<vmem>>, vector<64x128xf32>
    %dot_general3A = arith.constant dense<0.000000e+00> : vector<64x128xf32>
    %dot_general3A_34 = tpu.matmul %convert_element_type3A_26, %add3A_21, %dot_general3A {dimension_numbers = #tpu.dot_dimension_numbers<[0], [0], [1], [1], [0, 1, 1, 1], [], []>, transpose_lhs_hint = false} : vector<80x64xf32>, vector<80x128xf32>, vector<64x128xf32> -> vector<64x128xf32>
    %add3A_35 = arith.addf %get3A_33, %dot_general3A_34 : vector<64x128xf32>
    %swap3A = arith.constant 0 : index
    %swap3A_36 = arith.constant 0 : index
    %swap3A_37 = vector.load %arg8[%swap3A, %swap3A_36] : memref<64x128xf32, #tpu.memory_space<vmem>>, vector<64x128xf32>
    tpu.vector_store %arg8[%swap3A, %swap3A_36], %add3A_35 {strides = array<i32>} : memref<64x128xf32, #tpu.memory_space<vmem>>, vector<64x128xf32>,
    %get3A_38 = arith.constant 0 : index
    %get3A_39 = arith.constant 0 : index
    %get3A_40 = vector.load %arg9[%get3A_38, %get3A_39] : memref<64x128xf32, #tpu.memory_space<vmem>>, vector<64x128xf32>
    %broadcast_in_dim3A = arith.constant 1.000000e+00 : f32
    %broadcast_in_dim3A_41 = vector.broadcast %broadcast_in_dim3A : f32 to vector<80x128xf32>
    %dot_general3A_42 = arith.constant dense<0.000000e+00> : vector<64x128xf32>
    %dot_general3A_43 = tpu.matmul %convert_element_type3A_26, %broadcast_in_dim3A_41, %dot_general3A_42 {dimension_numbers = #tpu.dot_dimension_numbers<[0], [0], [1], [1], [0, 1, 1, 1], [], []>, transpose_lhs_hint = false} : vector<80x64xf32>, vector<80x128xf32>, vector<64x128xf32> -> vector<64x128xf32>
    %add3A_44 = arith.addf %get3A_40, %dot_general3A_43 : vector<64x128xf32>
    %swap3A_45 = arith.constant 0 : index
    %swap3A_46 = arith.constant 0 : index
    %swap3A_47 = vector.load %arg9[%swap3A_45, %swap3A_46] : memref<64x128xf32, #tpu.memory_space<vmem>>, vector<64x128xf32>
    tpu.vector_store %arg9[%swap3A_45, %swap3A_46], %add3A_44 {strides = array<i32>} : memref<64x128xf32, #tpu.memory_space<vmem>>, vector<64x128xf32>,
    %slice3A = vector.extract_strided_slice %eq3A_25 {offsets = [0, 0], sizes = [80, 1], strides = [1, 1]} : vector<80x64xi1> to vector<80x1xi1>
    %jit3A = arith.constant 0xFF800000 : f32
    %broadcast_in_dim3A_48 = vector.shape_cast %slice3A : vector<80x1xi1> to vector<80x1xi1>
    %broadcast_in_dim3A_49 = vector.broadcast %broadcast_in_dim3A_48 : vector<80x1xi1> to vector<80x128xi1>
    %broadcast_in_dim3A_50 = vector.broadcast %jit3A : f32 to vector<80x128xf32>
    %select_n3A = arith.select %broadcast_in_dim3A_49, %add3A_21, %broadcast_in_dim3A_50 : vector<80x128xi1>, vector<80x128xf32>
    %reduce_max3A = arith.constant dense<0xFF800000> : vector<128xf32>
    %reduce_max3A_51 = vector.multi_reduction <maximumf>, %select_n3A, %reduce_max3A [0] : vector<80x128xf32> to vector<128xf32>
    %broadcast_in_dim3A_52 = vector.shape_cast %reduce_max3A_51 : vector<128xf32> to vector<1x128xf32>
    %slice3A_53 = vector.extract_strided_slice %eq3A_25 {offsets = [0, 1], sizes = [80, 1], strides = [1, 1]} : vector<80x64xi1> to vector<80x1xi1>
    %jit3A_54 = arith.constant 0xFF800000 : f32
    %broadcast_in_dim3A_55 = vector.shape_cast %slice3A_53 : vector<80x1xi1> to vector<80x1xi1>
    %broadcast_in_dim3A_56 = vector.broadcast %broadcast_in_dim3A_55 : vector<80x1xi1> to vector<80x128xi1>
    %broadcast_in_dim3A_57 = vector.broadcast %jit3A_54 : f32 to vector<80x128xf32>
    %select_n3A_58 = arith.select %broadcast_in_dim3A_56, %add3A_21, %broadcast_in_dim3A_57 : vector<80x128xi1>, vector<80x128xf32>
    %reduce_max3A_59 = arith.constant dense<0xFF800000> : vector<128xf32>
    %reduce_max3A_60 = vector.multi_reduction <maximumf>, %select_n3A_58, %reduce_max3A_59 [0] : vector<80x128xf32> to vector<128xf32>
    %broadcast_in_dim3A_61 = vector.shape_cast %reduce_max3A_60 : vector<128xf32> to vector<1x128xf32>
    %slice3A_62 = vector.extract_strided_slice %eq3A_25 {offsets = [0, 2], sizes = [80, 1], strides = [1, 1]} : vector<80x64xi1> to vector<80x1xi1>
    %jit3A_63 = arith.constant 0xFF800000 : f32
    %broadcast_in_dim3A_64 = vector.shape_cast %slice3A_62 : vector<80x1xi1> to vector<80x1xi1>
    %broadcast_in_dim3A_65 = vector.broadcast %broadcast_in_dim3A_64 : vector<80x1xi1> to vector<80x128xi1>
    %broadcast_in_dim3A_66 = vector.broadcast %jit3A_63 : f32 to vector<80x128xf32>
    %select_n3A_67 = arith.select %broadcast_in_dim3A_65, %add3A_21, %broadcast_in_dim3A_66 : vector<80x128xi1>, vector<80x128xf32>
    %reduce_max3A_68 = arith.constant dense<0xFF800000> : vector<128xf32>
    %reduce_max3A_69 = vector.multi_reduction <maximumf>, %select_n3A_67, %reduce_max3A_68 [0] : vector<80x128xf32> to vector<128xf32>
    %broadcast_in_dim3A_70 = vector.shape_cast %reduce_max3A_69 : vector<128xf32> to vector<1x128xf32>
    %slice3A_71 = vector.extract_strided_slice %eq3A_25 {offsets = [0, 3], sizes = [80, 1], strides = [1, 1]} : vector<80x64xi1> to vector<80x1xi1>
    %jit3A_72 = arith.constant 0xFF800000 : f32
    %broadcast_in_dim3A_73 = vector.shape_cast %slice3A_71 : vector<80x1xi1> to vector<80x1xi1>
    %broadcast_in_dim3A_74 = vector.broadcast %broadcast_in_dim3A_73 : vector<80x1xi1> to vector<80x128xi1>
    %broadcast_in_dim3A_75 = vector.broadcast %jit3A_72 : f32 to vector<80x128xf32>
    %select_n3A_76 = arith.select %broadcast_in_dim3A_74, %add3A_21, %broadcast_in_dim3A_75 : vector<80x128xi1>, vector<80x128xf32>
    %reduce_max3A_77 = arith.constant dense<0xFF800000> : vector<128xf32>
    %reduce_max3A_78 = vector.multi_reduction <maximumf>, %select_n3A_76, %reduce_max3A_77 [0] : vector<80x128xf32> to vector<128xf32>
    %broadcast_in_dim3A_79 = vector.shape_cast %reduce_max3A_78 : vector<128xf32> to vector<1x128xf32>
    %slice3A_80 = vector.extract_strided_slice %eq3A_25 {offsets = [0, 4], sizes = [80, 1], strides = [1, 1]} : vector<80x64xi1> to vector<80x1xi1>
    %jit3A_81 = arith.constant 0xFF800000 : f32
    %broadcast_in_dim3A_82 = vector.shape_cast %slice3A_80 : vector<80x1xi1> to vector<80x1xi1>
    %broadcast_in_dim3A_83 = vector.broadcast %broadcast_in_dim3A_82 : vector<80x1xi1> to vector<80x128xi1>
    %broadcast_in_dim3A_84 = vector.broadcast %jit3A_81 : f32 to vector<80x128xf32>
    %select_n3A_85 = arith.select %broadcast_in_dim3A_83, %add3A_21, %broadcast_in_dim3A_84 : vector<80x128xi1>, vector<80x128xf32>
    %reduce_max3A_86 = arith.constant dense<0xFF800000> : vector<128xf32>
    %reduce_max3A_87 = vector.multi_reduction <maximumf>, %select_n3A_85, %reduce_max3A_86 [0] : vector<80x128xf32> to vector<128xf32>
    %broadcast_in_dim3A_88 = vector.shape_cast %reduce_max3A_87 : vector<128xf32> to vector<1x128xf32>
    %slice3A_89 = vector.extract_strided_slice %eq3A_25 {offsets = [0, 5], sizes = [80, 1], strides = [1, 1]} : vector<80x64xi1> to vector<80x1xi1>
    %jit3A_90 = arith.constant 0xFF800000 : f32
    %broadcast_in_dim3A_91 = vector.shape_cast %slice3A_89 : vector<80x1xi1> to vector<80x1xi1>
    %broadcast_in_dim3A_92 = vector.broadcast %broadcast_in_dim3A_91 : vector<80x1xi1> to vector<80x128xi1>
    %broadcast_in_dim3A_93 = vector.broadcast %jit3A_90 : f32 to vector<80x128xf32>
    %select_n3A_94 = arith.select %broadcast_in_dim3A_92, %add3A_21, %broadcast_in_dim3A_93 : vector<80x128xi1>, vector<80x128xf32>
    %reduce_max3A_95 = arith.constant dense<0xFF800000> : vector<128xf32>
    %reduce_max3A_96 = vector.multi_reduction <maximumf>, %select_n3A_94, %reduce_max3A_95 [0] : vector<80x128xf32> to vector<128xf32>
    %broadcast_in_dim3A_97 = vector.shape_cast %reduce_max3A_96 : vector<128xf32> to vector<1x128xf32>
    %slice3A_98 = vector.extract_strided_slice %eq3A_25 {offsets = [0, 6], sizes = [80, 1], strides = [1, 1]} : vector<80x64xi1> to vector<80x1xi1>
    %jit3A_99 = arith.constant 0xFF800000 : f32
    %broadcast_in_dim3A_100 = vector.shape_cast %slice3A_98 : vector<80x1xi1> to vector<80x1xi1>
    %broadcast_in_dim3A_101 = vector.broadcast %broadcast_in_dim3A_100 : vector<80x1xi1> to vector<80x128xi1>
    %broadcast_in_dim3A_102 = vector.broadcast %jit3A_99 : f32 to vector<80x128xf32>
    %select_n3A_103 = arith.select %broadcast_in_dim3A_101, %add3A_21, %broadcast_in_dim3A_102 : vector<80x128xi1>, vector<80x128xf32>
    %reduce_max3A_104 = arith.constant dense<0xFF800000> : vector<128xf32>
    %reduce_max3A_105 = vector.multi_reduction <maximumf>, %select_n3A_103, %reduce_max3A_104 [0] : vector<80x128xf32> to vector<128xf32>
    %broadcast_in_dim3A_106 = vector.shape_cast %reduce_max3A_105 : vector<128xf32> to vector<1x128xf32>
    %slice3A_107 = vector.extract_strided_slice %eq3A_25 {offsets = [0, 7], sizes = [80, 1], strides = [1, 1]} : vector<80x64xi1> to vector<80x1xi1>
    %jit3A_108 = arith.constant 0xFF800000 : f32
    %broadcast_in_dim3A_109 = vector.shape_cast %slice3A_107 : vector<80x1xi1> to vector<80x1xi1>
    %broadcast_in_dim3A_110 = vector.broadcast %broadcast_in_dim3A_109 : vector<80x1xi1> to vector<80x128xi1>
    %broadcast_in_dim3A_111 = vector.broadcast %jit3A_108 : f32 to vector<80x128xf32>
    %select_n3A_112 = arith.select %broadcast_in_dim3A_110, %add3A_21, %broadcast_in_dim3A_111 : vector<80x128xi1>, vector<80x128xf32>
    %reduce_max3A_113 = arith.constant dense<0xFF800000> : vector<128xf32>
    %reduce_max3A_114 = vector.multi_reduction <maximumf>, %select_n3A_112, %reduce_max3A_113 [0] : vector<80x128xf32> to vector<128xf32>
    %broadcast_in_dim3A_115 = vector.shape_cast %reduce_max3A_114 : vector<128xf32> to vector<1x128xf32>
    %slice3A_116 = vector.extract_strided_slice %eq3A_25 {offsets = [0, 8], sizes = [80, 1], strides = [1, 1]} : vector<80x64xi1> to vector<80x1xi1>
    %jit3A_117 = arith.constant 0xFF800000 : f32
    %broadcast_in_dim3A_118 = vector.shape_cast %slice3A_116 : vector<80x1xi1> to vector<80x1xi1>
    %broadcast_in_dim3A_119 = vector.broadcast %broadcast_in_dim3A_118 : vector<80x1xi1> to vector<80x128xi1>
    %broadcast_in_dim3A_120 = vector.broadcast %jit3A_117 : f32 to vector<80x128xf32>
    %select_n3A_121 = arith.select %broadcast_in_dim3A_119, %add3A_21, %broadcast_in_dim3A_120 : vector<80x128xi1>, vector<80x128xf32>
    %reduce_max3A_122 = arith.constant dense<0xFF800000> : vector<128xf32>
    %reduce_max3A_123 = vector.multi_reduction <maximumf>, %select_n3A_121, %reduce_max3A_122 [0] : vector<80x128xf32> to vector<128xf32>
    %broadcast_in_dim3A_124 = vector.shape_cast %reduce_max3A_123 : vector<128xf32> to vector<1x128xf32>
    %slice3A_125 = vector.extract_strided_slice %eq3A_25 {offsets = [0, 9], sizes = [80, 1], strides = [1, 1]} : vector<80x64xi1> to vector<80x1xi1>
    %jit3A_126 = arith.constant 0xFF800000 : f32
    %broadcast_in_dim3A_127 = vector.shape_cast %slice3A_125 : vector<80x1xi1> to vector<80x1xi1>
    %broadcast_in_dim3A_128 = vector.broadcast %broadcast_in_dim3A_127 : vector<80x1xi1> to vector<80x128xi1>
    %broadcast_in_dim3A_129 = vector.broadcast %jit3A_126 : f32 to vector<80x128xf32>
    %select_n3A_130 = arith.select %broadcast_in_dim3A_128, %add3A_21, %broadcast_in_dim3A_129 : vector<80x128xi1>, vector<80x128xf32>
    %reduce_max3A_131 = arith.constant dense<0xFF800000> : vector<128xf32>
    %reduce_max3A_132 = vector.multi_reduction <maximumf>, %select_n3A_130, %reduce_max3A_131 [0] : vector<80x128xf32> to vector<128xf32>
    %broadcast_in_dim3A_133 = vector.shape_cast %reduce_max3A_132 : vector<128xf32> to vector<1x128xf32>
    %slice3A_134 = vector.extract_strided_slice %eq3A_25 {offsets = [0, 10], sizes = [80, 1], strides = [1, 1]} : vector<80x64xi1> to vector<80x1xi1>
    %jit3A_135 = arith.constant 0xFF800000 : f32
    %broadcast_in_dim3A_136 = vector.shape_cast %slice3A_134 : vector<80x1xi1> to vector<80x1xi1>
    %broadcast_in_dim3A_137 = vector.broadcast %broadcast_in_dim3A_136 : vector<80x1xi1> to vector<80x128xi1>
    %broadcast_in_dim3A_138 = vector.broadcast %jit3A_135 : f32 to vector<80x128xf32>
    %select_n3A_139 = arith.select %broadcast_in_dim3A_137, %add3A_21, %broadcast_in_dim3A_138 : vector<80x128xi1>, vector<80x128xf32>
    %reduce_max3A_140 = arith.constant dense<0xFF800000> : vector<128xf32>
    %reduce_max3A_141 = vector.multi_reduction <maximumf>, %select_n3A_139, %reduce_max3A_140 [0] : vector<80x128xf32> to vector<128xf32>
    %broadcast_in_dim3A_142 = vector.shape_cast %reduce_max3A_141 : vector<128xf32> to vector<1x128xf32>
    %slice3A_143 = vector.extract_strided_slice %eq3A_25 {offsets = [0, 11], sizes = [80, 1], strides = [1, 1]} : vector<80x64xi1> to vector<80x1xi1>
    %jit3A_144 = arith.constant 0xFF800000 : f32
    %broadcast_in_dim3A_145 = vector.shape_cast %slice3A_143 : vector<80x1xi1> to vector<80x1xi1>
    %broadcast_in_dim3A_146 = vector.broadcast %broadcast_in_dim3A_145 : vector<80x1xi1> to vector<80x128xi1>
    %broadcast_in_dim3A_147 = vector.broadcast %jit3A_144 : f32 to vector<80x128xf32>
    %select_n3A_148 = arith.select %broadcast_in_dim3A_146, %add3A_21, %broadcast_in_dim3A_147 : vector<80x128xi1>, vector<80x128xf32>
    %reduce_max3A_149 = arith.constant dense<0xFF800000> : vector<128xf32>
    %reduce_max3A_150 = vector.multi_reduction <maximumf>, %select_n3A_148, %reduce_max3A_149 [0] : vector<80x128xf32> to vector<128xf32>
    %broadcast_in_dim3A_151 = vector.shape_cast %reduce_max3A_150 : vector<128xf32> to vector<1x128xf32>
    %slice3A_152 = vector.extract_strided_slice %eq3A_25 {offsets = [0, 12], sizes = [80, 1], strides = [1, 1]} : vector<80x64xi1> to vector<80x1xi1>
    %jit3A_153 = arith.constant 0xFF800000 : f32
    %broadcast_in_dim3A_154 = vector.shape_cast %slice3A_152 : vector<80x1xi1> to vector<80x1xi1>
    %broadcast_in_dim3A_155 = vector.broadcast %broadcast_in_dim3A_154 : vector<80x1xi1> to vector<80x128xi1>
    %broadcast_in_dim3A_156 = vector.broadcast %jit3A_153 : f32 to vector<80x128xf32>
    %select_n3A_157 = arith.select %broadcast_in_dim3A_155, %add3A_21, %broadcast_in_dim3A_156 : vector<80x128xi1>, vector<80x128xf32>
    %reduce_max3A_158 = arith.constant dense<0xFF800000> : vector<128xf32>
    %reduce_max3A_159 = vector.multi_reduction <maximumf>, %select_n3A_157, %reduce_max3A_158 [0] : vector<80x128xf32> to vector<128xf32>
    %broadcast_in_dim3A_160 = vector.shape_cast %reduce_max3A_159 : vector<128xf32> to vector<1x128xf32>
    %slice3A_161 = vector.extract_strided_slice %eq3A_25 {offsets = [0, 13], sizes = [80, 1], strides = [1, 1]} : vector<80x64xi1> to vector<80x1xi1>
    %jit3A_162 = arith.constant 0xFF800000 : f32
    %broadcast_in_dim3A_163 = vector.shape_cast %slice3A_161 : vector<80x1xi1> to vector<80x1xi1>
    %broadcast_in_dim3A_164 = vector.broadcast %broadcast_in_dim3A_163 : vector<80x1xi1> to vector<80x128xi1>
    %broadcast_in_dim3A_165 = vector.broadcast %jit3A_162 : f32 to vector<80x128xf32>
    %select_n3A_166 = arith.select %broadcast_in_dim3A_164, %add3A_21, %broadcast_in_dim3A_165 : vector<80x128xi1>, vector<80x128xf32>
    %reduce_max3A_167 = arith.constant dense<0xFF800000> : vector<128xf32>
    %reduce_max3A_168 = vector.multi_reduction <maximumf>, %select_n3A_166, %reduce_max3A_167 [0] : vector<80x128xf32> to vector<128xf32>
    %broadcast_in_dim3A_169 = vector.shape_cast %reduce_max3A_168 : vector<128xf32> to vector<1x128xf32>
    %slice3A_170 = vector.extract_strided_slice %eq3A_25 {offsets = [0, 14], sizes = [80, 1], strides = [1, 1]} : vector<80x64xi1> to vector<80x1xi1>
    %jit3A_171 = arith.constant 0xFF800000 : f32
    %broadcast_in_dim3A_172 = vector.shape_cast %slice3A_170 : vector<80x1xi1> to vector<80x1xi1>
    %broadcast_in_dim3A_173 = vector.broadcast %broadcast_in_dim3A_172 : vector<80x1xi1> to vector<80x128xi1>
    %broadcast_in_dim3A_174 = vector.broadcast %jit3A_171 : f32 to vector<80x128xf32>
    %select_n3A_175 = arith.select %broadcast_in_dim3A_173, %add3A_21, %broadcast_in_dim3A_174 : vector<80x128xi1>, vector<80x128xf32>
    %reduce_max3A_176 = arith.constant dense<0xFF800000> : vector<128xf32>
    %reduce_max3A_177 = vector.multi_reduction <maximumf>, %select_n3A_175, %reduce_max3A_176 [0] : vector<80x128xf32> to vector<128xf32>
    %broadcast_in_dim3A_178 = vector.shape_cast %reduce_max3A_177 : vector<128xf32> to vector<1x128xf32>
    %slice3A_179 = vector.extract_strided_slice %eq3A_25 {offsets = [0, 15], sizes = [80, 1], strides = [1, 1]} : vector<80x64xi1> to vector<80x1xi1>
    %jit3A_180 = arith.constant 0xFF800000 : f32
    %broadcast_in_dim3A_181 = vector.shape_cast %slice3A_179 : vector<80x1xi1> to vector<80x1xi1>
    %broadcast_in_dim3A_182 = vector.broadcast %broadcast_in_dim3A_181 : vector<80x1xi1> to vector<80x128xi1>
    %broadcast_in_dim3A_183 = vector.broadcast %jit3A_180 : f32 to vector<80x128xf32>
    %select_n3A_184 = arith.select %broadcast_in_dim3A_182, %add3A_21, %broadcast_in_dim3A_183 : vector<80x128xi1>, vector<80x128xf32>
    %reduce_max3A_185 = arith.constant dense<0xFF800000> : vector<128xf32>
    %reduce_max3A_186 = vector.multi_reduction <maximumf>, %select_n3A_184, %reduce_max3A_185 [0] : vector<80x128xf32> to vector<128xf32>
    %broadcast_in_dim3A_187 = vector.shape_cast %reduce_max3A_186 : vector<128xf32> to vector<1x128xf32>
    %slice3A_188 = vector.extract_strided_slice %eq3A_25 {offsets = [0, 16], sizes = [80, 1], strides = [1, 1]} : vector<80x64xi1> to vector<80x1xi1>
    %jit3A_189 = arith.constant 0xFF800000 : f32
    %broadcast_in_dim3A_190 = vector.shape_cast %slice3A_188 : vector<80x1xi1> to vector<80x1xi1>
    %broadcast_in_dim3A_191 = vector.broadcast %broadcast_in_dim3A_190 : vector<80x1xi1> to vector<80x128xi1>
    %broadcast_in_dim3A_192 = vector.broadcast %jit3A_189 : f32 to vector<80x128xf32>
    %select_n3A_193 = arith.select %broadcast_in_dim3A_191, %add3A_21, %broadcast_in_dim3A_192 : vector<80x128xi1>, vector<80x128xf32>
    %reduce_max3A_194 = arith.constant dense<0xFF800000> : vector<128xf32>
    %reduce_max3A_195 = vector.multi_reduction <maximumf>, %select_n3A_193, %reduce_max3A_194 [0] : vector<80x128xf32> to vector<128xf32>
    %broadcast_in_dim3A_196 = vector.shape_cast %reduce_max3A_195 : vector<128xf32> to vector<1x128xf32>
    %slice3A_197 = vector.extract_strided_slice %eq3A_25 {offsets = [0, 17], sizes = [80, 1], strides = [1, 1]} : vector<80x64xi1> to vector<80x1xi1>
    %jit3A_198 = arith.constant 0xFF800000 : f32
    %broadcast_in_dim3A_199 = vector.shape_cast %slice3A_197 : vector<80x1xi1> to vector<80x1xi1>
    %broadcast_in_dim3A_200 = vector.broadcast %broadcast_in_dim3A_199 : vector<80x1xi1> to vector<80x128xi1>
    %broadcast_in_dim3A_201 = vector.broadcast %jit3A_198 : f32 to vector<80x128xf32>
    %select_n3A_202 = arith.select %broadcast_in_dim3A_200, %add3A_21, %broadcast_in_dim3A_201 : vector<80x128xi1>, vector<80x128xf32>
    %reduce_max3A_203 = arith.constant dense<0xFF800000> : vector<128xf32>
    %reduce_max3A_204 = vector.multi_reduction <maximumf>, %select_n3A_202, %reduce_max3A_203 [0] : vector<80x128xf32> to vector<128xf32>
    %broadcast_in_dim3A_205 = vector.shape_cast %reduce_max3A_204 : vector<128xf32> to vector<1x128xf32>
    %slice3A_206 = vector.extract_strided_slice %eq3A_25 {offsets = [0, 18], sizes = [80, 1], strides = [1, 1]} : vector<80x64xi1> to vector<80x1xi1>
    %jit3A_207 = arith.constant 0xFF800000 : f32
    %broadcast_in_dim3A_208 = vector.shape_cast %slice3A_206 : vector<80x1xi1> to vector<80x1xi1>
    %broadcast_in_dim3A_209 = vector.broadcast %broadcast_in_dim3A_208 : vector<80x1xi1> to vector<80x128xi1>
    %broadcast_in_dim3A_210 = vector.broadcast %jit3A_207 : f32 to vector<80x128xf32>
    %select_n3A_211 = arith.select %broadcast_in_dim3A_209, %add3A_21, %broadcast_in_dim3A_210 : vector<80x128xi1>, vector<80x128xf32>
    %reduce_max3A_212 = arith.constant dense<0xFF800000> : vector<128xf32>
    %reduce_max3A_213 = vector.multi_reduction <maximumf>, %select_n3A_211, %reduce_max3A_212 [0] : vector<80x128xf32> to vector<128xf32>
    %broadcast_in_dim3A_214 = vector.shape_cast %reduce_max3A_213 : vector<128xf32> to vector<1x128xf32>
    %slice3A_215 = vector.extract_strided_slice %eq3A_25 {offsets = [0, 19], sizes = [80, 1], strides = [1, 1]} : vector<80x64xi1> to vector<80x1xi1>
    %jit3A_216 = arith.constant 0xFF800000 : f32
    %broadcast_in_dim3A_217 = vector.shape_cast %slice3A_215 : vector<80x1xi1> to vector<80x1xi1>
    %broadcast_in_dim3A_218 = vector.broadcast %broadcast_in_dim3A_217 : vector<80x1xi1> to vector<80x128xi1>
    %broadcast_in_dim3A_219 = vector.broadcast %jit3A_216 : f32 to vector<80x128xf32>
    %select_n3A_220 = arith.select %broadcast_in_dim3A_218, %add3A_21, %broadcast_in_dim3A_219 : vector<80x128xi1>, vector<80x128xf32>
    %reduce_max3A_221 = arith.constant dense<0xFF800000> : vector<128xf32>
    %reduce_max3A_222 = vector.multi_reduction <maximumf>, %select_n3A_220, %reduce_max3A_221 [0] : vector<80x128xf32> to vector<128xf32>
    %broadcast_in_dim3A_223 = vector.shape_cast %reduce_max3A_222 : vector<128xf32> to vector<1x128xf32>
    %slice3A_224 = vector.extract_strided_slice %eq3A_25 {offsets = [0, 20], sizes = [80, 1], strides = [1, 1]} : vector<80x64xi1> to vector<80x1xi1>
    %jit3A_225 = arith.constant 0xFF800000 : f32
    %broadcast_in_dim3A_226 = vector.shape_cast %slice3A_224 : vector<80x1xi1> to vector<80x1xi1>
    %broadcast_in_dim3A_227 = vector.broadcast %broadcast_in_dim3A_226 : vector<80x1xi1> to vector<80x128xi1>
    %broadcast_in_dim3A_228 = vector.broadcast %jit3A_225 : f32 to vector<80x128xf32>
    %select_n3A_229 = arith.select %broadcast_in_dim3A_227, %add3A_21, %broadcast_in_dim3A_228 : vector<80x128xi1>, vector<80x128xf32>
    %reduce_max3A_230 = arith.constant dense<0xFF800000> : vector<128xf32>
    %reduce_max3A_231 = vector.multi_reduction <maximumf>, %select_n3A_229, %reduce_max3A_230 [0] : vector<80x128xf32> to vector<128xf32>
    %broadcast_in_dim3A_232 = vector.shape_cast %reduce_max3A_231 : vector<128xf32> to vector<1x128xf32>
    %slice3A_233 = vector.extract_strided_slice %eq3A_25 {offsets = [0, 21], sizes = [80, 1], strides = [1, 1]} : vector<80x64xi1> to vector<80x1xi1>
    %jit3A_234 = arith.constant 0xFF800000 : f32
    %broadcast_in_dim3A_235 = vector.shape_cast %slice3A_233 : vector<80x1xi1> to vector<80x1xi1>
    %broadcast_in_dim3A_236 = vector.broadcast %broadcast_in_dim3A_235 : vector<80x1xi1> to vector<80x128xi1>
    %broadcast_in_dim3A_237 = vector.broadcast %jit3A_234 : f32 to vector<80x128xf32>
    %select_n3A_238 = arith.select %broadcast_in_dim3A_236, %add3A_21, %broadcast_in_dim3A_237 : vector<80x128xi1>, vector<80x128xf32>
    %reduce_max3A_239 = arith.constant dense<0xFF800000> : vector<128xf32>
    %reduce_max3A_240 = vector.multi_reduction <maximumf>, %select_n3A_238, %reduce_max3A_239 [0] : vector<80x128xf32> to vector<128xf32>
    %broadcast_in_dim3A_241 = vector.shape_cast %reduce_max3A_240 : vector<128xf32> to vector<1x128xf32>
    %slice3A_242 = vector.extract_strided_slice %eq3A_25 {offsets = [0, 22], sizes = [80, 1], strides = [1, 1]} : vector<80x64xi1> to vector<80x1xi1>
    %jit3A_243 = arith.constant 0xFF800000 : f32
    %broadcast_in_dim3A_244 = vector.shape_cast %slice3A_242 : vector<80x1xi1> to vector<80x1xi1>
    %broadcast_in_dim3A_245 = vector.broadcast %broadcast_in_dim3A_244 : vector<80x1xi1> to vector<80x128xi1>
    %broadcast_in_dim3A_246 = vector.broadcast %jit3A_243 : f32 to vector<80x128xf32>
    %select_n3A_247 = arith.select %broadcast_in_dim3A_245, %add3A_21, %broadcast_in_dim3A_246 : vector<80x128xi1>, vector<80x128xf32>
    %reduce_max3A_248 = arith.constant dense<0xFF800000> : vector<128xf32>
    %reduce_max3A_249 = vector.multi_reduction <maximumf>, %select_n3A_247, %reduce_max3A_248 [0] : vector<80x128xf32> to vector<128xf32>
    %broadcast_in_dim3A_250 = vector.shape_cast %reduce_max3A_249 : vector<128xf32> to vector<1x128xf32>
    %slice3A_251 = vector.extract_strided_slice %eq3A_25 {offsets = [0, 23], sizes = [80, 1], strides = [1, 1]} : vector<80x64xi1> to vector<80x1xi1>
    %jit3A_252 = arith.constant 0xFF800000 : f32
    %broadcast_in_dim3A_253 = vector.shape_cast %slice3A_251 : vector<80x1xi1> to vector<80x1xi1>
    %broadcast_in_dim3A_254 = vector.broadcast %broadcast_in_dim3A_253 : vector<80x1xi1> to vector<80x128xi1>
    %broadcast_in_dim3A_255 = vector.broadcast %jit3A_252 : f32 to vector<80x128xf32>
    %select_n3A_256 = arith.select %broadcast_in_dim3A_254, %add3A_21, %broadcast_in_dim3A_255 : vector<80x128xi1>, vector<80x128xf32>
    %reduce_max3A_257 = arith.constant dense<0xFF800000> : vector<128xf32>
    %reduce_max3A_258 = vector.multi_reduction <maximumf>, %select_n3A_256, %reduce_max3A_257 [0] : vector<80x128xf32> to vector<128xf32>
    %broadcast_in_dim3A_259 = vector.shape_cast %reduce_max3A_258 : vector<128xf32> to vector<1x128xf32>
    %slice3A_260 = vector.extract_strided_slice %eq3A_25 {offsets = [0, 24], sizes = [80, 1], strides = [1, 1]} : vector<80x64xi1> to vector<80x1xi1>
    %jit3A_261 = arith.constant 0xFF800000 : f32
    %broadcast_in_dim3A_262 = vector.shape_cast %slice3A_260 : vector<80x1xi1> to vector<80x1xi1>
    %broadcast_in_dim3A_263 = vector.broadcast %broadcast_in_dim3A_262 : vector<80x1xi1> to vector<80x128xi1>
    %broadcast_in_dim3A_264 = vector.broadcast %jit3A_261 : f32 to vector<80x128xf32>
    %select_n3A_265 = arith.select %broadcast_in_dim3A_263, %add3A_21, %broadcast_in_dim3A_264 : vector<80x128xi1>, vector<80x128xf32>
    %reduce_max3A_266 = arith.constant dense<0xFF800000> : vector<128xf32>
    %reduce_max3A_267 = vector.multi_reduction <maximumf>, %select_n3A_265, %reduce_max3A_266 [0] : vector<80x128xf32> to vector<128xf32>
    %broadcast_in_dim3A_268 = vector.shape_cast %reduce_max3A_267 : vector<128xf32> to vector<1x128xf32>
    %slice3A_269 = vector.extract_strided_slice %eq3A_25 {offsets = [0, 25], sizes = [80, 1], strides = [1, 1]} : vector<80x64xi1> to vector<80x1xi1>
    %jit3A_270 = arith.constant 0xFF800000 : f32
    %broadcast_in_dim3A_271 = vector.shape_cast %slice3A_269 : vector<80x1xi1> to vector<80x1xi1>
    %broadcast_in_dim3A_272 = vector.broadcast %broadcast_in_dim3A_271 : vector<80x1xi1> to vector<80x128xi1>
    %broadcast_in_dim3A_273 = vector.broadcast %jit3A_270 : f32 to vector<80x128xf32>
    %select_n3A_274 = arith.select %broadcast_in_dim3A_272, %add3A_21, %broadcast_in_dim3A_273 : vector<80x128xi1>, vector<80x128xf32>
    %reduce_max3A_275 = arith.constant dense<0xFF800000> : vector<128xf32>
    %reduce_max3A_276 = vector.multi_reduction <maximumf>, %select_n3A_274, %reduce_max3A_275 [0] : vector<80x128xf32> to vector<128xf32>
    %broadcast_in_dim3A_277 = vector.shape_cast %reduce_max3A_276 : vector<128xf32> to vector<1x128xf32>
    %slice3A_278 = vector.extract_strided_slice %eq3A_25 {offsets = [0, 26], sizes = [80, 1], strides = [1, 1]} : vector<80x64xi1> to vector<80x1xi1>
    %jit3A_279 = arith.constant 0xFF800000 : f32
    %broadcast_in_dim3A_280 = vector.shape_cast %slice3A_278 : vector<80x1xi1> to vector<80x1xi1>
    %broadcast_in_dim3A_281 = vector.broadcast %broadcast_in_dim3A_280 : vector<80x1xi1> to vector<80x128xi1>
    %broadcast_in_dim3A_282 = vector.broadcast %jit3A_279 : f32 to vector<80x128xf32>
    %select_n3A_283 = arith.select %broadcast_in_dim3A_281, %add3A_21, %broadcast_in_dim3A_282 : vector<80x128xi1>, vector<80x128xf32>
    %reduce_max3A_284 = arith.constant dense<0xFF800000> : vector<128xf32>
    %reduce_max3A_285 = vector.multi_reduction <maximumf>, %select_n3A_283, %reduce_max3A_284 [0] : vector<80x128xf32> to vector<128xf32>
    %broadcast_in_dim3A_286 = vector.shape_cast %reduce_max3A_285 : vector<128xf32> to vector<1x128xf32>
    %slice3A_287 = vector.extract_strided_slice %eq3A_25 {offsets = [0, 27], sizes = [80, 1], strides = [1, 1]} : vector<80x64xi1> to vector<80x1xi1>
    %jit3A_288 = arith.constant 0xFF800000 : f32
    %broadcast_in_dim3A_289 = vector.shape_cast %slice3A_287 : vector<80x1xi1> to vector<80x1xi1>
    %broadcast_in_dim3A_290 = vector.broadcast %broadcast_in_dim3A_289 : vector<80x1xi1> to vector<80x128xi1>
    %broadcast_in_dim3A_291 = vector.broadcast %jit3A_288 : f32 to vector<80x128xf32>
    %select_n3A_292 = arith.select %broadcast_in_dim3A_290, %add3A_21, %broadcast_in_dim3A_291 : vector<80x128xi1>, vector<80x128xf32>
    %reduce_max3A_293 = arith.constant dense<0xFF800000> : vector<128xf32>
    %reduce_max3A_294 = vector.multi_reduction <maximumf>, %select_n3A_292, %reduce_max3A_293 [0] : vector<80x128xf32> to vector<128xf32>
    %broadcast_in_dim3A_295 = vector.shape_cast %reduce_max3A_294 : vector<128xf32> to vector<1x128xf32>
    %slice3A_296 = vector.extract_strided_slice %eq3A_25 {offsets = [0, 28], sizes = [80, 1], strides = [1, 1]} : vector<80x64xi1> to vector<80x1xi1>
    %jit3A_297 = arith.constant 0xFF800000 : f32
    %broadcast_in_dim3A_298 = vector.shape_cast %slice3A_296 : vector<80x1xi1> to vector<80x1xi1>
    %broadcast_in_dim3A_299 = vector.broadcast %broadcast_in_dim3A_298 : vector<80x1xi1> to vector<80x128xi1>
    %broadcast_in_dim3A_300 = vector.broadcast %jit3A_297 : f32 to vector<80x128xf32>
    %select_n3A_301 = arith.select %broadcast_in_dim3A_299, %add3A_21, %broadcast_in_dim3A_300 : vector<80x128xi1>, vector<80x128xf32>
    %reduce_max3A_302 = arith.constant dense<0xFF800000> : vector<128xf32>
    %reduce_max3A_303 = vector.multi_reduction <maximumf>, %select_n3A_301, %reduce_max3A_302 [0] : vector<80x128xf32> to vector<128xf32>
    %broadcast_in_dim3A_304 = vector.shape_cast %reduce_max3A_303 : vector<128xf32> to vector<1x128xf32>
    %slice3A_305 = vector.extract_strided_slice %eq3A_25 {offsets = [0, 29], sizes = [80, 1], strides = [1, 1]} : vector<80x64xi1> to vector<80x1xi1>
    %jit3A_306 = arith.constant 0xFF800000 : f32
    %broadcast_in_dim3A_307 = vector.shape_cast %slice3A_305 : vector<80x1xi1> to vector<80x1xi1>
    %broadcast_in_dim3A_308 = vector.broadcast %broadcast_in_dim3A_307 : vector<80x1xi1> to vector<80x128xi1>
    %broadcast_in_dim3A_309 = vector.broadcast %jit3A_306 : f32 to vector<80x128xf32>
    %select_n3A_310 = arith.select %broadcast_in_dim3A_308, %add3A_21, %broadcast_in_dim3A_309 : vector<80x128xi1>, vector<80x128xf32>
    %reduce_max3A_311 = arith.constant dense<0xFF800000> : vector<128xf32>
    %reduce_max3A_312 = vector.multi_reduction <maximumf>, %select_n3A_310, %reduce_max3A_311 [0] : vector<80x128xf32> to vector<128xf32>
    %broadcast_in_dim3A_313 = vector.shape_cast %reduce_max3A_312 : vector<128xf32> to vector<1x128xf32>
    %slice3A_314 = vector.extract_strided_slice %eq3A_25 {offsets = [0, 30], sizes = [80, 1], strides = [1, 1]} : vector<80x64xi1> to vector<80x1xi1>
    %jit3A_315 = arith.constant 0xFF800000 : f32
    %broadcast_in_dim3A_316 = vector.shape_cast %slice3A_314 : vector<80x1xi1> to vector<80x1xi1>
    %broadcast_in_dim3A_317 = vector.broadcast %broadcast_in_dim3A_316 : vector<80x1xi1> to vector<80x128xi1>
    %broadcast_in_dim3A_318 = vector.broadcast %jit3A_315 : f32 to vector<80x128xf32>
    %select_n3A_319 = arith.select %broadcast_in_dim3A_317, %add3A_21, %broadcast_in_dim3A_318 : vector<80x128xi1>, vector<80x128xf32>
    %reduce_max3A_320 = arith.constant dense<0xFF800000> : vector<128xf32>
    %reduce_max3A_321 = vector.multi_reduction <maximumf>, %select_n3A_319, %reduce_max3A_320 [0] : vector<80x128xf32> to vector<128xf32>
    %broadcast_in_dim3A_322 = vector.shape_cast %reduce_max3A_321 : vector<128xf32> to vector<1x128xf32>
    %slice3A_323 = vector.extract_strided_slice %eq3A_25 {offsets = [0, 31], sizes = [80, 1], strides = [1, 1]} : vector<80x64xi1> to vector<80x1xi1>
    %jit3A_324 = arith.constant 0xFF800000 : f32
    %broadcast_in_dim3A_325 = vector.shape_cast %slice3A_323 : vector<80x1xi1> to vector<80x1xi1>
    %broadcast_in_dim3A_326 = vector.broadcast %broadcast_in_dim3A_325 : vector<80x1xi1> to vector<80x128xi1>
    %broadcast_in_dim3A_327 = vector.broadcast %jit3A_324 : f32 to vector<80x128xf32>
    %select_n3A_328 = arith.select %broadcast_in_dim3A_326, %add3A_21, %broadcast_in_dim3A_327 : vector<80x128xi1>, vector<80x128xf32>
    %reduce_max3A_329 = arith.constant dense<0xFF800000> : vector<128xf32>
    %reduce_max3A_330 = vector.multi_reduction <maximumf>, %select_n3A_328, %reduce_max3A_329 [0] : vector<80x128xf32> to vector<128xf32>
    %broadcast_in_dim3A_331 = vector.shape_cast %reduce_max3A_330 : vector<128xf32> to vector<1x128xf32>
    %slice3A_332 = vector.extract_strided_slice %eq3A_25 {offsets = [0, 32], sizes = [80, 1], strides = [1, 1]} : vector<80x64xi1> to vector<80x1xi1>
    %jit3A_333 = arith.constant 0xFF800000 : f32
    %broadcast_in_dim3A_334 = vector.shape_cast %slice3A_332 : vector<80x1xi1> to vector<80x1xi1>
    %broadcast_in_dim3A_335 = vector.broadcast %broadcast_in_dim3A_334 : vector<80x1xi1> to vector<80x128xi1>
    %broadcast_in_dim3A_336 = vector.broadcast %jit3A_333 : f32 to vector<80x128xf32>
    %select_n3A_337 = arith.select %broadcast_in_dim3A_335, %add3A_21, %broadcast_in_dim3A_336 : vector<80x128xi1>, vector<80x128xf32>
    %reduce_max3A_338 = arith.constant dense<0xFF800000> : vector<128xf32>
    %reduce_max3A_339 = vector.multi_reduction <maximumf>, %select_n3A_337, %reduce_max3A_338 [0] : vector<80x128xf32> to vector<128xf32>
    %broadcast_in_dim3A_340 = vector.shape_cast %reduce_max3A_339 : vector<128xf32> to vector<1x128xf32>
    %slice3A_341 = vector.extract_strided_slice %eq3A_25 {offsets = [0, 33], sizes = [80, 1], strides = [1, 1]} : vector<80x64xi1> to vector<80x1xi1>
    %jit3A_342 = arith.constant 0xFF800000 : f32
    %broadcast_in_dim3A_343 = vector.shape_cast %slice3A_341 : vector<80x1xi1> to vector<80x1xi1>
    %broadcast_in_dim3A_344 = vector.broadcast %broadcast_in_dim3A_343 : vector<80x1xi1> to vector<80x128xi1>
    %broadcast_in_dim3A_345 = vector.broadcast %jit3A_342 : f32 to vector<80x128xf32>
    %select_n3A_346 = arith.select %broadcast_in_dim3A_344, %add3A_21, %broadcast_in_dim3A_345 : vector<80x128xi1>, vector<80x128xf32>
    %reduce_max3A_347 = arith.constant dense<0xFF800000> : vector<128xf32>
    %reduce_max3A_348 = vector.multi_reduction <maximumf>, %select_n3A_346, %reduce_max3A_347 [0] : vector<80x128xf32> to vector<128xf32>
    %broadcast_in_dim3A_349 = vector.shape_cast %reduce_max3A_348 : vector<128xf32> to vector<1x128xf32>
    %slice3A_350 = vector.extract_strided_slice %eq3A_25 {offsets = [0, 34], sizes = [80, 1], strides = [1, 1]} : vector<80x64xi1> to vector<80x1xi1>
    %jit3A_351 = arith.constant 0xFF800000 : f32
    %broadcast_in_dim3A_352 = vector.shape_cast %slice3A_350 : vector<80x1xi1> to vector<80x1xi1>
    %broadcast_in_dim3A_353 = vector.broadcast %broadcast_in_dim3A_352 : vector<80x1xi1> to vector<80x128xi1>
    %broadcast_in_dim3A_354 = vector.broadcast %jit3A_351 : f32 to vector<80x128xf32>
    %select_n3A_355 = arith.select %broadcast_in_dim3A_353, %add3A_21, %broadcast_in_dim3A_354 : vector<80x128xi1>, vector<80x128xf32>
    %reduce_max3A_356 = arith.constant dense<0xFF800000> : vector<128xf32>
    %reduce_max3A_357 = vector.multi_reduction <maximumf>, %select_n3A_355, %reduce_max3A_356 [0] : vector<80x128xf32> to vector<128xf32>
    %broadcast_in_dim3A_358 = vector.shape_cast %reduce_max3A_357 : vector<128xf32> to vector<1x128xf32>
    %slice3A_359 = vector.extract_strided_slice %eq3A_25 {offsets = [0, 35], sizes = [80, 1], strides = [1, 1]} : vector<80x64xi1> to vector<80x1xi1>
    %jit3A_360 = arith.constant 0xFF800000 : f32
    %broadcast_in_dim3A_361 = vector.shape_cast %slice3A_359 : vector<80x1xi1> to vector<80x1xi1>
    %broadcast_in_dim3A_362 = vector.broadcast %broadcast_in_dim3A_361 : vector<80x1xi1> to vector<80x128xi1>
    %broadcast_in_dim3A_363 = vector.broadcast %jit3A_360 : f32 to vector<80x128xf32>
    %select_n3A_364 = arith.select %broadcast_in_dim3A_362, %add3A_21, %broadcast_in_dim3A_363 : vector<80x128xi1>, vector<80x128xf32>
    %reduce_max3A_365 = arith.constant dense<0xFF800000> : vector<128xf32>
    %reduce_max3A_366 = vector.multi_reduction <maximumf>, %select_n3A_364, %reduce_max3A_365 [0] : vector<80x128xf32> to vector<128xf32>
    %broadcast_in_dim3A_367 = vector.shape_cast %reduce_max3A_366 : vector<128xf32> to vector<1x128xf32>
    %slice3A_368 = vector.extract_strided_slice %eq3A_25 {offsets = [0, 36], sizes = [80, 1], strides = [1, 1]} : vector<80x64xi1> to vector<80x1xi1>
    %jit3A_369 = arith.constant 0xFF800000 : f32
    %broadcast_in_dim3A_370 = vector.shape_cast %slice3A_368 : vector<80x1xi1> to vector<80x1xi1>
    %broadcast_in_dim3A_371 = vector.broadcast %broadcast_in_dim3A_370 : vector<80x1xi1> to vector<80x128xi1>
    %broadcast_in_dim3A_372 = vector.broadcast %jit3A_369 : f32 to vector<80x128xf32>
    %select_n3A_373 = arith.select %broadcast_in_dim3A_371, %add3A_21, %broadcast_in_dim3A_372 : vector<80x128xi1>, vector<80x128xf32>
    %reduce_max3A_374 = arith.constant dense<0xFF800000> : vector<128xf32>
    %reduce_max3A_375 = vector.multi_reduction <maximumf>, %select_n3A_373, %reduce_max3A_374 [0] : vector<80x128xf32> to vector<128xf32>
    %broadcast_in_dim3A_376 = vector.shape_cast %reduce_max3A_375 : vector<128xf32> to vector<1x128xf32>
    %slice3A_377 = vector.extract_strided_slice %eq3A_25 {offsets = [0, 37], sizes = [80, 1], strides = [1, 1]} : vector<80x64xi1> to vector<80x1xi1>
    %jit3A_378 = arith.constant 0xFF800000 : f32
    %broadcast_in_dim3A_379 = vector.shape_cast %slice3A_377 : vector<80x1xi1> to vector<80x1xi1>
    %broadcast_in_dim3A_380 = vector.broadcast %broadcast_in_dim3A_379 : vector<80x1xi1> to vector<80x128xi1>
    %broadcast_in_dim3A_381 = vector.broadcast %jit3A_378 : f32 to vector<80x128xf32>
    %select_n3A_382 = arith.select %broadcast_in_dim3A_380, %add3A_21, %broadcast_in_dim3A_381 : vector<80x128xi1>, vector<80x128xf32>
    %reduce_max3A_383 = arith.constant dense<0xFF800000> : vector<128xf32>
    %reduce_max3A_384 = vector.multi_reduction <maximumf>, %select_n3A_382, %reduce_max3A_383 [0] : vector<80x128xf32> to vector<128xf32>
    %broadcast_in_dim3A_385 = vector.shape_cast %reduce_max3A_384 : vector<128xf32> to vector<1x128xf32>
    %slice3A_386 = vector.extract_strided_slice %eq3A_25 {offsets = [0, 38], sizes = [80, 1], strides = [1, 1]} : vector<80x64xi1> to vector<80x1xi1>
    %jit3A_387 = arith.constant 0xFF800000 : f32
    %broadcast_in_dim3A_388 = vector.shape_cast %slice3A_386 : vector<80x1xi1> to vector<80x1xi1>
    %broadcast_in_dim3A_389 = vector.broadcast %broadcast_in_dim3A_388 : vector<80x1xi1> to vector<80x128xi1>
    %broadcast_in_dim3A_390 = vector.broadcast %jit3A_387 : f32 to vector<80x128xf32>
    %select_n3A_391 = arith.select %broadcast_in_dim3A_389, %add3A_21, %broadcast_in_dim3A_390 : vector<80x128xi1>, vector<80x128xf32>
    %reduce_max3A_392 = arith.constant dense<0xFF800000> : vector<128xf32>
    %reduce_max3A_393 = vector.multi_reduction <maximumf>, %select_n3A_391, %reduce_max3A_392 [0] : vector<80x128xf32> to vector<128xf32>
    %broadcast_in_dim3A_394 = vector.shape_cast %reduce_max3A_393 : vector<128xf32> to vector<1x128xf32>
    %slice3A_395 = vector.extract_strided_slice %eq3A_25 {offsets = [0, 39], sizes = [80, 1], strides = [1, 1]} : vector<80x64xi1> to vector<80x1xi1>
    %jit3A_396 = arith.constant 0xFF800000 : f32
    %broadcast_in_dim3A_397 = vector.shape_cast %slice3A_395 : vector<80x1xi1> to vector<80x1xi1>
    %broadcast_in_dim3A_398 = vector.broadcast %broadcast_in_dim3A_397 : vector<80x1xi1> to vector<80x128xi1>
    %broadcast_in_dim3A_399 = vector.broadcast %jit3A_396 : f32 to vector<80x128xf32>
    %select_n3A_400 = arith.select %broadcast_in_dim3A_398, %add3A_21, %broadcast_in_dim3A_399 : vector<80x128xi1>, vector<80x128xf32>
    %reduce_max3A_401 = arith.constant dense<0xFF800000> : vector<128xf32>
    %reduce_max3A_402 = vector.multi_reduction <maximumf>, %select_n3A_400, %reduce_max3A_401 [0] : vector<80x128xf32> to vector<128xf32>
    %broadcast_in_dim3A_403 = vector.shape_cast %reduce_max3A_402 : vector<128xf32> to vector<1x128xf32>
    %slice3A_404 = vector.extract_strided_slice %eq3A_25 {offsets = [0, 40], sizes = [80, 1], strides = [1, 1]} : vector<80x64xi1> to vector<80x1xi1>
    %jit3A_405 = arith.constant 0xFF800000 : f32
    %broadcast_in_dim3A_406 = vector.shape_cast %slice3A_404 : vector<80x1xi1> to vector<80x1xi1>
    %broadcast_in_dim3A_407 = vector.broadcast %broadcast_in_dim3A_406 : vector<80x1xi1> to vector<80x128xi1>
    %broadcast_in_dim3A_408 = vector.broadcast %jit3A_405 : f32 to vector<80x128xf32>
    %select_n3A_409 = arith.select %broadcast_in_dim3A_407, %add3A_21, %broadcast_in_dim3A_408 : vector<80x128xi1>, vector<80x128xf32>
    %reduce_max3A_410 = arith.constant dense<0xFF800000> : vector<128xf32>
    %reduce_max3A_411 = vector.multi_reduction <maximumf>, %select_n3A_409, %reduce_max3A_410 [0] : vector<80x128xf32> to vector<128xf32>
    %broadcast_in_dim3A_412 = vector.shape_cast %reduce_max3A_411 : vector<128xf32> to vector<1x128xf32>
    %slice3A_413 = vector.extract_strided_slice %eq3A_25 {offsets = [0, 41], sizes = [80, 1], strides = [1, 1]} : vector<80x64xi1> to vector<80x1xi1>
    %jit3A_414 = arith.constant 0xFF800000 : f32
    %broadcast_in_dim3A_415 = vector.shape_cast %slice3A_413 : vector<80x1xi1> to vector<80x1xi1>
    %broadcast_in_dim3A_416 = vector.broadcast %broadcast_in_dim3A_415 : vector<80x1xi1> to vector<80x128xi1>
    %broadcast_in_dim3A_417 = vector.broadcast %jit3A_414 : f32 to vector<80x128xf32>
    %select_n3A_418 = arith.select %broadcast_in_dim3A_416, %add3A_21, %broadcast_in_dim3A_417 : vector<80x128xi1>, vector<80x128xf32>
    %reduce_max3A_419 = arith.constant dense<0xFF800000> : vector<128xf32>
    %reduce_max3A_420 = vector.multi_reduction <maximumf>, %select_n3A_418, %reduce_max3A_419 [0] : vector<80x128xf32> to vector<128xf32>
    %broadcast_in_dim3A_421 = vector.shape_cast %reduce_max3A_420 : vector<128xf32> to vector<1x128xf32>
    %slice3A_422 = vector.extract_strided_slice %eq3A_25 {offsets = [0, 42], sizes = [80, 1], strides = [1, 1]} : vector<80x64xi1> to vector<80x1xi1>
    %jit3A_423 = arith.constant 0xFF800000 : f32
    %broadcast_in_dim3A_424 = vector.shape_cast %slice3A_422 : vector<80x1xi1> to vector<80x1xi1>
    %broadcast_in_dim3A_425 = vector.broadcast %broadcast_in_dim3A_424 : vector<80x1xi1> to vector<80x128xi1>
    %broadcast_in_dim3A_426 = vector.broadcast %jit3A_423 : f32 to vector<80x128xf32>
    %select_n3A_427 = arith.select %broadcast_in_dim3A_425, %add3A_21, %broadcast_in_dim3A_426 : vector<80x128xi1>, vector<80x128xf32>
    %reduce_max3A_428 = arith.constant dense<0xFF800000> : vector<128xf32>
    %reduce_max3A_429 = vector.multi_reduction <maximumf>, %select_n3A_427, %reduce_max3A_428 [0] : vector<80x128xf32> to vector<128xf32>
    %broadcast_in_dim3A_430 = vector.shape_cast %reduce_max3A_429 : vector<128xf32> to vector<1x128xf32>
    %slice3A_431 = vector.extract_strided_slice %eq3A_25 {offsets = [0, 43], sizes = [80, 1], strides = [1, 1]} : vector<80x64xi1> to vector<80x1xi1>
    %jit3A_432 = arith.constant 0xFF800000 : f32
    %broadcast_in_dim3A_433 = vector.shape_cast %slice3A_431 : vector<80x1xi1> to vector<80x1xi1>
    %broadcast_in_dim3A_434 = vector.broadcast %broadcast_in_dim3A_433 : vector<80x1xi1> to vector<80x128xi1>
    %broadcast_in_dim3A_435 = vector.broadcast %jit3A_432 : f32 to vector<80x128xf32>
    %select_n3A_436 = arith.select %broadcast_in_dim3A_434, %add3A_21, %broadcast_in_dim3A_435 : vector<80x128xi1>, vector<80x128xf32>
    %reduce_max3A_437 = arith.constant dense<0xFF800000> : vector<128xf32>
    %reduce_max3A_438 = vector.multi_reduction <maximumf>, %select_n3A_436, %reduce_max3A_437 [0] : vector<80x128xf32> to vector<128xf32>
    %broadcast_in_dim3A_439 = vector.shape_cast %reduce_max3A_438 : vector<128xf32> to vector<1x128xf32>
    %slice3A_440 = vector.extract_strided_slice %eq3A_25 {offsets = [0, 44], sizes = [80, 1], strides = [1, 1]} : vector<80x64xi1> to vector<80x1xi1>
    %jit3A_441 = arith.constant 0xFF800000 : f32
    %broadcast_in_dim3A_442 = vector.shape_cast %slice3A_440 : vector<80x1xi1> to vector<80x1xi1>
    %broadcast_in_dim3A_443 = vector.broadcast %broadcast_in_dim3A_442 : vector<80x1xi1> to vector<80x128xi1>
    %broadcast_in_dim3A_444 = vector.broadcast %jit3A_441 : f32 to vector<80x128xf32>
    %select_n3A_445 = arith.select %broadcast_in_dim3A_443, %add3A_21, %broadcast_in_dim3A_444 : vector<80x128xi1>, vector<80x128xf32>
    %reduce_max3A_446 = arith.constant dense<0xFF800000> : vector<128xf32>
    %reduce_max3A_447 = vector.multi_reduction <maximumf>, %select_n3A_445, %reduce_max3A_446 [0] : vector<80x128xf32> to vector<128xf32>
    %broadcast_in_dim3A_448 = vector.shape_cast %reduce_max3A_447 : vector<128xf32> to vector<1x128xf32>
    %slice3A_449 = vector.extract_strided_slice %eq3A_25 {offsets = [0, 45], sizes = [80, 1], strides = [1, 1]} : vector<80x64xi1> to vector<80x1xi1>
    %jit3A_450 = arith.constant 0xFF800000 : f32
    %broadcast_in_dim3A_451 = vector.shape_cast %slice3A_449 : vector<80x1xi1> to vector<80x1xi1>
    %broadcast_in_dim3A_452 = vector.broadcast %broadcast_in_dim3A_451 : vector<80x1xi1> to vector<80x128xi1>
    %broadcast_in_dim3A_453 = vector.broadcast %jit3A_450 : f32 to vector<80x128xf32>
    %select_n3A_454 = arith.select %broadcast_in_dim3A_452, %add3A_21, %broadcast_in_dim3A_453 : vector<80x128xi1>, vector<80x128xf32>
    %reduce_max3A_455 = arith.constant dense<0xFF800000> : vector<128xf32>
    %reduce_max3A_456 = vector.multi_reduction <maximumf>, %select_n3A_454, %reduce_max3A_455 [0] : vector<80x128xf32> to vector<128xf32>
    %broadcast_in_dim3A_457 = vector.shape_cast %reduce_max3A_456 : vector<128xf32> to vector<1x128xf32>
    %slice3A_458 = vector.extract_strided_slice %eq3A_25 {offsets = [0, 46], sizes = [80, 1], strides = [1, 1]} : vector<80x64xi1> to vector<80x1xi1>
    %jit3A_459 = arith.constant 0xFF800000 : f32
    %broadcast_in_dim3A_460 = vector.shape_cast %slice3A_458 : vector<80x1xi1> to vector<80x1xi1>
    %broadcast_in_dim3A_461 = vector.broadcast %broadcast_in_dim3A_460 : vector<80x1xi1> to vector<80x128xi1>
    %broadcast_in_dim3A_462 = vector.broadcast %jit3A_459 : f32 to vector<80x128xf32>
    %select_n3A_463 = arith.select %broadcast_in_dim3A_461, %add3A_21, %broadcast_in_dim3A_462 : vector<80x128xi1>, vector<80x128xf32>
    %reduce_max3A_464 = arith.constant dense<0xFF800000> : vector<128xf32>
    %reduce_max3A_465 = vector.multi_reduction <maximumf>, %select_n3A_463, %reduce_max3A_464 [0] : vector<80x128xf32> to vector<128xf32>
    %broadcast_in_dim3A_466 = vector.shape_cast %reduce_max3A_465 : vector<128xf32> to vector<1x128xf32>
    %slice3A_467 = vector.extract_strided_slice %eq3A_25 {offsets = [0, 47], sizes = [80, 1], strides = [1, 1]} : vector<80x64xi1> to vector<80x1xi1>
    %jit3A_468 = arith.constant 0xFF800000 : f32
    %broadcast_in_dim3A_469 = vector.shape_cast %slice3A_467 : vector<80x1xi1> to vector<80x1xi1>
    %broadcast_in_dim3A_470 = vector.broadcast %broadcast_in_dim3A_469 : vector<80x1xi1> to vector<80x128xi1>
    %broadcast_in_dim3A_471 = vector.broadcast %jit3A_468 : f32 to vector<80x128xf32>
    %select_n3A_472 = arith.select %broadcast_in_dim3A_470, %add3A_21, %broadcast_in_dim3A_471 : vector<80x128xi1>, vector<80x128xf32>
    %reduce_max3A_473 = arith.constant dense<0xFF800000> : vector<128xf32>
    %reduce_max3A_474 = vector.multi_reduction <maximumf>, %select_n3A_472, %reduce_max3A_473 [0] : vector<80x128xf32> to vector<128xf32>
    %broadcast_in_dim3A_475 = vector.shape_cast %reduce_max3A_474 : vector<128xf32> to vector<1x128xf32>
    %slice3A_476 = vector.extract_strided_slice %eq3A_25 {offsets = [0, 48], sizes = [80, 1], strides = [1, 1]} : vector<80x64xi1> to vector<80x1xi1>
    %jit3A_477 = arith.constant 0xFF800000 : f32
    %broadcast_in_dim3A_478 = vector.shape_cast %slice3A_476 : vector<80x1xi1> to vector<80x1xi1>
    %broadcast_in_dim3A_479 = vector.broadcast %broadcast_in_dim3A_478 : vector<80x1xi1> to vector<80x128xi1>
    %broadcast_in_dim3A_480 = vector.broadcast %jit3A_477 : f32 to vector<80x128xf32>
    %select_n3A_481 = arith.select %broadcast_in_dim3A_479, %add3A_21, %broadcast_in_dim3A_480 : vector<80x128xi1>, vector<80x128xf32>
    %reduce_max3A_482 = arith.constant dense<0xFF800000> : vector<128xf32>
    %reduce_max3A_483 = vector.multi_reduction <maximumf>, %select_n3A_481, %reduce_max3A_482 [0] : vector<80x128xf32> to vector<128xf32>
    %broadcast_in_dim3A_484 = vector.shape_cast %reduce_max3A_483 : vector<128xf32> to vector<1x128xf32>
    %slice3A_485 = vector.extract_strided_slice %eq3A_25 {offsets = [0, 49], sizes = [80, 1], strides = [1, 1]} : vector<80x64xi1> to vector<80x1xi1>
    %jit3A_486 = arith.constant 0xFF800000 : f32
    %broadcast_in_dim3A_487 = vector.shape_cast %slice3A_485 : vector<80x1xi1> to vector<80x1xi1>
    %broadcast_in_dim3A_488 = vector.broadcast %broadcast_in_dim3A_487 : vector<80x1xi1> to vector<80x128xi1>
    %broadcast_in_dim3A_489 = vector.broadcast %jit3A_486 : f32 to vector<80x128xf32>
    %select_n3A_490 = arith.select %broadcast_in_dim3A_488, %add3A_21, %broadcast_in_dim3A_489 : vector<80x128xi1>, vector<80x128xf32>
    %reduce_max3A_491 = arith.constant dense<0xFF800000> : vector<128xf32>
    %reduce_max3A_492 = vector.multi_reduction <maximumf>, %select_n3A_490, %reduce_max3A_491 [0] : vector<80x128xf32> to vector<128xf32>
    %broadcast_in_dim3A_493 = vector.shape_cast %reduce_max3A_492 : vector<128xf32> to vector<1x128xf32>
    %slice3A_494 = vector.extract_strided_slice %eq3A_25 {offsets = [0, 50], sizes = [80, 1], strides = [1, 1]} : vector<80x64xi1> to vector<80x1xi1>
    %jit3A_495 = arith.constant 0xFF800000 : f32
    %broadcast_in_dim3A_496 = vector.shape_cast %slice3A_494 : vector<80x1xi1> to vector<80x1xi1>
    %broadcast_in_dim3A_497 = vector.broadcast %broadcast_in_dim3A_496 : vector<80x1xi1> to vector<80x128xi1>
    %broadcast_in_dim3A_498 = vector.broadcast %jit3A_495 : f32 to vector<80x128xf32>
    %select_n3A_499 = arith.select %broadcast_in_dim3A_497, %add3A_21, %broadcast_in_dim3A_498 : vector<80x128xi1>, vector<80x128xf32>
    %reduce_max3A_500 = arith.constant dense<0xFF800000> : vector<128xf32>
    %reduce_max3A_501 = vector.multi_reduction <maximumf>, %select_n3A_499, %reduce_max3A_500 [0] : vector<80x128xf32> to vector<128xf32>
    %broadcast_in_dim3A_502 = vector.shape_cast %reduce_max3A_501 : vector<128xf32> to vector<1x128xf32>
    %slice3A_503 = vector.extract_strided_slice %eq3A_25 {offsets = [0, 51], sizes = [80, 1], strides = [1, 1]} : vector<80x64xi1> to vector<80x1xi1>
    %jit3A_504 = arith.constant 0xFF800000 : f32
    %broadcast_in_dim3A_505 = vector.shape_cast %slice3A_503 : vector<80x1xi1> to vector<80x1xi1>
    %broadcast_in_dim3A_506 = vector.broadcast %broadcast_in_dim3A_505 : vector<80x1xi1> to vector<80x128xi1>
    %broadcast_in_dim3A_507 = vector.broadcast %jit3A_504 : f32 to vector<80x128xf32>
    %select_n3A_508 = arith.select %broadcast_in_dim3A_506, %add3A_21, %broadcast_in_dim3A_507 : vector<80x128xi1>, vector<80x128xf32>
    %reduce_max3A_509 = arith.constant dense<0xFF800000> : vector<128xf32>
    %reduce_max3A_510 = vector.multi_reduction <maximumf>, %select_n3A_508, %reduce_max3A_509 [0] : vector<80x128xf32> to vector<128xf32>
    %broadcast_in_dim3A_511 = vector.shape_cast %reduce_max3A_510 : vector<128xf32> to vector<1x128xf32>
    %slice3A_512 = vector.extract_strided_slice %eq3A_25 {offsets = [0, 52], sizes = [80, 1], strides = [1, 1]} : vector<80x64xi1> to vector<80x1xi1>
    %jit3A_513 = arith.constant 0xFF800000 : f32
    %broadcast_in_dim3A_514 = vector.shape_cast %slice3A_512 : vector<80x1xi1> to vector<80x1xi1>
    %broadcast_in_dim3A_515 = vector.broadcast %broadcast_in_dim3A_514 : vector<80x1xi1> to vector<80x128xi1>
    %broadcast_in_dim3A_516 = vector.broadcast %jit3A_513 : f32 to vector<80x128xf32>
    %select_n3A_517 = arith.select %broadcast_in_dim3A_515, %add3A_21, %broadcast_in_dim3A_516 : vector<80x128xi1>, vector<80x128xf32>
    %reduce_max3A_518 = arith.constant dense<0xFF800000> : vector<128xf32>
    %reduce_max3A_519 = vector.multi_reduction <maximumf>, %select_n3A_517, %reduce_max3A_518 [0] : vector<80x128xf32> to vector<128xf32>
    %broadcast_in_dim3A_520 = vector.shape_cast %reduce_max3A_519 : vector<128xf32> to vector<1x128xf32>
    %slice3A_521 = vector.extract_strided_slice %eq3A_25 {offsets = [0, 53], sizes = [80, 1], strides = [1, 1]} : vector<80x64xi1> to vector<80x1xi1>
    %jit3A_522 = arith.constant 0xFF800000 : f32
    %broadcast_in_dim3A_523 = vector.shape_cast %slice3A_521 : vector<80x1xi1> to vector<80x1xi1>
    %broadcast_in_dim3A_524 = vector.broadcast %broadcast_in_dim3A_523 : vector<80x1xi1> to vector<80x128xi1>
    %broadcast_in_dim3A_525 = vector.broadcast %jit3A_522 : f32 to vector<80x128xf32>
    %select_n3A_526 = arith.select %broadcast_in_dim3A_524, %add3A_21, %broadcast_in_dim3A_525 : vector<80x128xi1>, vector<80x128xf32>
    %reduce_max3A_527 = arith.constant dense<0xFF800000> : vector<128xf32>
    %reduce_max3A_528 = vector.multi_reduction <maximumf>, %select_n3A_526, %reduce_max3A_527 [0] : vector<80x128xf32> to vector<128xf32>
    %broadcast_in_dim3A_529 = vector.shape_cast %reduce_max3A_528 : vector<128xf32> to vector<1x128xf32>
    %slice3A_530 = vector.extract_strided_slice %eq3A_25 {offsets = [0, 54], sizes = [80, 1], strides = [1, 1]} : vector<80x64xi1> to vector<80x1xi1>
    %jit3A_531 = arith.constant 0xFF800000 : f32
    %broadcast_in_dim3A_532 = vector.shape_cast %slice3A_530 : vector<80x1xi1> to vector<80x1xi1>
    %broadcast_in_dim3A_533 = vector.broadcast %broadcast_in_dim3A_532 : vector<80x1xi1> to vector<80x128xi1>
    %broadcast_in_dim3A_534 = vector.broadcast %jit3A_531 : f32 to vector<80x128xf32>
    %select_n3A_535 = arith.select %broadcast_in_dim3A_533, %add3A_21, %broadcast_in_dim3A_534 : vector<80x128xi1>, vector<80x128xf32>
    %reduce_max3A_536 = arith.constant dense<0xFF800000> : vector<128xf32>
    %reduce_max3A_537 = vector.multi_reduction <maximumf>, %select_n3A_535, %reduce_max3A_536 [0] : vector<80x128xf32> to vector<128xf32>
    %broadcast_in_dim3A_538 = vector.shape_cast %reduce_max3A_537 : vector<128xf32> to vector<1x128xf32>
    %slice3A_539 = vector.extract_strided_slice %eq3A_25 {offsets = [0, 55], sizes = [80, 1], strides = [1, 1]} : vector<80x64xi1> to vector<80x1xi1>
    %jit3A_540 = arith.constant 0xFF800000 : f32
    %broadcast_in_dim3A_541 = vector.shape_cast %slice3A_539 : vector<80x1xi1> to vector<80x1xi1>
    %broadcast_in_dim3A_542 = vector.broadcast %broadcast_in_dim3A_541 : vector<80x1xi1> to vector<80x128xi1>
    %broadcast_in_dim3A_543 = vector.broadcast %jit3A_540 : f32 to vector<80x128xf32>
    %select_n3A_544 = arith.select %broadcast_in_dim3A_542, %add3A_21, %broadcast_in_dim3A_543 : vector<80x128xi1>, vector<80x128xf32>
    %reduce_max3A_545 = arith.constant dense<0xFF800000> : vector<128xf32>
    %reduce_max3A_546 = vector.multi_reduction <maximumf>, %select_n3A_544, %reduce_max3A_545 [0] : vector<80x128xf32> to vector<128xf32>
    %broadcast_in_dim3A_547 = vector.shape_cast %reduce_max3A_546 : vector<128xf32> to vector<1x128xf32>
    %slice3A_548 = vector.extract_strided_slice %eq3A_25 {offsets = [0, 56], sizes = [80, 1], strides = [1, 1]} : vector<80x64xi1> to vector<80x1xi1>
    %jit3A_549 = arith.constant 0xFF800000 : f32
    %broadcast_in_dim3A_550 = vector.shape_cast %slice3A_548 : vector<80x1xi1> to vector<80x1xi1>
    %broadcast_in_dim3A_551 = vector.broadcast %broadcast_in_dim3A_550 : vector<80x1xi1> to vector<80x128xi1>
    %broadcast_in_dim3A_552 = vector.broadcast %jit3A_549 : f32 to vector<80x128xf32>
    %select_n3A_553 = arith.select %broadcast_in_dim3A_551, %add3A_21, %broadcast_in_dim3A_552 : vector<80x128xi1>, vector<80x128xf32>
    %reduce_max3A_554 = arith.constant dense<0xFF800000> : vector<128xf32>
    %reduce_max3A_555 = vector.multi_reduction <maximumf>, %select_n3A_553, %reduce_max3A_554 [0] : vector<80x128xf32> to vector<128xf32>
    %broadcast_in_dim3A_556 = vector.shape_cast %reduce_max3A_555 : vector<128xf32> to vector<1x128xf32>
    %slice3A_557 = vector.extract_strided_slice %eq3A_25 {offsets = [0, 57], sizes = [80, 1], strides = [1, 1]} : vector<80x64xi1> to vector<80x1xi1>
    %jit3A_558 = arith.constant 0xFF800000 : f32
    %broadcast_in_dim3A_559 = vector.shape_cast %slice3A_557 : vector<80x1xi1> to vector<80x1xi1>
    %broadcast_in_dim3A_560 = vector.broadcast %broadcast_in_dim3A_559 : vector<80x1xi1> to vector<80x128xi1>
    %broadcast_in_dim3A_561 = vector.broadcast %jit3A_558 : f32 to vector<80x128xf32>
    %select_n3A_562 = arith.select %broadcast_in_dim3A_560, %add3A_21, %broadcast_in_dim3A_561 : vector<80x128xi1>, vector<80x128xf32>
    %reduce_max3A_563 = arith.constant dense<0xFF800000> : vector<128xf32>
    %reduce_max3A_564 = vector.multi_reduction <maximumf>, %select_n3A_562, %reduce_max3A_563 [0] : vector<80x128xf32> to vector<128xf32>
    %broadcast_in_dim3A_565 = vector.shape_cast %reduce_max3A_564 : vector<128xf32> to vector<1x128xf32>
    %slice3A_566 = vector.extract_strided_slice %eq3A_25 {offsets = [0, 58], sizes = [80, 1], strides = [1, 1]} : vector<80x64xi1> to vector<80x1xi1>
    %jit3A_567 = arith.constant 0xFF800000 : f32
    %broadcast_in_dim3A_568 = vector.shape_cast %slice3A_566 : vector<80x1xi1> to vector<80x1xi1>
    %broadcast_in_dim3A_569 = vector.broadcast %broadcast_in_dim3A_568 : vector<80x1xi1> to vector<80x128xi1>
    %broadcast_in_dim3A_570 = vector.broadcast %jit3A_567 : f32 to vector<80x128xf32>
    %select_n3A_571 = arith.select %broadcast_in_dim3A_569, %add3A_21, %broadcast_in_dim3A_570 : vector<80x128xi1>, vector<80x128xf32>
    %reduce_max3A_572 = arith.constant dense<0xFF800000> : vector<128xf32>
    %reduce_max3A_573 = vector.multi_reduction <maximumf>, %select_n3A_571, %reduce_max3A_572 [0] : vector<80x128xf32> to vector<128xf32>
    %broadcast_in_dim3A_574 = vector.shape_cast %reduce_max3A_573 : vector<128xf32> to vector<1x128xf32>
    %slice3A_575 = vector.extract_strided_slice %eq3A_25 {offsets = [0, 59], sizes = [80, 1], strides = [1, 1]} : vector<80x64xi1> to vector<80x1xi1>
    %jit3A_576 = arith.constant 0xFF800000 : f32
    %broadcast_in_dim3A_577 = vector.shape_cast %slice3A_575 : vector<80x1xi1> to vector<80x1xi1>
    %broadcast_in_dim3A_578 = vector.broadcast %broadcast_in_dim3A_577 : vector<80x1xi1> to vector<80x128xi1>
    %broadcast_in_dim3A_579 = vector.broadcast %jit3A_576 : f32 to vector<80x128xf32>
    %select_n3A_580 = arith.select %broadcast_in_dim3A_578, %add3A_21, %broadcast_in_dim3A_579 : vector<80x128xi1>, vector<80x128xf32>
    %reduce_max3A_581 = arith.constant dense<0xFF800000> : vector<128xf32>
    %reduce_max3A_582 = vector.multi_reduction <maximumf>, %select_n3A_580, %reduce_max3A_581 [0] : vector<80x128xf32> to vector<128xf32>
    %broadcast_in_dim3A_583 = vector.shape_cast %reduce_max3A_582 : vector<128xf32> to vector<1x128xf32>
    %slice3A_584 = vector.extract_strided_slice %eq3A_25 {offsets = [0, 60], sizes = [80, 1], strides = [1, 1]} : vector<80x64xi1> to vector<80x1xi1>
    %jit3A_585 = arith.constant 0xFF800000 : f32
    %broadcast_in_dim3A_586 = vector.shape_cast %slice3A_584 : vector<80x1xi1> to vector<80x1xi1>
    %broadcast_in_dim3A_587 = vector.broadcast %broadcast_in_dim3A_586 : vector<80x1xi1> to vector<80x128xi1>
    %broadcast_in_dim3A_588 = vector.broadcast %jit3A_585 : f32 to vector<80x128xf32>
    %select_n3A_589 = arith.select %broadcast_in_dim3A_587, %add3A_21, %broadcast_in_dim3A_588 : vector<80x128xi1>, vector<80x128xf32>
    %reduce_max3A_590 = arith.constant dense<0xFF800000> : vector<128xf32>
    %reduce_max3A_591 = vector.multi_reduction <maximumf>, %select_n3A_589, %reduce_max3A_590 [0] : vector<80x128xf32> to vector<128xf32>
    %broadcast_in_dim3A_592 = vector.shape_cast %reduce_max3A_591 : vector<128xf32> to vector<1x128xf32>
    %slice3A_593 = vector.extract_strided_slice %eq3A_25 {offsets = [0, 61], sizes = [80, 1], strides = [1, 1]} : vector<80x64xi1> to vector<80x1xi1>
    %jit3A_594 = arith.constant 0xFF800000 : f32
    %broadcast_in_dim3A_595 = vector.shape_cast %slice3A_593 : vector<80x1xi1> to vector<80x1xi1>
    %broadcast_in_dim3A_596 = vector.broadcast %broadcast_in_dim3A_595 : vector<80x1xi1> to vector<80x128xi1>
    %broadcast_in_dim3A_597 = vector.broadcast %jit3A_594 : f32 to vector<80x128xf32>
    %select_n3A_598 = arith.select %broadcast_in_dim3A_596, %add3A_21, %broadcast_in_dim3A_597 : vector<80x128xi1>, vector<80x128xf32>
    %reduce_max3A_599 = arith.constant dense<0xFF800000> : vector<128xf32>
    %reduce_max3A_600 = vector.multi_reduction <maximumf>, %select_n3A_598, %reduce_max3A_599 [0] : vector<80x128xf32> to vector<128xf32>
    %broadcast_in_dim3A_601 = vector.shape_cast %reduce_max3A_600 : vector<128xf32> to vector<1x128xf32>
    %slice3A_602 = vector.extract_strided_slice %eq3A_25 {offsets = [0, 62], sizes = [80, 1], strides = [1, 1]} : vector<80x64xi1> to vector<80x1xi1>
    %jit3A_603 = arith.constant 0xFF800000 : f32
    %broadcast_in_dim3A_604 = vector.shape_cast %slice3A_602 : vector<80x1xi1> to vector<80x1xi1>
    %broadcast_in_dim3A_605 = vector.broadcast %broadcast_in_dim3A_604 : vector<80x1xi1> to vector<80x128xi1>
    %broadcast_in_dim3A_606 = vector.broadcast %jit3A_603 : f32 to vector<80x128xf32>
    %select_n3A_607 = arith.select %broadcast_in_dim3A_605, %add3A_21, %broadcast_in_dim3A_606 : vector<80x128xi1>, vector<80x128xf32>
    %reduce_max3A_608 = arith.constant dense<0xFF800000> : vector<128xf32>
    %reduce_max3A_609 = vector.multi_reduction <maximumf>, %select_n3A_607, %reduce_max3A_608 [0] : vector<80x128xf32> to vector<128xf32>
    %broadcast_in_dim3A_610 = vector.shape_cast %reduce_max3A_609 : vector<128xf32> to vector<1x128xf32>
    %slice3A_611 = vector.extract_strided_slice %eq3A_25 {offsets = [0, 63], sizes = [80, 1], strides = [1, 1]} : vector<80x64xi1> to vector<80x1xi1>
    %jit3A_612 = arith.constant 0xFF800000 : f32
    %broadcast_in_dim3A_613 = vector.shape_cast %slice3A_611 : vector<80x1xi1> to vector<80x1xi1>
    %broadcast_in_dim3A_614 = vector.broadcast %broadcast_in_dim3A_613 : vector<80x1xi1> to vector<80x128xi1>
    %broadcast_in_dim3A_615 = vector.broadcast %jit3A_612 : f32 to vector<80x128xf32>
    %select_n3A_616 = arith.select %broadcast_in_dim3A_614, %add3A_21, %broadcast_in_dim3A_615 : vector<80x128xi1>, vector<80x128xf32>
    %reduce_max3A_617 = arith.constant dense<0xFF800000> : vector<128xf32>
    %reduce_max3A_618 = vector.multi_reduction <maximumf>, %select_n3A_616, %reduce_max3A_617 [0] : vector<80x128xf32> to vector<128xf32>
    %broadcast_in_dim3A_619 = vector.shape_cast %reduce_max3A_618 : vector<128xf32> to vector<1x128xf32>
    %concatenate3A = tpu.concatenate %broadcast_in_dim3A_52, %broadcast_in_dim3A_61, %broadcast_in_dim3A_70, %broadcast_in_dim3A_79, %broadcast_in_dim3A_88, %broadcast_in_dim3A_97, %broadcast_in_dim3A_106, %broadcast_in_dim3A_115, %broadcast_in_dim3A_124, %broadcast_in_dim3A_133, %broadcast_in_dim3A_142, %broadcast_in_dim3A_151, %broadcast_in_dim3A_160, %broadcast_in_dim3A_169, %broadcast_in_dim3A_178, %broadcast_in_dim3A_187, %broadcast_in_dim3A_196, %broadcast_in_dim3A_205, %broadcast_in_dim3A_214, %broadcast_in_dim3A_223, %broadcast_in_dim3A_232, %broadcast_in_dim3A_241, %broadcast_in_dim3A_250, %broadcast_in_dim3A_259, %broadcast_in_dim3A_268, %broadcast_in_dim3A_277, %broadcast_in_dim3A_286, %broadcast_in_dim3A_295, %broadcast_in_dim3A_304, %broadcast_in_dim3A_313, %broadcast_in_dim3A_322, %broadcast_in_dim3A_331, %broadcast_in_dim3A_340, %broadcast_in_dim3A_349, %broadcast_in_dim3A_358, %broadcast_in_dim3A_367, %broadcast_in_dim3A_376, %broadcast_in_dim3A_385, %broadcast_in_dim3A_394, %broadcast_in_dim3A_403, %broadcast_in_dim3A_412, %broadcast_in_dim3A_421, %broadcast_in_dim3A_430, %broadcast_in_dim3A_439, %broadcast_in_dim3A_448, %broadcast_in_dim3A_457, %broadcast_in_dim3A_466, %broadcast_in_dim3A_475, %broadcast_in_dim3A_484, %broadcast_in_dim3A_493, %broadcast_in_dim3A_502, %broadcast_in_dim3A_511, %broadcast_in_dim3A_520, %broadcast_in_dim3A_529, %broadcast_in_dim3A_538, %broadcast_in_dim3A_547, %broadcast_in_dim3A_556, %broadcast_in_dim3A_565, %broadcast_in_dim3A_574, %broadcast_in_dim3A_583, %broadcast_in_dim3A_592, %broadcast_in_dim3A_601, %broadcast_in_dim3A_610, %broadcast_in_dim3A_619 in 0 : vector<1x128xf32>, vector<1x128xf32>, vector<1x128xf32>, vector<1x128xf32>, vector<1x128xf32>, vector<1x128xf32>, vector<1x128xf32>, vector<1x128xf32>, vector<1x128xf32>, vector<1x128xf32>, vector<1x128xf32>, vector<1x128xf32>, vector<1x128xf32>, vector<1x128xf32>, vector<1x128xf32>, vector<1x128xf32>, vector<1x128xf32>, vector<1x128xf32>, vector<1x128xf32>, vector<1x128xf32>, vector<1x128xf32>, vector<1x128xf32>, vector<1x128xf32>, vector<1x128xf32>, vector<1x128xf32>, vector<1x128xf32>, vector<1x128xf32>, vector<1x128xf32>, vector<1x128xf32>, vector<1x128xf32>, vector<1x128xf32>, vector<1x128xf32>, vector<1x128xf32>, vector<1x128xf32>, vector<1x128xf32>, vector<1x128xf32>, vector<1x128xf32>, vector<1x128xf32>, vector<1x128xf32>, vector<1x128xf32>, vector<1x128xf32>, vector<1x128xf32>, vector<1x128xf32>, vector<1x128xf32>, vector<1x128xf32>, vector<1x128xf32>, vector<1x128xf32>, vector<1x128xf32>, vector<1x128xf32>, vector<1x128xf32>, vector<1x128xf32>, vector<1x128xf32>, vector<1x128xf32>, vector<1x128xf32>, vector<1x128xf32>, vector<1x128xf32>, vector<1x128xf32>, vector<1x128xf32>, vector<1x128xf32>, vector<1x128xf32>, vector<1x128xf32>, vector<1x128xf32>, vector<1x128xf32>, vector<1x128xf32> -> vector<64x128xf32>
    %get3A_620 = arith.constant 0 : index
    %get3A_621 = arith.constant 0 : index
    %get3A_622 = vector.load %arg10[%get3A_620, %get3A_621] : memref<64x128xf32, #tpu.memory_space<vmem>>, vector<64x128xf32>
    %max3A = arith.maximumf %get3A_622, %concatenate3A : vector<64x128xf32>
    %swap3A_623 = arith.constant 0 : index
    %swap3A_624 = arith.constant 0 : index
    %swap3A_625 = vector.load %arg10[%swap3A_623, %swap3A_624] : memref<64x128xf32, #tpu.memory_space<vmem>>, vector<64x128xf32>
    tpu.vector_store %arg10[%swap3A_623, %swap3A_624], %max3A {strides = array<i32>} : memref<64x128xf32, #tpu.memory_space<vmem>>, vector<64x128xf32>,
    %eq3A_626 = arith.constant 124 : i32
    %eq3A_627 = arith.cmpi eq, %arg0, %eq3A_626 : i32
    %convert_element_type3A_628 = arith.extui %eq3A_627 : i1 to i32
    %cond3A_629 = arith.constant 0 : i32
    %cond3A_630 = arith.cmpi ne, %convert_element_type3A_628, %cond3A_629 : i32
    scf.if %cond3A_630 {
      %get3A_631 = arith.constant 0 : index
      %get3A_632 = arith.constant 0 : index
      %get3A_633 = vector.load %arg8[%get3A_631, %get3A_632] : memref<64x128xf32, #tpu.memory_space<vmem>>, vector<64x128xf32>
      %get3A_634 = arith.constant 0 : index
      %get3A_635 = arith.constant 0 : index
      %get3A_636 = vector.load %arg9[%get3A_634, %get3A_635] : memref<64x128xf32, #tpu.memory_space<vmem>>, vector<64x128xf32>
      %max3A_637 = arith.constant 1.000000e+00 : f32
      %max3A_638 = vector.broadcast %max3A_637 : f32 to vector<64x128xf32>
      %max3A_639 = arith.maximumf %get3A_636, %max3A_638 : vector<64x128xf32>
      %div3A = arith.divf %get3A_633, %max3A_639 : vector<64x128xf32>
      %gt3A = arith.constant 0.000000e+00 : f32
      %gt3A_640 = vector.broadcast %gt3A : f32 to vector<64x128xf32>
      %gt3A_641 = arith.cmpf ogt, %get3A_636, %gt3A_640 : vector<64x128xf32>
      %get3A_642 = arith.constant 0 : index
      %get3A_643 = arith.constant 0 : index
      %get3A_644 = vector.load %arg10[%get3A_642, %get3A_643] : memref<64x128xf32, #tpu.memory_space<vmem>>, vector<64x128xf32>
      %jit3A_645 = arith.constant 0.000000e+00 : f32
      %broadcast_in_dim3A_646 = vector.broadcast %jit3A_645 : f32 to vector<64x128xf32>
      %select_n3A_647 = arith.select %gt3A_641, %get3A_644, %broadcast_in_dim3A_646 : vector<64x128xi1>, vector<64x128xf32>
      %get3A_648 = arith.constant 0 : index
      %get3A_649 = arith.constant 0 : index
      %get3A_650 = vector.load %arg6[%get3A_648, %get3A_649] : memref<384x128xf32, #tpu.memory_space<vmem>>, vector<128x128xf32>
      %dot_general3A_651 = arith.constant dense<0.000000e+00> : vector<64x128xf32>
      %dot_general3A_652 = tpu.matmul %get3A_633, %get3A_650, %dot_general3A_651 {dimension_numbers = #tpu.dot_dimension_numbers<[1], [0], [0], [1], [0, 0, 1, 1], [], []>, transpose_lhs_hint = false} : vector<64x128xf32>, vector<128x128xf32>, vector<64x128xf32> -> vector<64x128xf32>
      %get3A_653 = arith.constant 128 : index
      %get3A_654 = arith.constant 0 : index
      %get3A_655 = vector.load %arg6[%get3A_653, %get3A_654] : memref<384x128xf32, #tpu.memory_space<vmem>>, vector<128x128xf32>
      %dot_general3A_656 = arith.constant dense<0.000000e+00> : vector<64x128xf32>
      %dot_general3A_657 = tpu.matmul %div3A, %get3A_655, %dot_general3A_656 {dimension_numbers = #tpu.dot_dimension_numbers<[1], [0], [0], [1], [0, 0, 1, 1], [], []>, transpose_lhs_hint = false} : vector<64x128xf32>, vector<128x128xf32>, vector<64x128xf32> -> vector<64x128xf32>
      %add3A_658 = arith.addf %dot_general3A_652, %dot_general3A_657 : vector<64x128xf32>
      %get3A_659 = arith.constant 256 : index
      %get3A_660 = arith.constant 0 : index
      %get3A_661 = vector.load %arg6[%get3A_659, %get3A_660] : memref<384x128xf32, #tpu.memory_space<vmem>>, vector<128x128xf32>
      %dot_general3A_662 = arith.constant dense<0.000000e+00> : vector<64x128xf32>
      %dot_general3A_663 = tpu.matmul %select_n3A_647, %get3A_661, %dot_general3A_662 {dimension_numbers = #tpu.dot_dimension_numbers<[1], [0], [0], [1], [0, 0, 1, 1], [], []>, transpose_lhs_hint = false} : vector<64x128xf32>, vector<128x128xf32>, vector<64x128xf32> -> vector<64x128xf32>
      %add3A_664 = arith.addf %add3A_658, %dot_general3A_663 : vector<64x128xf32>
      %get3A_665 = arith.constant 0 : index
      %get3A_666 = arith.constant 0 : index
      %get3A_667 = vector.load %arg7[%get3A_665, %get3A_666] : memref<1x128xf32, #tpu.memory_space<vmem>>, vector<1x128xf32>
      %add3A_668 = vector.broadcast %get3A_667 : vector<1x128xf32> to vector<64x128xf32>
      %add3A_669 = arith.addf %add3A_664, %add3A_668 : vector<64x128xf32>
      %swap3A_670 = arith.constant 0 : index
      %swap3A_671 = arith.constant 0 : index
      %swap3A_672 = vector.load %arg11[%swap3A_670, %swap3A_671] : memref<64x128xf32, #tpu.memory_space<vmem>>, vector<64x128xf32>
      tpu.vector_store %arg11[%swap3A_670, %swap3A_671], %add3A_669 {strides = array<i32>} : memref<64x128xf32, #tpu.memory_space<vmem>>, vector<64x128xf32>,
    } else {
    }
    return
  }
  func.func @transform_0(%arg0: i32) -> (i32, i32, i32) {
    %c0_i32 = arith.constant 0 : i32
    %c0_i32_0 = arith.constant 0 : i32
    %c0_i32_1 = arith.constant 0 : i32
    return %c0_i32, %arg0, %c0_i32_0 : i32, i32, i32
  }
  func.func @transform_1(%arg0: i32) -> (i32, i32) {
    %c0_i32 = arith.constant 0 : i32
    %c0_i32_0 = arith.constant 0 : i32
    return %arg0, %c0_i32 : i32, i32
  }
  func.func @transform_2(%arg0: i32) -> (i32, i32) {
    %c0_i32 = arith.constant 0 : i32
    %c0_i32_0 = arith.constant 0 : i32
    return %arg0, %c0_i32 : i32, i32
  }
  func.func @transform_3(%arg0: i32) -> (i32, i32) {
    %c0_i32 = arith.constant 0 : i32
    %c0_i32_0 = arith.constant 0 : i32
    %c0_i32_1 = arith.constant 0 : i32
    return %c0_i32, %c0_i32_0 : i32, i32
  }
  func.func @transform_4(%arg0: i32) -> (i32, i32) {
    %c0_i32 = arith.constant 0 : i32
    %c0_i32_0 = arith.constant 0 : i32
    return %arg0, %c0_i32 : i32, i32
  }
  func.func @transform_5(%arg0: i32) -> (i32, i32) {
    %c0_i32 = arith.constant 0 : i32
    %c0_i32_0 = arith.constant 0 : i32
    %c0_i32_1 = arith.constant 0 : i32
    return %c0_i32, %c0_i32_0 : i32, i32
  }
  func.func @transform_6(%arg0: i32) -> (i32, i32) {
    %c0_i32 = arith.constant 0 : i32
    %c0_i32_0 = arith.constant 0 : i32
    %c0_i32_1 = arith.constant 0 : i32
    return %c0_i32, %c0_i32_0 : i32, i32
  }
  func.func @transform_7(%arg0: i32) -> (i32, i32) {
    %c0_i32 = arith.constant 0 : i32
    %c0_i32_0 = arith.constant 0 : i32
    %c0_i32_1 = arith.constant 0 : i32
    return %c0_i32, %c0_i32_0 : i32, i32
  }
  func.func @transform_8(%arg0: i32) -> (i32, i32) {
    %c0_i32 = arith.constant 0 : i32
    %c0_i32_0 = arith.constant 0 : i32
    %c0_i32_1 = arith.constant 0 : i32
    return %c0_i32, %c0_i32_0 : i32, i32
  }
  func.func @transform_9(%arg0: i32) -> (i32, i32) {
    %c0_i32 = arith.constant 0 : i32
    %c0_i32_0 = arith.constant 0 : i32
    %c0_i32_1 = arith.constant 0 : i32
    return %c0_i32, %c0_i32_0 : i32, i32
  }
  func.func @transform_10(%arg0: i32) -> (i32, i32) {
    %c0_i32 = arith.constant 0 : i32
    %c0_i32_0 = arith.constant 0 : i32
    %c0_i32_1 = arith.constant 0 : i32
    return %c0_i32, %c0_i32_0 : i32, i32
  }
}

</mosaic_0001>

<sc_bundles>
// kernel: kernel.10.cloned.1.call-start
scs
__scs_entry_jumppad:
0x0: {  	(pc) =	sbr.rel $0x88, $3  }
0x1: {  	(tag) =	ssettag $0x0;
	lr =	simm.s32 $0x1  }
0x2: {  	[smem:$0x3F96] =	sst lr;
	_ =	strace $0xD0000000  }
0x3: {  	_ = 	snop  }
0x4: {  	_ = 	snop  }
0x5: {  	_ = 	snop  }
0x6: {  	_ = 	snop  }
0x7: {  	_ = 	snop  }
__scs_overlays_trampoline_lowered:
0x8: {  	[smem:$0x3FA5] =	sst s0  }
0x9: {  	[smem:$0x3FA6] =	sst s1  }
0xa: {  	[smem:$0x3FA7] =	sst s2  }
0xb: {  	[smem:$0x3FA8] =	sst s3  }
0xc: {  	[smem:$0x3FA9] =	sst s4  }
0xd: {  	[smem:$0x3FAA] =	sst s5  }
0xe: {  	[smem:$0x3FAB] =	sst s6  }
0xf: {  	[smem:$0x3FAC] =	sst s7  }
0x10: {  	[smem:$0x3FAD] =	sst s8  }
0x11: {  	[smem:$0x3FAE] =	sst s9;
	s0 =	simm.s32 @!p0 $0x0  }
0x12: {  	s1 =	sld [smem:$0x3F94];
	s0 =	simm.s32 @p0 $0x1  }
0x13: {  	[smem:$0x3FAF] =	sst s0;
	s0 =	simm.s32 @!p1 $0x0  }
0x14: {  	s2 =	sld [smem:$0x3F93];
	s0 =	simm.s32 @p1 $0x1  }
0x15: {  	[smem:$0x3FB0] =	sst s0;
	s0 =	simm.s32 @!p2 $0x0  }
0x16: {  	s3 =	sld [smem:$0x3FDB];
	s0 =	simm.s32 @p2 $0x1  }
0x17: {  	s4 =	simm.s32 $0x1BF5;
	[smem:$0x3FB2] =	sst s0  }
0x18: {  	s0 =	sld [smem:$0x3F95];
	_ =	swait.ge [sflag:s4], $0x0  }
0x19: {  	s7 =	sld [smem:$0x3F96]  }
0x1a: {  	s8 =	sadd.s32 $0xFFFFE003, lr  }
0x1b: {  	s9 =	sadd.s32 $0xFFFFFEF7, lr;
	s5 =	simm.s32 $0xFFFFFFFF;
	p2 =	slt.u32 s8, $0xFFFFF086  }
0x1c: {  	p1 =	slt.u32 s9, $0xF7A;
	s5 =	simm.s32 @!p2 $0x0  }
0x1d: {  	s5 =	simm.s32 @p1 $0x1;
	p0 =	seq.s32 s7, s2  }
0x1e: {  	s7 =	smul.u32 @!p0 $0xF7A, s2;
	p2 =	seq.s32 @!p0 s5, $0x0  }
0x1f: {  	s9 =	smul.u32 $0xF7A, s1;
	s8 =	simm.s32 @!p0 $0x1BF5;
	p2 =	por !p2, p0  }
0x20: {  	[sflag:s8] =	ssyncset.s32 @!p0 $0xFFFFF086;
	s6 =	sadd.s32 @!p0 s3, s7;
	s7 =	simm.s32 @!p0 $0x108  }
0x21: {  	s3 =	sadd.s32 s3, s9;
	s6 =	sadd.s32 @!p0 $0x88, s6;
	s7 =	simm.s32 @p2 $0x1082  }
0x22: {  	[simem:s7], [sflag:s8] =	dma.local @!p0 [hbm:s6], $0xF7A  }
0x23: {  	s9 =	sor.u32 $0xD0000000, s2;
	s6 =	simm.s32 $0x108;
	_ =	swait.ge @!p0 [sflag:s8], $0x0  }
0x24: {  	s3 =	sadd.s32 $0x88, s3;
	s6 =	simm.s32 @!p1 $0x1082;
	[sflag:s4] =	ssyncset.s32 $0xFFFFF086  }
0x25: {  	[simem:s6], [sflag:s4] =	dma.local [hbm:s3], $0xF7A  }
0x26: {  	[smem:$0x3F96] =	sst s1;
	(tag) =	ssettag s2;
	_ =	strace s9  }
0x27: {  	s1 =	sld [smem:$0x3FA6]  }
0x28: {  	s2 =	sld [smem:$0x3FA7]  }
0x29: {  	s4 =	sld [smem:$0x3FA9]  }
0x2a: {  	p0 =	seq.s32 s5, $0x0;
	s5 =	sld [smem:$0x3FAA]  }
0x2b: {  	s6 =	sld [smem:$0x3FAB]  }
0x2c: {  	s7 =	sld [smem:$0x3FAC]  }
0x2d: {  	s3 =	simm.s32 $0x108;
	s8 =	sld [smem:$0x3FAD]  }
0x2e: {  	s3 =	simm.s32 @!p0 $0x1082;
	s9 =	sld [smem:$0x3FAE]  }
0x2f: {  	lr =	sadd.s32 s0, s3;
	s0 =	sld [smem:$0x3FA5]  }
0x30: {  	s3 =	sld [smem:$0x3FA8]  }
0x31: {  	[smem:$0x3FB1] =	sst s10  }
0x32: {  	s10 =	sld [smem:$0x3FAF];
	_ =	sdelay $0x3  }
0x33: {  	p0 =	seq.s32 s10, $0x1;
	s10 =	sld [smem:$0x3FB1];
	_ =	sdelay $0x3  }
0x34: {  	[smem:$0x3FB1] =	sst s10  }
0x35: {  	s10 =	sld [smem:$0x3FB0];
	_ =	sdelay $0x3  }
0x36: {  	p1 =	seq.s32 s10, $0x1;
	s10 =	sld [smem:$0x3FB1];
	_ =	sdelay $0x3  }
0x37: {  	[smem:$0x3FB1] =	sst s10  }
0x38: {  	s10 =	sld [smem:$0x3FB2]  }
0x39: {  	_ = 	snop;
	(pc) =	sbr.ind lr, $3  }
0x3a: {  	_ = 	snop  }
0x3b: {  	_ = 	snop  }
0x3c: {  	p2 =	seq.s32 s10, $0x1;
	s10 =	sld [smem:$0x3FB1]  }
0x3d: {  	_ =	shalt  }
0x3e: {  	_ =	shalt  }
0x3f: {  	_ =	shalt  }
0x40: {  	_ =	shalt  }
0x41: {  	_ =	shalt  }
0x42: {  	_ =	shalt  }
0x43: {  	_ =	shalt  }
0x44: {  	_ =	shalt  }
0x45: {  	_ =	shalt  }
0x46: {  	_ =	shalt  }
0x47: {  	_ =	shalt  }
0x48: {  	_ =	shalt  }
0x49: {  	_ =	shalt  }
0x4a: {  	_ =	shalt  }
0x4b: {  	_ =	shalt  }
0x4c: {  	_ =	shalt  }
0x4d: {  	_ =	shalt  }
0x4e: {  	_ =	shalt  }
0x4f: {  	_ =	shalt  }
0x50: {  	_ =	shalt  }
0x51: {  	_ =	shalt  }
0x52: {  	_ =	shalt  }
0x53: {  	_ =	shalt  }
0x54: {  	_ =	shalt  }
0x55: {  	_ =	shalt  }
0x56: {  	_ =	shalt  }
0x57: {  	_ =	shalt  }
0x58: {  	_ =	shalt  }
0x59: {  	_ =	shalt  }
0x5a: {  	_ =	shalt  }
0x5b: {  	_ =	shalt  }
0x5c: {  	_ =	shalt  }
0x5d: {  	_ =	shalt  }
0x5e: {  	_ =	shalt  }
0x5f: {  	_ =	shalt  }
0x60: {  	_ =	shalt  }
0x61: {  	_ =	shalt  }
0x62: {  	_ =	shalt  }
0x63: {  	_ =	shalt  }
0x64: {  	_ =	shalt  }
0x65: {  	_ =	shalt  }
0x66: {  	_ =	shalt  }
0x67: {  	_ =	shalt  }
0x68: {  	_ =	shalt  }
0x69: {  	_ =	shalt  }
0x6a: {  	_ =	shalt  }
0x6b: {  	_ =	shalt  }
0x6c: {  	_ =	shalt  }
0x6d: {  	_ =	shalt  }
0x6e: {  	_ =	shalt  }
0x6f: {  	_ =	shalt  }
0x70: {  	_ =	shalt  }
0x71: {  	_ =	shalt  }
0x72: {  	_ =	shalt  }
0x73: {  	_ =	shalt  }
0x74: {  	_ =	shalt  }
0x75: {  	_ =	shalt  }
0x76: {  	_ =	shalt  }
0x77: {  	_ =	shalt  }
0x78: {  	_ =	shalt  }
0x79: {  	_ =	shalt  }
0x7a: {  	_ =	shalt  }
0x7b: {  	_ =	shalt  }
0x7c: {  	_ =	shalt  }
0x7d: {  	_ =	shalt  }
0x7e: {  	_ =	shalt  }
0x7f: {  	_ =	shalt  }
0x80: {  	_ =	shalt  }
0x81: {  	_ =	shalt  }
0x82: {  	_ =	shalt  }
0x83: {  	_ =	shalt  }
0x84: {  	_ =	shalt  }
0x85: {  	_ =	shalt  }
0x86: {  	_ =	shalt  }
0x87: {  	_ =	shalt  }
.Lfunc_end0:
.L_simem_size_0:
called_computation_lowered:
.L_overlay_start_0:
0x88: {  	s2 =	sld [smem:$0x3FD9]  }
0x89: {  	s3 =	sld [smem:$0x3FFE];
	_ =	sdelay $0x1  }
0x8a: {  	s1 =	srdreg.scid  }
0x8b: {  	s0 =	sand.u32 $0x1, s1  }
0x8c: {  	s16 =	sshll.u32 s0, $0xA;
	s2 =	sadd.s32 s3, s2  }
0x8d: {  	s2 =	sadd.s32 s2, s16  }
0x8e: {  	[smem:$0x3FBD] =	sst s2  }
0x8f: {  	_ = 	snop  }
0x90: {  	(tm) =	ssettm $0x1  }
0x91: {  	s17 =	sld [smem:$0x3FFB];
	_ =	sdelay $0x3  }
0x92: {  	_ =	strace s17  }
0x93: {  	s2 =	sld [smem:$0x3FFC];
	_ =	sdelay $0x3  }
0x94: {  	_ =	strace s2  }
0x95: {  	s2 =	sld [smem:$0x3FFD];
	_ =	sdelay $0x3  }
0x96: {  	_ =	strace s2  }
0x97: {  	_ =	strace $0x8FFFFFFF  }
0x98: {  	s18 =	sld [smem:$0x3FDB];
	_ =	sdelay $0x1  }
0x99: {  	s19 =	simm.s32 $_scs_section_size  }
0x9a: {  	s4 =	simm.s32 $_size__tile_overlayer_lowered;
	s5 =	simm.s32 $_tile_overlayer_lowered  }
0x9b: {  	s22 =	simm.s32 $0x1BFF;
	s21 =	sshll.u32 s5, $0x1;
	s2 =	sadd.s32 s19, s18  }
0x9c: {  	s6 =	simm.s32 $0x0;
	s20 =	sshll.u32 s4, $0x1;
	s4 =	sadd.s32 s21, s2  }
0x9d: {  	[timem:s6], [sflag:s22] =	dma.local [hbm:s4], s20  }
0x9e: {  	_ =	swait.ge [sflag:s22], s20  }
0x9f: {  	s3 =	ssub.s32 $0x0, s20;
	[sflag:s22] =	ssyncset.done $0x0  }
0xa0: {  	[sflag:s22] =	ssyncadd.s32 s3;
	_ =	sdelay $0x1  }
0xa1: {  	s23 =	simm.s32 $0x1B8B  }
0xa2: {  	_ =	swait.ge [sflag:s23], $0x1  }
0xa3: {  	[sflag:s23] =	ssyncset.done $0x0  }
0xa4: {  	s25 =	simm.s32 $0x1B8E;
	s24 =	sld [smem:$0x3FFE];
	[sflag:s23] =	ssyncadd.s32 $0xFFFFFFFF  }
0xa5: {  	s26 =	simm.s32 $execute0_lowered;
	[smem:$0x3FD2] =	sst s25  }
0xa6: {  	s4 =	sshll.u32 s26, $0x1;
	_ =	strace $0x80000046;
	[dreg:$0x1] =	wrdreg $0xFFFFFFFF  }
0xa7: {  	s28 =	simm.s32 $_size_execute0_lowered;
	s2 =	sadd.s32 s2, s4;
	[dreg:$0x0] =	wrdreg $0x0  }
0xa8: {  	s4 =	sshll.u32 s28, $0x1;
	[dreg:$0x2] =	wrdreg s2  }
0xa9: {  	[dreg:$0x3] =	wrdreg s4  }
0xaa: {  	[dreg:$0x4] =	wrdreg $0xC0  }
0xab: {  	_ =	task [dreg:s6], $0x5FFFF  }
0xac: {  	[dreg:$0x1] =	wrdreg $0xFFFFFFFF  }
0xad: {  	[dreg:$0x0] =	wrdreg $0x60  }
0xae: {  	[dreg:$0x2] =	wrdreg s24  }
0xaf: {  	[dreg:$0x3] =	wrdreg $0x88000  }
0xb0: {  	[dreg:$0x4] =	wrdreg $0x9  }
0xb1: {  	_ =	task.clear_ibuf [dreg:s6], $0x5FFFF;
	_ =	strace $0x90000046  }
0xb2: {  	s29 =	simm.s32 $0x9;
	_ =	strace $0x80000048  }
0xb3: {  	_ =	swait.ge [sflag:s29], $0x1  }
0xb4: {  	[sflag:s29] =	ssyncadd.s32 $0xFFFFFFFF  }
0xb5: {  	_ =	strace $0x90000048  }
0xb6: {  	_ =	sfence  }
0xb7: {  	s30 =	sld [smem:$0x0];
	_ =	sdelay $0x2  }
0xb8: {  	s31 =	sshll.u32 s1, $0xD;
	s1 =	sshrl.u32 s1, $0x2  }
0xb9: {  	s3 =	sand.u32 $0x4000, s31;
	s1 =	sadd.s32 s1, s30  }
0xba: {  	s0 =	sor.u32 s3, s0;
	s1 =	sshll.u32 s1, $0x11  }
0xbb: {  	s0 =	sor.u32 s1, s0  }
0xbc: {  	s0 =	sadd.s32 $0x8F2B, s0  }
0xbd: {  	[sflag:s0] =	ssyncadd.remote.s32 $0x1  }
0xbe: {  	_ =	sfence.sel $0xFFFF  }
0xbf: {  	[dreg:$0x0] =	wrdreg $0xFFFFFFFF;
	(pc) =	sbr.abs _section_cstart, $3  }
0xc0: {  	[dreg:$0x1] =	wrdreg $0xFFFFFFFF  }
0xc1: {  	_ =	task.clear_ibuf [dreg:s6], $0x2FFFF;
	_ =	strace $0x9FFFFFFF  }
0xc2: {  	(tm) =	ssettm $0x7FFFFFFF  }
0xc3: {  	_ =	shalt  }
tec
execute0_lowered:
.L_overlay_start_1:
0x0: {  	(tag) =	ssettag $0x1  }
0x1: {  	s4 =	rddreg [dreg:$0x0]  }
0x2: {  	s0 =	srdreg.scid;
	s2 =	rddreg [dreg:$0x1]  }
0x3: {  	s1 =	rddreg [dreg:$0x2];
	s3 =	simm.s32 $0x0;
	s12 =	simm.s32 $0x4800  }
0x4: {  	s13 =	simm.s32 $0x2;
	s14 =	simm.s32 $0x80;
	s15 =	simm.s32 $0x800  }
0x5: {  	s16 =	simm.s32 $0x180;
	s17 =	simm.s32 $0x280;
	s5 =	sand.u32 $0x1, s0  }
0x6: {  	s18 =	simm.s32 $0x380;
	s0 =	stileid.u32;
	s6 =	smul.u32 $0x50000, s5  }
0x7: {  	s19 =	simm.s32 $0x480;
	s20 =	simm.s32 $0x580;
	s7 =	smul.u32 $0x5000, s0  }
0x8: {  	s21 =	simm.s32 $0x680;
	s22 =	simm.s32 $0x780;
	s8 =	smul.u32 $0x140000, s5  }
0x9: {  	s23 =	simm.s32 $0x1;
	s24 =	simm.s32 $0x0;
	s26 =	smul.u32 $0x14000, s0  }
0xa: {  	[smem:$0x7FF] =	sst s3;
	s9 =	smul.u32 $0x50000, s0;
	s5 =	ssub.s32 $0x2, s5  }
0xb: {  	_ =	strace $0x80000047;
	s31 =	sshrl.u32 s5, $0x1;
	s6 =	sadd.s32 s7, s6  }
0xc: {  	s28 =	sadd.s32 s26, s8;
	s29 =	sshrl.u32 s9, $0x2;
	s6 =	sshrl.u32 s6, $0x3  }
0xd: {  	s10 =	ssub.s32 s5, s31;
	s11 =	sadd.s32 s6, s4;
	s6 =	sshrl.u32 s28, $0x3  }
0xe: {  	s10 =	smax.u32 s10, $0x1;
	s30 =	sadd.s32 s6, s4;
	s4 =	sadd.s32 s29, s2  }
0xf: {  	s11 =	sadd.s32 $0x17200, s11;
	s5 =	sadd.s32 $0x4000, s4;
	s6 =	sadd.s32 $0x8000, s4  }
0x10: {  	v0 =	vimm.f32 $1.000000000e+00;
	v1 =	vimm.f32 $0.0e+00;
	s7 =	sadd.s32 $0xC000, s4;
	s8 =	sadd.s32 $0x10000, s4;
	s9 =	sadd.s32 $0x2B200, s30  }
.LBB2_1:
0x11: {  	s25 =	simm.s32 $0x0;
	s26 =	simm.s32 $0x200  }
.LBB2_2:
0x12: {  	p0 =	sne.s32 s26, $0xFE00;
	[tilespmem:s25+$0x4870] =	vst v1  }
0x13: {  	[tilespmem:s25+$0x800] =	vst v0  }
0x14: {  	[tilespmem:s25+$0x4800] =	vst v1  }
0x15: {  	[tilespmem:s25+$0x810] =	vst v0  }
0x16: {  	[tilespmem:s25+$0x4810] =	vst v1  }
0x17: {  	[tilespmem:s25+$0x820] =	vst v0  }
0x18: {  	[tilespmem:s25+$0x4820] =	vst v1  }
0x19: {  	[tilespmem:s25+$0x830] =	vst v0  }
0x1a: {  	[tilespmem:s25+$0x4830] =	vst v1  }
0x1b: {  	[tilespmem:s25+$0x840] =	vst v0  }
0x1c: {  	[tilespmem:s25+$0x4840] =	vst v1  }
.Ltmp0:
0x1d: {  	[tilespmem:s25+$0x850] =	vst v0;
	(pc) =	sbr.rel @p0 .LBB2_2-.Ltmp0, $4  }
0x1e: {  	[tilespmem:s25+$0x4850] =	vst v1  }
0x1f: {  	[tilespmem:s25+$0x860] =	vst v0  }
0x20: {  	[tilespmem:s25+$0x4860] =	vst v1  }
0x21: {  	[tilespmem:s25+$0x870] =	vst v0;
	s25 =	sshra.s32 s26, $0x2;
	s26 =	sadd.s32 $0x200, s26  }
0x22: {  	[tilespmem:s25+$0x4870] =	vst v1  }
0x23: {  	[tilespmem:s25+$0x800] =	vst v0  }
0x24: {  	[tilespmem:s25+$0x4800] =	vst v1  }
0x25: {  	[tilespmem:s25+$0x810] =	vst v0  }
0x26: {  	[tilespmem:s25+$0x4810] =	vst v1  }
0x27: {  	[tilespmem:s25+$0x820] =	vst v0  }
0x28: {  	[tilespmem:s25+$0x4820] =	vst v1  }
0x29: {  	[tilespmem:s25+$0x830] =	vst v0  }
0x2a: {  	[tilespmem:s25+$0x4830] =	vst v1  }
0x2b: {  	[tilespmem:s25+$0x840] =	vst v0  }
0x2c: {  	[tilespmem:s25+$0x4840] =	vst v1  }
0x2d: {  	[tilespmem:s25+$0x850] =	vst v0  }
0x2e: {  	[tilespmem:s25+$0x4850] =	vst v1  }
0x2f: {  	[tilespmem:s25+$0x860] =	vst v0  }
0x30: {  	[tilespmem:s25+$0x4860] =	vst v1  }
0x31: {  	[tilespmem:s25+$0x870] =	vst v0  }
0x32: {  	[spmem:s4] =	stream.linear.scatter [tilespmem:s12], [sflag:$0x2], $0x4000, $0x38;
	[tilespmem:$0x1C800] =	vst v63  }
0x33: {  	_ =	swait.ge [sflag:s13], $0x4000  }
0x34: {  	[sflag:s13] =	ssyncset.done $0x0  }
0x35: {  	[sflag:s13] =	ssyncadd.s32 $0xFFFFC000  }
0x36: {  	[spmem:s5] =	stream.linear.scatter [tilespmem:s12], [sflag:$0x2], $0x4000, $0x38;
	[tilespmem:$0x1C800] =	vst v63  }
0x37: {  	_ =	swait.ge [sflag:s13], $0x4000  }
0x38: {  	[sflag:s13] =	ssyncset.done $0x0  }
0x39: {  	[sflag:s13] =	ssyncadd.s32 $0xFFFFC000  }
0x3a: {  	[spmem:s6] =	stream.linear.scatter [tilespmem:s12], [sflag:$0x2], $0x4000, $0x38;
	[tilespmem:$0x1C800] =	vst v63  }
0x3b: {  	_ =	swait.ge [sflag:s13], $0x4000  }
0x3c: {  	[sflag:s13] =	ssyncset.done $0x0  }
0x3d: {  	[sflag:s13] =	ssyncadd.s32 $0xFFFFC000  }
0x3e: {  	[spmem:s7] =	stream.linear.scatter [tilespmem:s12], [sflag:$0x2], $0x4000, $0x38;
	[tilespmem:$0x1C800] =	vst v63  }
0x3f: {  	_ =	swait.ge [sflag:s13], $0x4000  }
0x40: {  	[sflag:s13] =	ssyncset.done $0x0  }
0x41: {  	[sflag:s13] =	ssyncadd.s32 $0xFFFFC000  }
0x42: {  	[spmem:s8] =	stream.linear.scatter [tilespmem:s12], [sflag:$0x2], $0x4000, $0x38;
	[tilespmem:$0x1C800] =	vst v63  }
0x43: {  	_ =	swait.ge [sflag:s13], $0x4000  }
0x44: {  	[sflag:s13] =	ssyncset.done $0x0  }
0x45: {  	[sflag:s13] =	ssyncadd.s32 $0xFFFFC000  }
0x46: {  	s31 =	sadd.s32 $0x0, s11;
	[bflag:$0x0] =	sbarrier.arrive $0xFFFF  }
0x47: {  	[tilespmem:s3], [sflag:$0x2] =	stream.linear.gather [hbm4b:s31+s3], $0x800, $0x38;
	[tilespmem:$0x1C800] =	vst v63  }
0x48: {  	_ =	swait.ge [sflag:s13], $0x800  }
0x49: {  	[sflag:s13] =	ssyncset.done $0x0  }
0x4a: {  	[sflag:s13] =	ssyncadd.s32 $0xFFFFF800  }
0x4b: {  	[spmem:s2] =	stream.indirect.scatter.add.f32 [tilespmem:s15], [sflag:$0x1], $0x80, s14, s14, $0xb8;
	[tilespmem:$0x1C800] =	vst v63  }
0x4c: {  	_ = 	snop  }
0x4d: {  	[spmem:s2] =	stream.indirect.scatter.add.f32 [tilespmem:s15], [sflag:$0x1], $0x80, s16, s14, $0xb8;
	[tilespmem:$0x1C800] =	vst v63  }
0x4e: {  	_ = 	snop  }
0x4f: {  	[spmem:s2] =	stream.indirect.scatter.add.f32 [tilespmem:s15], [sflag:$0x1], $0x80, s17, s14, $0xb8;
	[tilespmem:$0x1C800] =	vst v63  }
0x50: {  	_ = 	snop  }
0x51: {  	[spmem:s2] =	stream.indirect.scatter.add.f32 [tilespmem:s15], [sflag:$0x1], $0x80, s18, s14, $0xb8;
	[tilespmem:$0x1C800] =	vst v63  }
0x52: {  	_ = 	snop  }
0x53: {  	[spmem:s2] =	stream.indirect.scatter.add.f32 [tilespmem:s15], [sflag:$0x1], $0x80, s19, s14, $0xb8;
	[tilespmem:$0x1C800] =	vst v63  }
0x54: {  	_ = 	snop  }
0x55: {  	[spmem:s2] =	stream.indirect.scatter.add.f32 [tilespmem:s15], [sflag:$0x1], $0x80, s20, s14, $0xb8;
	[tilespmem:$0x1C800] =	vst v63  }
0x56: {  	_ = 	snop  }
0x57: {  	[spmem:s2] =	stream.indirect.scatter.add.f32 [tilespmem:s15], [sflag:$0x1], $0x80, s21, s14, $0xb8;
	[tilespmem:$0x1C800] =	vst v63  }
0x58: {  	_ = 	snop  }
0x59: {  	[spmem:s2] =	stream.indirect.scatter.add.f32 [tilespmem:s15], [sflag:$0x1], $0x80, s22, s14, $0xb8;
	[tilespmem:$0x1C800] =	vst v63  }
0x5a: {  	_ =	swait.ge [sflag:s23], $0x4000  }
0x5b: {  	[sflag:s23] =	ssyncset.done $0x0  }
0x5c: {  	[sflag:s23] =	ssyncadd.s32 $0xFFFFC000  }
0x5d: {  	_ =	swait.ge [sflag:s23], $0x4000  }
0x5e: {  	[sflag:s23] =	ssyncset.done $0x0  }
0x5f: {  	[sflag:s23] =	ssyncadd.s32 $0xFFFFC000  }
0x60: {  	_ =	swait.ge [sflag:s23], $0x4000  }
0x61: {  	[sflag:s23] =	ssyncset.done $0x0  }
0x62: {  	[sflag:s23] =	ssyncadd.s32 $0xFFFFC000  }
0x63: {  	_ =	swait.ge [sflag:s23], $0x4000  }
0x64: {  	[sflag:s23] =	ssyncset.done $0x0  }
0x65: {  	[sflag:s23] =	ssyncadd.s32 $0xFFFFC000  }
0x66: {  	_ =	swait.ge [sflag:s23], $0x4000  }
0x67: {  	[sflag:s23] =	ssyncset.done $0x0  }
0x68: {  	[sflag:s23] =	ssyncadd.s32 $0xFFFFC000  }
0x69: {  	_ =	swait.ge [sflag:s23], $0x4000  }
0x6a: {  	[sflag:s23] =	ssyncset.done $0x0  }
0x6b: {  	[sflag:s23] =	ssyncadd.s32 $0xFFFFC000  }
0x6c: {  	_ =	swait.ge [sflag:s23], $0x4000  }
0x6d: {  	[sflag:s23] =	ssyncset.done $0x0  }
0x6e: {  	[sflag:s23] =	ssyncadd.s32 $0xFFFFC000  }
0x6f: {  	_ =	swait.ge [sflag:s23], $0x4000  }
0x70: {  	s25 =	simm.s32 $0x100;
	s28 =	simm.s32 $0x200;
	[sflag:s23] =	ssyncset.done $0x0  }
.LBB2_4:
0x71: {  	s29 =	sadd.s32 s25, s11  }
0x72: {  	[sflag:s23] =	ssyncadd.s32 $0xFFFFC000;
	s25 =	smov.u32 s28;
	s26 =	sadd.s32 $0x100, s28  }
0x73: {  	[tilespmem:s3], [sflag:$0x2] =	stream.linear.gather [hbm4b:s29+s3], $0x800, $0x38;
	[tilespmem:$0x1C800] =	vst v63  }
0x74: {  	p0 =	sne.s32 s28, $0x900;
	_ =	swait.ge [sflag:s13], $0x800  }
0x75: {  	[sflag:s13] =	ssyncset.done $0x0  }
0x76: {  	[sflag:s13] =	ssyncadd.s32 $0xFFFFF800  }
0x77: {  	[spmem:s2] =	stream.indirect.scatter.add.f32 [tilespmem:s15], [sflag:$0x1], $0x80, s14, s14, $0xb8;
	[tilespmem:$0x1C800] =	vst v63  }
0x78: {  	_ = 	snop  }
0x79: {  	[spmem:s2] =	stream.indirect.scatter.add.f32 [tilespmem:s15], [sflag:$0x1], $0x80, s16, s14, $0xb8;
	[tilespmem:$0x1C800] =	vst v63  }
0x7a: {  	_ = 	snop  }
0x7b: {  	[spmem:s2] =	stream.indirect.scatter.add.f32 [tilespmem:s15], [sflag:$0x1], $0x80, s17, s14, $0xb8;
	[tilespmem:$0x1C800] =	vst v63  }
0x7c: {  	_ = 	snop  }
0x7d: {  	[spmem:s2] =	stream.indirect.scatter.add.f32 [tilespmem:s15], [sflag:$0x1], $0x80, s18, s14, $0xb8;
	[tilespmem:$0x1C800] =	vst v63  }
0x7e: {  	_ = 	snop  }
0x7f: {  	[spmem:s2] =	stream.indirect.scatter.add.f32 [tilespmem:s15], [sflag:$0x1], $0x80, s19, s14, $0xb8;
	[tilespmem:$0x1C800] =	vst v63  }
0x80: {  	_ = 	snop  }
0x81: {  	[spmem:s2] =	stream.indirect.scatter.add.f32 [tilespmem:s15], [sflag:$0x1], $0x80, s20, s14, $0xb8;
	[tilespmem:$0x1C800] =	vst v63  }
0x82: {  	_ = 	snop  }
0x83: {  	[spmem:s2] =	stream.indirect.scatter.add.f32 [tilespmem:s15], [sflag:$0x1], $0x80, s21, s14, $0xb8;
	[tilespmem:$0x1C800] =	vst v63  }
0x84: {  	_ = 	snop  }
0x85: {  	[spmem:s2] =	stream.indirect.scatter.add.f32 [tilespmem:s15], [sflag:$0x1], $0x80, s22, s14, $0xb8;
	[tilespmem:$0x1C800] =	vst v63  }
0x86: {  	_ =	swait.ge [sflag:s23], $0x4000  }
0x87: {  	[sflag:s23] =	ssyncset.done $0x0  }
0x88: {  	[sflag:s23] =	ssyncadd.s32 $0xFFFFC000  }
0x89: {  	_ =	swait.ge [sflag:s23], $0x4000  }
0x8a: {  	[sflag:s23] =	ssyncset.done $0x0  }
0x8b: {  	[sflag:s23] =	ssyncadd.s32 $0xFFFFC000  }
0x8c: {  	_ =	swait.ge [sflag:s23], $0x4000  }
0x8d: {  	[sflag:s23] =	ssyncset.done $0x0  }
0x8e: {  	[sflag:s23] =	ssyncadd.s32 $0xFFFFC000  }
0x8f: {  	_ =	swait.ge [sflag:s23], $0x4000  }
0x90: {  	[sflag:s23] =	ssyncset.done $0x0  }
0x91: {  	[sflag:s23] =	ssyncadd.s32 $0xFFFFC000  }
0x92: {  	_ =	swait.ge [sflag:s23], $0x4000  }
0x93: {  	[sflag:s23] =	ssyncset.done $0x0  }
0x94: {  	[sflag:s23] =	ssyncadd.s32 $0xFFFFC000  }
0x95: {  	_ =	swait.ge [sflag:s23], $0x4000  }
0x96: {  	[sflag:s23] =	ssyncset.done $0x0  }
0x97: {  	[sflag:s23] =	ssyncadd.s32 $0xFFFFC000  }
.Ltmp1:
0x98: {  	_ =	swait.ge [sflag:s23], $0x4000;
	(pc) =	sbr.rel @p0 .LBB2_4-.Ltmp1, $4  }
0x99: {  	[sflag:s23] =	ssyncset.done $0x0  }
0x9a: {  	[sflag:s23] =	ssyncadd.s32 $0xFFFFC000  }
0x9b: {  	_ =	swait.ge [sflag:s23], $0x4000  }
0x9c: {  	s28 =	smov.u32 s26;
	[sflag:s23] =	ssyncset.done $0x0  }
0x9d: {  	s25 =	sadd.s32 s25, s11;
	[sflag:s23] =	ssyncadd.s32 $0xFFFFC000  }
0x9e: {  	[tilespmem:s3], [sflag:$0x2] =	stream.linear.gather [hbm4b:s25+s3], $0x800, $0x38;
	[tilespmem:$0x1C800] =	vst v63  }
0x9f: {  	_ =	swait.ge [sflag:s13], $0x800  }
0xa0: {  	[sflag:s13] =	ssyncset.done $0x0  }
0xa1: {  	[sflag:s13] =	ssyncadd.s32 $0xFFFFF800  }
0xa2: {  	[spmem:s2] =	stream.indirect.scatter.add.f32 [tilespmem:s15], [sflag:$0x1], $0x80, s14, s14, $0xb8;
	[tilespmem:$0x1C800] =	vst v63  }
0xa3: {  	_ = 	snop  }
0xa4: {  	[spmem:s2] =	stream.indirect.scatter.add.f32 [tilespmem:s15], [sflag:$0x1], $0x80, s16, s14, $0xb8;
	[tilespmem:$0x1C800] =	vst v63  }
0xa5: {  	_ = 	snop  }
0xa6: {  	[spmem:s2] =	stream.indirect.scatter.add.f32 [tilespmem:s15], [sflag:$0x1], $0x80, s17, s14, $0xb8;
	[tilespmem:$0x1C800] =	vst v63  }
0xa7: {  	_ = 	snop  }
0xa8: {  	[spmem:s2] =	stream.indirect.scatter.add.f32 [tilespmem:s15], [sflag:$0x1], $0x80, s18, s14, $0xb8;
	[tilespmem:$0x1C800] =	vst v63  }
0xa9: {  	_ = 	snop  }
0xaa: {  	[spmem:s2] =	stream.indirect.scatter.add.f32 [tilespmem:s15], [sflag:$0x1], $0x80, s19, s14, $0xb8;
	[tilespmem:$0x1C800] =	vst v63  }
0xab: {  	_ = 	snop  }
0xac: {  	[spmem:s2] =	stream.indirect.scatter.add.f32 [tilespmem:s15], [sflag:$0x1], $0x80, s20, s14, $0xb8;
	[tilespmem:$0x1C800] =	vst v63  }
0xad: {  	_ = 	snop  }
0xae: {  	[spmem:s2] =	stream.indirect.scatter.add.f32 [tilespmem:s15], [sflag:$0x1], $0x80, s21, s14, $0xb8;
	[tilespmem:$0x1C800] =	vst v63  }
0xaf: {  	_ = 	snop  }
0xb0: {  	[spmem:s2] =	stream.indirect.scatter.add.f32 [tilespmem:s15], [sflag:$0x1], $0x80, s22, s14, $0xb8;
	[tilespmem:$0x1C800] =	vst v63  }
0xb1: {  	_ =	swait.ge [sflag:s23], $0x4000  }
0xb2: {  	[sflag:s23] =	ssyncset.done $0x0  }
0xb3: {  	[sflag:s23] =	ssyncadd.s32 $0xFFFFC000  }
0xb4: {  	_ =	swait.ge [sflag:s23], $0x4000  }
0xb5: {  	[sflag:s23] =	ssyncset.done $0x0  }
0xb6: {  	[sflag:s23] =	ssyncadd.s32 $0xFFFFC000  }
0xb7: {  	_ =	swait.ge [sflag:s23], $0x4000  }
0xb8: {  	[sflag:s23] =	ssyncset.done $0x0  }
0xb9: {  	[sflag:s23] =	ssyncadd.s32 $0xFFFFC000  }
0xba: {  	_ =	swait.ge [sflag:s23], $0x4000  }
0xbb: {  	[sflag:s23] =	ssyncset.done $0x0  }
0xbc: {  	[sflag:s23] =	ssyncadd.s32 $0xFFFFC000  }
0xbd: {  	_ =	swait.ge [sflag:s23], $0x4000  }
0xbe: {  	[sflag:s23] =	ssyncset.done $0x0  }
0xbf: {  	[sflag:s23] =	ssyncadd.s32 $0xFFFFC000  }
0xc0: {  	_ =	swait.ge [sflag:s23], $0x4000  }
0xc1: {  	[sflag:s23] =	ssyncset.done $0x0  }
0xc2: {  	[sflag:s23] =	ssyncadd.s32 $0xFFFFC000  }
0xc3: {  	_ =	swait.ge [sflag:s23], $0x4000  }
0xc4: {  	[sflag:s23] =	ssyncset.done $0x0  }
0xc5: {  	[sflag:s23] =	ssyncadd.s32 $0xFFFFC000  }
0xc6: {  	_ =	swait.ge [sflag:s23], $0x4000  }
0xc7: {  	s31 =	sshll.u32 s0, $0x6;
	s24 =	sadd.s32 $0x1, s24;
	[sflag:s23] =	ssyncset.done $0x0  }
0xc8: {  	s26 =	sshrl.u32 s4, $0x3;
	p0 =	sne.s32 s24, s10;
	[sflag:s23] =	ssyncadd.s32 $0xFFFFC000  }
.Ltmp2:
0xc9: {  	s25 =	sor.u32 $0x1C02, s31;
	[bflag:$0x0] =	sbarrier.arrive $0xFFFF;
	(pc) =	sbr.rel @p0 .LBB2_1-.Ltmp2, $4  }
0xca: {  	[hbm:s9], [sflag:s25] =	dma.local [spmem:s26], $0x2800  }
0xcb: {  	_ =	swait.ge [sflag:s13], $0x2800  }
0xcc: {  	[sflag:s13] =	ssyncset.done $0x0  }
0xcd: {  	[sflag:s13] =	ssyncadd.s32 $0xFFFFD800  }
0xce: {  	_ =	sfence.sel $0x180000  }
0xcf: {  	[bflag:$0x0] =	sbarrier.arrive $0xFFFF  }
0xd0: {  	p0 =	sne.s32 s0, $0x0;
	_ =	strace $0x90000047  }
0xd1: {  	s0 =	sadd.s32 @!p0 $0x100000, s1;
	[bflag:$0x2] =	sbarrier.arrive $0xFFFF  }
0xd2: {  	[sflag:s0] =	ssyncadd.tile.s32 @!p0 $0x1;
	_ =	shalt  }
.Lfunc_end2:
_tile_overlayer_lowered:
.L_overlay_start_2:
0xd3: {  	(tag) =	ssettag $0x2  }
0xd4: {  	s0 =	rddreg [dreg:$0x0];
	s2 =	stileid.u32  }
0xd5: {  	s1 =	rddreg [dreg:$0x1];
	p0 =	sne.s32 s2, $0x0  }
0xd6: {  	s3 =	rddreg [dreg:$0x2];
	[bflag:$0x3] =	sbarrier.arrive $0xFFFF;
	s2 =	simm.s32 @!p0 $0x1C02  }
0xd7: {  	[timem:s3], [sflag:s2] =	dma.local @!p0 [hbm:s0], s1  }
0xd8: {  	s0 =	simm.s32 @!p0 $0x2  }
0xd9: {  	_ =	swait.ge @!p0 [sflag:s0], s1  }
0xda: {  	s1 =	ssub.s32 @!p0 $0x0, s1;
	[sflag:s0] =	ssyncset.done @!p0 $0x0  }
0xdb: {  	[sflag:s0] =	ssyncadd.s32 @!p0 s1  }
0xdc: {  	[bflag:$0x3] =	sbarrier.arrive $0xFFFF  }
0xdd: {  	_ =	shalt  }

// kernel: kernel.13.cloned.1.call-start
scs
__scs_entry_jumppad:
0x0: {  	(pc) =	sbr.rel $0x88, $3  }
0x1: {  	(tag) =	ssettag $0x0;
	lr =	simm.s32 $0x1  }
0x2: {  	[smem:$0x3F96] =	sst lr;
	_ =	strace $0xD0000000  }
0x3: {  	_ = 	snop  }
0x4: {  	_ = 	snop  }
0x5: {  	_ = 	snop  }
0x6: {  	_ = 	snop  }
0x7: {  	_ = 	snop  }
__scs_overlays_trampoline_lowered:
0x8: {  	[smem:$0x3FA5] =	sst s0  }
0x9: {  	[smem:$0x3FA6] =	sst s1  }
0xa: {  	[smem:$0x3FA7] =	sst s2  }
0xb: {  	[smem:$0x3FA8] =	sst s3  }
0xc: {  	[smem:$0x3FA9] =	sst s4  }
0xd: {  	[smem:$0x3FAA] =	sst s5  }
0xe: {  	[smem:$0x3FAB] =	sst s6  }
0xf: {  	[smem:$0x3FAC] =	sst s7  }
0x10: {  	[smem:$0x3FAD] =	sst s8  }
0x11: {  	[smem:$0x3FAE] =	sst s9;
	s0 =	simm.s32 @!p0 $0x0  }
0x12: {  	s1 =	sld [smem:$0x3F94];
	s0 =	simm.s32 @p0 $0x1  }
0x13: {  	[smem:$0x3FAF] =	sst s0;
	s0 =	simm.s32 @!p1 $0x0  }
0x14: {  	s2 =	sld [smem:$0x3F93];
	s0 =	simm.s32 @p1 $0x1  }
0x15: {  	[smem:$0x3FB0] =	sst s0;
	s0 =	simm.s32 @!p2 $0x0  }
0x16: {  	s3 =	sld [smem:$0x3FDB];
	s0 =	simm.s32 @p2 $0x1  }
0x17: {  	s4 =	simm.s32 $0x1BF5;
	[smem:$0x3FB2] =	sst s0  }
0x18: {  	s0 =	sld [smem:$0x3F95];
	_ =	swait.ge [sflag:s4], $0x0  }
0x19: {  	s7 =	sld [smem:$0x3F96]  }
0x1a: {  	s8 =	sadd.s32 $0xFFFFE003, lr  }
0x1b: {  	s9 =	sadd.s32 $0xFFFFFEF7, lr;
	s5 =	simm.s32 $0xFFFFFFFF;
	p2 =	slt.u32 s8, $0xFFFFF086  }
0x1c: {  	p1 =	slt.u32 s9, $0xF7A;
	s5 =	simm.s32 @!p2 $0x0  }
0x1d: {  	s5 =	simm.s32 @p1 $0x1;
	p0 =	seq.s32 s7, s2  }
0x1e: {  	s7 =	smul.u32 @!p0 $0xF7A, s2;
	p2 =	seq.s32 @!p0 s5, $0x0  }
0x1f: {  	s9 =	smul.u32 $0xF7A, s1;
	s8 =	simm.s32 @!p0 $0x1BF5;
	p2 =	por !p2, p0  }
0x20: {  	[sflag:s8] =	ssyncset.s32 @!p0 $0xFFFFF086;
	s6 =	sadd.s32 @!p0 s3, s7;
	s7 =	simm.s32 @!p0 $0x108  }
0x21: {  	s3 =	sadd.s32 s3, s9;
	s6 =	sadd.s32 @!p0 $0x88, s6;
	s7 =	simm.s32 @p2 $0x1082  }
0x22: {  	[simem:s7], [sflag:s8] =	dma.local @!p0 [hbm:s6], $0xF7A  }
0x23: {  	s9 =	sor.u32 $0xD0000000, s2;
	s6 =	simm.s32 $0x108;
	_ =	swait.ge @!p0 [sflag:s8], $0x0  }
0x24: {  	s3 =	sadd.s32 $0x88, s3;
	s6 =	simm.s32 @!p1 $0x1082;
	[sflag:s4] =	ssyncset.s32 $0xFFFFF086  }
0x25: {  	[simem:s6], [sflag:s4] =	dma.local [hbm:s3], $0xF7A  }
0x26: {  	[smem:$0x3F96] =	sst s1;
	(tag) =	ssettag s2;
	_ =	strace s9  }
0x27: {  	s1 =	sld [smem:$0x3FA6]  }
0x28: {  	s2 =	sld [smem:$0x3FA7]  }
0x29: {  	s4 =	sld [smem:$0x3FA9]  }
0x2a: {  	p0 =	seq.s32 s5, $0x0;
	s5 =	sld [smem:$0x3FAA]  }
0x2b: {  	s6 =	sld [smem:$0x3FAB]  }
0x2c: {  	s7 =	sld [smem:$0x3FAC]  }
0x2d: {  	s3 =	simm.s32 $0x108;
	s8 =	sld [smem:$0x3FAD]  }
0x2e: {  	s3 =	simm.s32 @!p0 $0x1082;
	s9 =	sld [smem:$0x3FAE]  }
0x2f: {  	lr =	sadd.s32 s0, s3;
	s0 =	sld [smem:$0x3FA5]  }
0x30: {  	s3 =	sld [smem:$0x3FA8]  }
0x31: {  	[smem:$0x3FB1] =	sst s10  }
0x32: {  	s10 =	sld [smem:$0x3FAF];
	_ =	sdelay $0x3  }
0x33: {  	p0 =	seq.s32 s10, $0x1;
	s10 =	sld [smem:$0x3FB1];
	_ =	sdelay $0x3  }
0x34: {  	[smem:$0x3FB1] =	sst s10  }
0x35: {  	s10 =	sld [smem:$0x3FB0];
	_ =	sdelay $0x3  }
0x36: {  	p1 =	seq.s32 s10, $0x1;
	s10 =	sld [smem:$0x3FB1];
	_ =	sdelay $0x3  }
0x37: {  	[smem:$0x3FB1] =	sst s10  }
0x38: {  	s10 =	sld [smem:$0x3FB2]  }
0x39: {  	_ = 	snop;
	(pc) =	sbr.ind lr, $3  }
0x3a: {  	_ = 	snop  }
0x3b: {  	_ = 	snop  }
0x3c: {  	p2 =	seq.s32 s10, $0x1;
	s10 =	sld [smem:$0x3FB1]  }
0x3d: {  	_ =	shalt  }
0x3e: {  	_ =	shalt  }
0x3f: {  	_ =	shalt  }
0x40: {  	_ =	shalt  }
0x41: {  	_ =	shalt  }
0x42: {  	_ =	shalt  }
0x43: {  	_ =	shalt  }
0x44: {  	_ =	shalt  }
0x45: {  	_ =	shalt  }
0x46: {  	_ =	shalt  }
0x47: {  	_ =	shalt  }
0x48: {  	_ =	shalt  }
0x49: {  	_ =	shalt  }
0x4a: {  	_ =	shalt  }
0x4b: {  	_ =	shalt  }
0x4c: {  	_ =	shalt  }
0x4d: {  	_ =	shalt  }
0x4e: {  	_ =	shalt  }
0x4f: {  	_ =	shalt  }
0x50: {  	_ =	shalt  }
0x51: {  	_ =	shalt  }
0x52: {  	_ =	shalt  }
0x53: {  	_ =	shalt  }
0x54: {  	_ =	shalt  }
0x55: {  	_ =	shalt  }
0x56: {  	_ =	shalt  }
0x57: {  	_ =	shalt  }
0x58: {  	_ =	shalt  }
0x59: {  	_ =	shalt  }
0x5a: {  	_ =	shalt  }
0x5b: {  	_ =	shalt  }
0x5c: {  	_ =	shalt  }
0x5d: {  	_ =	shalt  }
0x5e: {  	_ =	shalt  }
0x5f: {  	_ =	shalt  }
0x60: {  	_ =	shalt  }
0x61: {  	_ =	shalt  }
0x62: {  	_ =	shalt  }
0x63: {  	_ =	shalt  }
0x64: {  	_ =	shalt  }
0x65: {  	_ =	shalt  }
0x66: {  	_ =	shalt  }
0x67: {  	_ =	shalt  }
0x68: {  	_ =	shalt  }
0x69: {  	_ =	shalt  }
0x6a: {  	_ =	shalt  }
0x6b: {  	_ =	shalt  }
0x6c: {  	_ =	shalt  }
0x6d: {  	_ =	shalt  }
0x6e: {  	_ =	shalt  }
0x6f: {  	_ =	shalt  }
0x70: {  	_ =	shalt  }
0x71: {  	_ =	shalt  }
0x72: {  	_ =	shalt  }
0x73: {  	_ =	shalt  }
0x74: {  	_ =	shalt  }
0x75: {  	_ =	shalt  }
0x76: {  	_ =	shalt  }
0x77: {  	_ =	shalt  }
0x78: {  	_ =	shalt  }
0x79: {  	_ =	shalt  }
0x7a: {  	_ =	shalt  }
0x7b: {  	_ =	shalt  }
0x7c: {  	_ =	shalt  }
0x7d: {  	_ =	shalt  }
0x7e: {  	_ =	shalt  }
0x7f: {  	_ =	shalt  }
0x80: {  	_ =	shalt  }
0x81: {  	_ =	shalt  }
0x82: {  	_ =	shalt  }
0x83: {  	_ =	shalt  }
0x84: {  	_ =	shalt  }
0x85: {  	_ =	shalt  }
0x86: {  	_ =	shalt  }
0x87: {  	_ =	shalt  }
.Lfunc_end0:
.L_simem_size_0:
called_computation.1_lowered:
.L_overlay_start_0:
0x88: {  	s2 =	sld [smem:$0x3FD9]  }
0x89: {  	s3 =	sld [smem:$0x3FFE];
	_ =	sdelay $0x1  }
0x8a: {  	s1 =	srdreg.scid  }
0x8b: {  	s0 =	sand.u32 $0x1, s1  }
0x8c: {  	s16 =	sshll.u32 s0, $0xA;
	s2 =	sadd.s32 s3, s2  }
0x8d: {  	s2 =	sadd.s32 s2, s16  }
0x8e: {  	[smem:$0x3FBD] =	sst s2  }
0x8f: {  	_ = 	snop  }
0x90: {  	(tm) =	ssettm $0x1  }
0x91: {  	s17 =	sld [smem:$0x3FFB];
	_ =	sdelay $0x3  }
0x92: {  	_ =	strace s17  }
0x93: {  	s2 =	sld [smem:$0x3FFC];
	_ =	sdelay $0x3  }
0x94: {  	_ =	strace s2  }
0x95: {  	s2 =	sld [smem:$0x3FFD];
	_ =	sdelay $0x3  }
0x96: {  	_ =	strace s2  }
0x97: {  	_ =	strace $0x8FFFFFFF  }
0x98: {  	s18 =	sld [smem:$0x3FDB];
	_ =	sdelay $0x1  }
0x99: {  	s19 =	simm.s32 $_scs_section_size  }
0x9a: {  	s4 =	simm.s32 $_size__tile_overlayer_lowered;
	s5 =	simm.s32 $_tile_overlayer_lowered  }
0x9b: {  	s22 =	simm.s32 $0x1BFF;
	s21 =	sshll.u32 s5, $0x1;
	s2 =	sadd.s32 s19, s18  }
0x9c: {  	s6 =	simm.s32 $0x0;
	s20 =	sshll.u32 s4, $0x1;
	s4 =	sadd.s32 s21, s2  }
0x9d: {  	[timem:s6], [sflag:s22] =	dma.local [hbm:s4], s20  }
0x9e: {  	_ =	swait.ge [sflag:s22], s20  }
0x9f: {  	s3 =	ssub.s32 $0x0, s20;
	[sflag:s22] =	ssyncset.done $0x0  }
0xa0: {  	[sflag:s22] =	ssyncadd.s32 s3;
	_ =	sdelay $0x1  }
0xa1: {  	s23 =	simm.s32 $0x1B8B  }
0xa2: {  	_ =	swait.ge [sflag:s23], $0x1  }
0xa3: {  	[sflag:s23] =	ssyncset.done $0x0  }
0xa4: {  	s25 =	simm.s32 $0x1B8E;
	s24 =	sld [smem:$0x3FFE];
	[sflag:s23] =	ssyncadd.s32 $0xFFFFFFFF  }
0xa5: {  	s26 =	simm.s32 $execute0_lowered;
	[smem:$0x3FD2] =	sst s25  }
0xa6: {  	s4 =	sshll.u32 s26, $0x1;
	_ =	strace $0x80000049;
	[dreg:$0x1] =	wrdreg $0xFFFFFFFF  }
0xa7: {  	s28 =	simm.s32 $_size_execute0_lowered;
	s2 =	sadd.s32 s2, s4;
	[dreg:$0x0] =	wrdreg $0x0  }
0xa8: {  	s4 =	sshll.u32 s28, $0x1;
	[dreg:$0x2] =	wrdreg s2  }
0xa9: {  	[dreg:$0x3] =	wrdreg s4  }
0xaa: {  	[dreg:$0x4] =	wrdreg $0xC0  }
0xab: {  	_ =	task [dreg:s6], $0x5FFFF  }
0xac: {  	[dreg:$0x1] =	wrdreg $0xFFFFFFFF  }
0xad: {  	[dreg:$0x0] =	wrdreg $0x60  }
0xae: {  	[dreg:$0x2] =	wrdreg s24  }
0xaf: {  	[dreg:$0x3] =	wrdreg $0x69000  }
0xb0: {  	[dreg:$0x4] =	wrdreg $0x9  }
0xb1: {  	_ =	task.clear_ibuf [dreg:s6], $0x5FFFF;
	_ =	strace $0x90000049  }
0xb2: {  	s29 =	simm.s32 $0x9;
	_ =	strace $0x8000004B  }
0xb3: {  	_ =	swait.ge [sflag:s29], $0x1  }
0xb4: {  	[sflag:s29] =	ssyncadd.s32 $0xFFFFFFFF  }
0xb5: {  	_ =	strace $0x9000004B  }
0xb6: {  	_ =	sfence  }
0xb7: {  	s30 =	sld [smem:$0x0];
	_ =	sdelay $0x2  }
0xb8: {  	s31 =	sshll.u32 s1, $0xD;
	s1 =	sshrl.u32 s1, $0x2  }
0xb9: {  	s3 =	sand.u32 $0x4000, s31;
	s1 =	sadd.s32 s1, s30  }
0xba: {  	s0 =	sor.u32 s3, s0;
	s1 =	sshll.u32 s1, $0x11  }
0xbb: {  	s0 =	sor.u32 s1, s0  }
0xbc: {  	s0 =	sadd.s32 $0x8F2B, s0  }
0xbd: {  	[sflag:s0] =	ssyncadd.remote.s32 $0x1  }
0xbe: {  	_ =	sfence.sel $0xFFFF  }
0xbf: {  	[dreg:$0x0] =	wrdreg $0xFFFFFFFF;
	(pc) =	sbr.abs _section_cstart, $3  }
0xc0: {  	[dreg:$0x1] =	wrdreg $0xFFFFFFFF  }
0xc1: {  	_ =	task.clear_ibuf [dreg:s6], $0x2FFFF;
	_ =	strace $0x9FFFFFFF  }
0xc2: {  	(tm) =	ssettm $0x7FFFFFFF  }
0xc3: {  	_ =	shalt  }
tec
execute0_lowered:
.L_overlay_start_1:
0x0: {  	(tag) =	ssettag $0x1  }
0x1: {  	s5 =	rddreg [dreg:$0x0]  }
0x2: {  	s2 =	rddreg [dreg:$0x1]  }
0x3: {  	s0 =	srdreg.scid;
	s1 =	rddreg [dreg:$0x2];
	s3 =	simm.s32 $0x0  }
0x4: {  	s14 =	simm.s32 $0x2900;
	s15 =	simm.s32 $0x2;
	s6 =	sand.u32 $0x1, s0  }
0x5: {  	s16 =	simm.s32 $0x80;
	s0 =	stileid.u32;
	s4 =	smul.u32 $0x27100, s6  }
0x6: {  	s17 =	simm.s32 $0x50;
	s18 =	simm.s32 $0x100;
	s7 =	smul.u32 $0x2710, s0  }
0x7: {  	s19 =	simm.s32 $0x1;
	[smem:$0x7FF] =	sst s3;
	s30 =	smul.u32 $0x140000, s6  }
0x8: {  	s22 =	simm.s32 $0x0;
	s8 =	smul.u32 $0x14000, s0;
	_ =	strace $0x8000004A  }
0x9: {  	s9 =	smul.u32 $0x50000, s0;
	s6 =	ssub.s32 $0x2, s6;
	s20 =	sshll.u32 s0, $0x6  }
0xa: {  	s31 =	sshrl.u32 s6, $0x1;
	s20 =	sor.u32 $0x1C02, s20;
	s4 =	sadd.s32 s7, s4  }
0xb: {  	s7 =	sadd.s32 s8, s30;
	s9 =	sshrl.u32 s9, $0x2;
	s4 =	sshrl.u32 s4, $0x3  }
0xc: {  	s11 =	ssub.s32 s6, s31;
	s7 =	sshrl.u32 s7, $0x3;
	s13 =	sadd.s32 s4, s5  }
0xd: {  	s4 =	sadd.s32 $0x17200, s5;
	s10 =	sadd.s32 s7, s5;
	s5 =	sadd.s32 s9, s2  }
0xe: {  	s11 =	smax.u32 s11, $0x1;
	s6 =	sadd.s32 $0x4000, s5;
	s7 =	sadd.s32 $0x8000, s5  }
0xf: {  	s8 =	sadd.s32 $0xC000, s5;
	s9 =	sadd.s32 $0x10000, s5;
	s10 =	sadd.s32 $0x3E400, s10  }
0x10: {  	v0 =	vimm.f32 $0.0e+00;
	s12 =	sadd.s32 $0xD400, s13;
	s13 =	sadd.s32 $0x3600, s13;
	s21 =	sshrl.u32 s5, $0x3  }
.LBB2_1:
0x11: {  	s23 =	simm.s32 $0x0;
	s24 =	simm.s32 $0x200  }
.LBB2_2:
0x12: {  	p0 =	sne.s32 s24, $0xFE00;
	[tilespmem:s23+$0x2970] =	vst v0  }
0x13: {  	[tilespmem:s23+$0x2900] =	vst v0  }
0x14: {  	[tilespmem:s23+$0x2910] =	vst v0  }
.Ltmp0:
0x15: {  	[tilespmem:s23+$0x2920] =	vst v0;
	(pc) =	sbr.rel @p0 .LBB2_2-.Ltmp0, $4  }
0x16: {  	[tilespmem:s23+$0x2930] =	vst v0  }
0x17: {  	[tilespmem:s23+$0x2940] =	vst v0  }
0x18: {  	[tilespmem:s23+$0x2950] =	vst v0  }
0x19: {  	[tilespmem:s23+$0x2960] =	vst v0;
	s23 =	sshra.s32 s24, $0x2;
	s24 =	sadd.s32 $0x200, s24  }
0x1a: {  	[tilespmem:s23+$0x2970] =	vst v0  }
0x1b: {  	[tilespmem:s23+$0x2900] =	vst v0  }
0x1c: {  	[tilespmem:s23+$0x2910] =	vst v0  }
0x1d: {  	[tilespmem:s23+$0x2920] =	vst v0  }
0x1e: {  	[tilespmem:s23+$0x2930] =	vst v0  }
0x1f: {  	[tilespmem:s23+$0x2940] =	vst v0  }
0x20: {  	[tilespmem:s23+$0x2950] =	vst v0  }
0x21: {  	[tilespmem:s23+$0x2960] =	vst v0  }
0x22: {  	[spmem:s5] =	stream.linear.scatter [tilespmem:s14], [sflag:$0x2], $0x4000, $0x38;
	[tilespmem:$0x1A900] =	vst v63  }
0x23: {  	_ =	swait.ge [sflag:s15], $0x4000  }
0x24: {  	[sflag:s15] =	ssyncset.done $0x0  }
0x25: {  	[sflag:s15] =	ssyncadd.s32 $0xFFFFC000  }
0x26: {  	[spmem:s6] =	stream.linear.scatter [tilespmem:s14], [sflag:$0x2], $0x4000, $0x38;
	[tilespmem:$0x1A900] =	vst v63  }
0x27: {  	_ =	swait.ge [sflag:s15], $0x4000  }
0x28: {  	[sflag:s15] =	ssyncset.done $0x0  }
0x29: {  	[sflag:s15] =	ssyncadd.s32 $0xFFFFC000  }
0x2a: {  	[spmem:s7] =	stream.linear.scatter [tilespmem:s14], [sflag:$0x2], $0x4000, $0x38;
	[tilespmem:$0x1A900] =	vst v63  }
0x2b: {  	_ =	swait.ge [sflag:s15], $0x4000  }
0x2c: {  	[sflag:s15] =	ssyncset.done $0x0  }
0x2d: {  	[sflag:s15] =	ssyncadd.s32 $0xFFFFC000  }
0x2e: {  	[spmem:s8] =	stream.linear.scatter [tilespmem:s14], [sflag:$0x2], $0x4000, $0x38;
	[tilespmem:$0x1A900] =	vst v63  }
0x2f: {  	_ =	swait.ge [sflag:s15], $0x4000  }
0x30: {  	[sflag:s15] =	ssyncset.done $0x0  }
0x31: {  	[sflag:s15] =	ssyncadd.s32 $0xFFFFC000  }
0x32: {  	[spmem:s9] =	stream.linear.scatter [tilespmem:s14], [sflag:$0x2], $0x4000, $0x38;
	[tilespmem:$0x1A900] =	vst v63  }
0x33: {  	_ =	swait.ge [sflag:s15], $0x4000  }
0x34: {  	[sflag:s15] =	ssyncset.done $0x0  }
0x35: {  	[sflag:s15] =	ssyncadd.s32 $0xFFFFC000  }
0x36: {  	s30 =	sadd.s32 $0x0, s13;
	[bflag:$0x0] =	sbarrier.arrive $0xFFFF  }
0x37: {  	[tilespmem:s3], [sflag:$0x2] =	stream.linear.gather [hbm4b:s30+s3], $0x50, $0x38;
	[tilespmem:$0x1A900] =	vst v63  }
0x38: {  	_ =	swait.ge [sflag:s15], $0x50  }
0x39: {  	[sflag:s15] =	ssyncset.done $0x0  }
0x3a: {  	s31 =	sadd.s32 $0x0, s12;
	[sflag:s15] =	ssyncadd.s32 $0xFFFFFFB0  }
0x3b: {  	[tilespmem:s16], [sflag:$0x2] =	stream.linear.gather [hbm4b:s31+s3], $0x50, $0x38;
	[tilespmem:$0x1A900] =	vst v63  }
0x3c: {  	_ =	swait.ge [sflag:s15], $0x50  }
0x3d: {  	[sflag:s15] =	ssyncset.done $0x0  }
0x3e: {  	[sflag:s15] =	ssyncadd.s32 $0xFFFFFFB0  }
0x3f: {  	[tilespmem:s18], [sflag:$0x1] =	stream.indirect.gather [hbm4b:s4+s17], $0x80, s3, s17, $0xb8;
	[tilespmem:$0x1A900] =	vst v63  }
0x40: {  	_ =	swait.ge [sflag:s19], $0x2800  }
0x41: {  	[sflag:s19] =	ssyncset.done $0x0  }
0x42: {  	[sflag:s19] =	ssyncadd.s32 $0xFFFFD800  }
0x43: {  	[spmem:s2] =	stream.indirect.scatter.add.f32 [tilespmem:s18], [sflag:$0x2], $0x80, s16, s17, $0xb8;
	[tilespmem:$0x1A900] =	vst v63  }
0x44: {  	_ =	swait.ge [sflag:s15], $0x2800  }
0x45: {  	s23 =	simm.s32 $0xA;
	s24 =	simm.s32 $0x14;
	[sflag:s15] =	ssyncset.done $0x0  }
.LBB2_4:
0x46: {  	s25 =	sadd.s32 s23, s13  }
0x47: {  	[sflag:s15] =	ssyncadd.s32 $0xFFFFD800;
	s26 =	smov.u32 s24;
	s28 =	sadd.s32 $0xA, s24  }
0x48: {  	[tilespmem:s3], [sflag:$0x2] =	stream.linear.gather [hbm4b:s25+s3], $0x50, $0x38;
	[tilespmem:$0x1A900] =	vst v63  }
0x49: {  	p0 =	sne.s32 s24, $0x4D8;
	_ =	swait.ge [sflag:s15], $0x50  }
0x4a: {  	[sflag:s15] =	ssyncset.done $0x0  }
0x4b: {  	s24 =	sadd.s32 s23, s12;
	s23 =	smov.u32 s26;
	[sflag:s15] =	ssyncadd.s32 $0xFFFFFFB0  }
0x4c: {  	[tilespmem:s16], [sflag:$0x2] =	stream.linear.gather [hbm4b:s24+s3], $0x50, $0x38;
	[tilespmem:$0x1A900] =	vst v63  }
0x4d: {  	_ =	swait.ge [sflag:s15], $0x50  }
0x4e: {  	[sflag:s15] =	ssyncset.done $0x0  }
0x4f: {  	[sflag:s15] =	ssyncadd.s32 $0xFFFFFFB0  }
0x50: {  	[tilespmem:s18], [sflag:$0x1] =	stream.indirect.gather [hbm4b:s4+s17], $0x80, s3, s17, $0xb8;
	[tilespmem:$0x1A900] =	vst v63  }
0x51: {  	_ =	swait.ge [sflag:s19], $0x2800  }
.Ltmp1:
0x52: {  	[sflag:s19] =	ssyncset.done $0x0;
	(pc) =	sbr.rel @p0 .LBB2_4-.Ltmp1, $4  }
0x53: {  	[sflag:s19] =	ssyncadd.s32 $0xFFFFD800  }
0x54: {  	[spmem:s2] =	stream.indirect.scatter.add.f32 [tilespmem:s18], [sflag:$0x2], $0x80, s16, s17, $0xb8;
	[tilespmem:$0x1A900] =	vst v63  }
0x55: {  	_ =	swait.ge [sflag:s15], $0x2800  }
0x56: {  	s24 =	smov.u32 s28;
	[sflag:s15] =	ssyncset.done $0x0  }
0x57: {  	s24 =	sadd.s32 s23, s13;
	[sflag:s15] =	ssyncadd.s32 $0xFFFFD800  }
0x58: {  	[tilespmem:s3], [sflag:$0x2] =	stream.linear.gather [hbm4b:s24+s3], $0x50, $0x38;
	[tilespmem:$0x1A900] =	vst v63  }
0x59: {  	_ =	swait.ge [sflag:s15], $0x50  }
0x5a: {  	[sflag:s15] =	ssyncset.done $0x0  }
0x5b: {  	s31 =	sadd.s32 s23, s12;
	[sflag:s15] =	ssyncadd.s32 $0xFFFFFFB0  }
0x5c: {  	[tilespmem:s16], [sflag:$0x2] =	stream.linear.gather [hbm4b:s31+s3], $0x50, $0x38;
	[tilespmem:$0x1A900] =	vst v63  }
0x5d: {  	_ =	swait.ge [sflag:s15], $0x50  }
0x5e: {  	[sflag:s15] =	ssyncset.done $0x0  }
0x5f: {  	[sflag:s15] =	ssyncadd.s32 $0xFFFFFFB0  }
0x60: {  	[tilespmem:s18], [sflag:$0x1] =	stream.indirect.gather [hbm4b:s4+s17], $0x80, s3, s17, $0xb8;
	[tilespmem:$0x1A900] =	vst v63  }
0x61: {  	_ =	swait.ge [sflag:s19], $0x2800  }
0x62: {  	[sflag:s19] =	ssyncset.done $0x0  }
0x63: {  	[sflag:s19] =	ssyncadd.s32 $0xFFFFD800  }
0x64: {  	[spmem:s2] =	stream.indirect.scatter.add.f32 [tilespmem:s18], [sflag:$0x2], $0x80, s16, s17, $0xb8;
	[tilespmem:$0x1A900] =	vst v63  }
0x65: {  	_ =	swait.ge [sflag:s15], $0x2800  }
0x66: {  	s22 =	sadd.s32 $0x1, s22;
	[sflag:s15] =	ssyncset.done $0x0  }
0x67: {  	p0 =	sne.s32 s22, s11;
	[sflag:s15] =	ssyncadd.s32 $0xFFFFD800  }
.Ltmp2:
0x68: {  	[bflag:$0x0] =	sbarrier.arrive $0xFFFF;
	(pc) =	sbr.rel @p0 .LBB2_1-.Ltmp2, $4  }
0x69: {  	[hbm:s10], [sflag:s20] =	dma.local [spmem:s21], $0x2800  }
0x6a: {  	_ =	swait.ge [sflag:s15], $0x2800  }
0x6b: {  	[sflag:s15] =	ssyncset.done $0x0  }
0x6c: {  	[sflag:s15] =	ssyncadd.s32 $0xFFFFD800  }
0x6d: {  	_ =	sfence.sel $0x180000  }
0x6e: {  	[bflag:$0x0] =	sbarrier.arrive $0xFFFF  }
0x6f: {  	p0 =	sne.s32 s0, $0x0;
	_ =	strace $0x9000004A  }
0x70: {  	s0 =	sadd.s32 @!p0 $0x100000, s1;
	[bflag:$0x2] =	sbarrier.arrive $0xFFFF  }
0x71: {  	[sflag:s0] =	ssyncadd.tile.s32 @!p0 $0x1;
	_ =	shalt  }
.Lfunc_end2:
_tile_overlayer_lowered:
.L_overlay_start_2:
0x72: {  	(tag) =	ssettag $0x2  }
0x73: {  	s0 =	rddreg [dreg:$0x0];
	s2 =	stileid.u32  }
0x74: {  	s1 =	rddreg [dreg:$0x1];
	p0 =	sne.s32 s2, $0x0  }
0x75: {  	s3 =	rddreg [dreg:$0x2];
	[bflag:$0x3] =	sbarrier.arrive $0xFFFF;
	s2 =	simm.s32 @!p0 $0x1C02  }
0x76: {  	[timem:s3], [sflag:s2] =	dma.local @!p0 [hbm:s0], s1  }
0x77: {  	s0 =	simm.s32 @!p0 $0x2  }
0x78: {  	_ =	swait.ge @!p0 [sflag:s0], s1  }
0x79: {  	s1 =	ssub.s32 @!p0 $0x0, s1;
	[sflag:s0] =	ssyncset.done @!p0 $0x0  }
0x7a: {  	[sflag:s0] =	ssyncadd.s32 @!p0 s1  }
0x7b: {  	[bflag:$0x3] =	sbarrier.arrive $0xFFFF  }
0x7c: {  	_ =	shalt  }

// kernel: kernel.16.cloned.1.call-start
scs
__scs_entry_jumppad:
0x0: {  	(pc) =	sbr.rel $0x88, $3  }
0x1: {  	(tag) =	ssettag $0x0;
	lr =	simm.s32 $0x1  }
0x2: {  	[smem:$0x3F96] =	sst lr;
	_ =	strace $0xD0000000  }
0x3: {  	_ = 	snop  }
0x4: {  	_ = 	snop  }
0x5: {  	_ = 	snop  }
0x6: {  	_ = 	snop  }
0x7: {  	_ = 	snop  }
__scs_overlays_trampoline_lowered:
0x8: {  	[smem:$0x3FA5] =	sst s0  }
0x9: {  	[smem:$0x3FA6] =	sst s1  }
0xa: {  	[smem:$0x3FA7] =	sst s2  }
0xb: {  	[smem:$0x3FA8] =	sst s3  }
0xc: {  	[smem:$0x3FA9] =	sst s4  }
0xd: {  	[smem:$0x3FAA] =	sst s5  }
0xe: {  	[smem:$0x3FAB] =	sst s6  }
0xf: {  	[smem:$0x3FAC] =	sst s7  }
0x10: {  	[smem:$0x3FAD] =	sst s8  }
0x11: {  	[smem:$0x3FAE] =	sst s9;
	s0 =	simm.s32 @!p0 $0x0  }
0x12: {  	s1 =	sld [smem:$0x3F94];
	s0 =	simm.s32 @p0 $0x1  }
0x13: {  	[smem:$0x3FAF] =	sst s0;
	s0 =	simm.s32 @!p1 $0x0  }
0x14: {  	s2 =	sld [smem:$0x3F93];
	s0 =	simm.s32 @p1 $0x1  }
0x15: {  	[smem:$0x3FB0] =	sst s0;
	s0 =	simm.s32 @!p2 $0x0  }
0x16: {  	s3 =	sld [smem:$0x3FDB];
	s0 =	simm.s32 @p2 $0x1  }
0x17: {  	s4 =	simm.s32 $0x1BF5;
	[smem:$0x3FB2] =	sst s0  }
0x18: {  	s0 =	sld [smem:$0x3F95];
	_ =	swait.ge [sflag:s4], $0x0  }
0x19: {  	s7 =	sld [smem:$0x3F96]  }
0x1a: {  	s8 =	sadd.s32 $0xFFFFE003, lr  }
0x1b: {  	s9 =	sadd.s32 $0xFFFFFEF7, lr;
	s5 =	simm.s32 $0xFFFFFFFF;
	p2 =	slt.u32 s8, $0xFFFFF086  }
0x1c: {  	p1 =	slt.u32 s9, $0xF7A;
	s5 =	simm.s32 @!p2 $0x0  }
0x1d: {  	s5 =	simm.s32 @p1 $0x1;
	p0 =	seq.s32 s7, s2  }
0x1e: {  	s7 =	smul.u32 @!p0 $0xF7A, s2;
	p2 =	seq.s32 @!p0 s5, $0x0  }
0x1f: {  	s9 =	smul.u32 $0xF7A, s1;
	s8 =	simm.s32 @!p0 $0x1BF5;
	p2 =	por !p2, p0  }
0x20: {  	[sflag:s8] =	ssyncset.s32 @!p0 $0xFFFFF086;
	s6 =	sadd.s32 @!p0 s3, s7;
	s7 =	simm.s32 @!p0 $0x108  }
0x21: {  	s3 =	sadd.s32 s3, s9;
	s6 =	sadd.s32 @!p0 $0x88, s6;
	s7 =	simm.s32 @p2 $0x1082  }
0x22: {  	[simem:s7], [sflag:s8] =	dma.local @!p0 [hbm:s6], $0xF7A  }
0x23: {  	s9 =	sor.u32 $0xD0000000, s2;
	s6 =	simm.s32 $0x108;
	_ =	swait.ge @!p0 [sflag:s8], $0x0  }
0x24: {  	s3 =	sadd.s32 $0x88, s3;
	s6 =	simm.s32 @!p1 $0x1082;
	[sflag:s4] =	ssyncset.s32 $0xFFFFF086  }
0x25: {  	[simem:s6], [sflag:s4] =	dma.local [hbm:s3], $0xF7A  }
0x26: {  	[smem:$0x3F96] =	sst s1;
	(tag) =	ssettag s2;
	_ =	strace s9  }
0x27: {  	s1 =	sld [smem:$0x3FA6]  }
0x28: {  	s2 =	sld [smem:$0x3FA7]  }
0x29: {  	s4 =	sld [smem:$0x3FA9]  }
0x2a: {  	p0 =	seq.s32 s5, $0x0;
	s5 =	sld [smem:$0x3FAA]  }
0x2b: {  	s6 =	sld [smem:$0x3FAB]  }
0x2c: {  	s7 =	sld [smem:$0x3FAC]  }
0x2d: {  	s3 =	simm.s32 $0x108;
	s8 =	sld [smem:$0x3FAD]  }
0x2e: {  	s3 =	simm.s32 @!p0 $0x1082;
	s9 =	sld [smem:$0x3FAE]  }
0x2f: {  	lr =	sadd.s32 s0, s3;
	s0 =	sld [smem:$0x3FA5]  }
0x30: {  	s3 =	sld [smem:$0x3FA8]  }
0x31: {  	[smem:$0x3FB1] =	sst s10  }
0x32: {  	s10 =	sld [smem:$0x3FAF];
	_ =	sdelay $0x3  }
0x33: {  	p0 =	seq.s32 s10, $0x1;
	s10 =	sld [smem:$0x3FB1];
	_ =	sdelay $0x3  }
0x34: {  	[smem:$0x3FB1] =	sst s10  }
0x35: {  	s10 =	sld [smem:$0x3FB0];
	_ =	sdelay $0x3  }
0x36: {  	p1 =	seq.s32 s10, $0x1;
	s10 =	sld [smem:$0x3FB1];
	_ =	sdelay $0x3  }
0x37: {  	[smem:$0x3FB1] =	sst s10  }
0x38: {  	s10 =	sld [smem:$0x3FB2]  }
0x39: {  	_ = 	snop;
	(pc) =	sbr.ind lr, $3  }
0x3a: {  	_ = 	snop  }
0x3b: {  	_ = 	snop  }
0x3c: {  	p2 =	seq.s32 s10, $0x1;
	s10 =	sld [smem:$0x3FB1]  }
0x3d: {  	_ =	shalt  }
0x3e: {  	_ =	shalt  }
0x3f: {  	_ =	shalt  }
0x40: {  	_ =	shalt  }
0x41: {  	_ =	shalt  }
0x42: {  	_ =	shalt  }
0x43: {  	_ =	shalt  }
0x44: {  	_ =	shalt  }
0x45: {  	_ =	shalt  }
0x46: {  	_ =	shalt  }
0x47: {  	_ =	shalt  }
0x48: {  	_ =	shalt  }
0x49: {  	_ =	shalt  }
0x4a: {  	_ =	shalt  }
0x4b: {  	_ =	shalt  }
0x4c: {  	_ =	shalt  }
0x4d: {  	_ =	shalt  }
0x4e: {  	_ =	shalt  }
0x4f: {  	_ =	shalt  }
0x50: {  	_ =	shalt  }
0x51: {  	_ =	shalt  }
0x52: {  	_ =	shalt  }
0x53: {  	_ =	shalt  }
0x54: {  	_ =	shalt  }
0x55: {  	_ =	shalt  }
0x56: {  	_ =	shalt  }
0x57: {  	_ =	shalt  }
0x58: {  	_ =	shalt  }
0x59: {  	_ =	shalt  }
0x5a: {  	_ =	shalt  }
0x5b: {  	_ =	shalt  }
0x5c: {  	_ =	shalt  }
0x5d: {  	_ =	shalt  }
0x5e: {  	_ =	shalt  }
0x5f: {  	_ =	shalt  }
0x60: {  	_ =	shalt  }
0x61: {  	_ =	shalt  }
0x62: {  	_ =	shalt  }
0x63: {  	_ =	shalt  }
0x64: {  	_ =	shalt  }
0x65: {  	_ =	shalt  }
0x66: {  	_ =	shalt  }
0x67: {  	_ =	shalt  }
0x68: {  	_ =	shalt  }
0x69: {  	_ =	shalt  }
0x6a: {  	_ =	shalt  }
0x6b: {  	_ =	shalt  }
0x6c: {  	_ =	shalt  }
0x6d: {  	_ =	shalt  }
0x6e: {  	_ =	shalt  }
0x6f: {  	_ =	shalt  }
0x70: {  	_ =	shalt  }
0x71: {  	_ =	shalt  }
0x72: {  	_ =	shalt  }
0x73: {  	_ =	shalt  }
0x74: {  	_ =	shalt  }
0x75: {  	_ =	shalt  }
0x76: {  	_ =	shalt  }
0x77: {  	_ =	shalt  }
0x78: {  	_ =	shalt  }
0x79: {  	_ =	shalt  }
0x7a: {  	_ =	shalt  }
0x7b: {  	_ =	shalt  }
0x7c: {  	_ =	shalt  }
0x7d: {  	_ =	shalt  }
0x7e: {  	_ =	shalt  }
0x7f: {  	_ =	shalt  }
0x80: {  	_ =	shalt  }
0x81: {  	_ =	shalt  }
0x82: {  	_ =	shalt  }
0x83: {  	_ =	shalt  }
0x84: {  	_ =	shalt  }
0x85: {  	_ =	shalt  }
0x86: {  	_ =	shalt  }
0x87: {  	_ =	shalt  }
.Lfunc_end0:
.L_simem_size_0:
called_computation.2_lowered:
.L_overlay_start_0:
0x88: {  	s2 =	sld [smem:$0x3FD9]  }
0x89: {  	s3 =	sld [smem:$0x3FFE];
	_ =	sdelay $0x1  }
0x8a: {  	s1 =	srdreg.scid  }
0x8b: {  	s0 =	sand.u32 $0x1, s1  }
0x8c: {  	s16 =	sshll.u32 s0, $0xA;
	s2 =	sadd.s32 s3, s2  }
0x8d: {  	s2 =	sadd.s32 s2, s16  }
0x8e: {  	[smem:$0x3FBD] =	sst s2  }
0x8f: {  	_ = 	snop  }
0x90: {  	(tm) =	ssettm $0x1  }
0x91: {  	s17 =	sld [smem:$0x3FFB];
	_ =	sdelay $0x3  }
0x92: {  	_ =	strace s17  }
0x93: {  	s2 =	sld [smem:$0x3FFC];
	_ =	sdelay $0x3  }
0x94: {  	_ =	strace s2  }
0x95: {  	s2 =	sld [smem:$0x3FFD];
	_ =	sdelay $0x3  }
0x96: {  	_ =	strace s2  }
0x97: {  	_ =	strace $0x8FFFFFFF  }
0x98: {  	s18 =	sld [smem:$0x3FDB];
	_ =	sdelay $0x1  }
0x99: {  	s19 =	simm.s32 $_scs_section_size  }
0x9a: {  	s4 =	simm.s32 $_size__tile_overlayer_lowered;
	s5 =	simm.s32 $_tile_overlayer_lowered  }
0x9b: {  	s22 =	simm.s32 $0x1BFF;
	s21 =	sshll.u32 s5, $0x1;
	s2 =	sadd.s32 s19, s18  }
0x9c: {  	s6 =	simm.s32 $0x0;
	s20 =	sshll.u32 s4, $0x1;
	s4 =	sadd.s32 s21, s2  }
0x9d: {  	[timem:s6], [sflag:s22] =	dma.local [hbm:s4], s20  }
0x9e: {  	_ =	swait.ge [sflag:s22], s20  }
0x9f: {  	s3 =	ssub.s32 $0x0, s20;
	[sflag:s22] =	ssyncset.done $0x0  }
0xa0: {  	[sflag:s22] =	ssyncadd.s32 s3;
	_ =	sdelay $0x1  }
0xa1: {  	s23 =	simm.s32 $0x1B8B  }
0xa2: {  	_ =	swait.ge [sflag:s23], $0x1  }
0xa3: {  	[sflag:s23] =	ssyncset.done $0x0  }
0xa4: {  	s25 =	simm.s32 $0x1B8E;
	s24 =	sld [smem:$0x3FFE];
	[sflag:s23] =	ssyncadd.s32 $0xFFFFFFFF  }
0xa5: {  	s26 =	simm.s32 $execute0_lowered;
	[smem:$0x3FD2] =	sst s25  }
0xa6: {  	s4 =	sshll.u32 s26, $0x1;
	_ =	strace $0x8000004C;
	[dreg:$0x1] =	wrdreg $0xFFFFFFFF  }
0xa7: {  	s28 =	simm.s32 $_size_execute0_lowered;
	s2 =	sadd.s32 s2, s4;
	[dreg:$0x0] =	wrdreg $0x0  }
0xa8: {  	s4 =	sshll.u32 s28, $0x1;
	[dreg:$0x2] =	wrdreg s2  }
0xa9: {  	[dreg:$0x3] =	wrdreg s4  }
0xaa: {  	[dreg:$0x4] =	wrdreg $0xC0  }
0xab: {  	_ =	task [dreg:s6], $0x5FFFF  }
0xac: {  	[dreg:$0x1] =	wrdreg $0xFFFFFFFF  }
0xad: {  	[dreg:$0x0] =	wrdreg $0x60  }
0xae: {  	[dreg:$0x2] =	wrdreg s24  }
0xaf: {  	[dreg:$0x3] =	wrdreg $0x69000  }
0xb0: {  	[dreg:$0x4] =	wrdreg $0x9  }
0xb1: {  	_ =	task.clear_ibuf [dreg:s6], $0x5FFFF;
	_ =	strace $0x9000004C  }
0xb2: {  	s29 =	simm.s32 $0x9;
	_ =	strace $0x8000004E  }
0xb3: {  	_ =	swait.ge [sflag:s29], $0x1  }
0xb4: {  	[sflag:s29] =	ssyncadd.s32 $0xFFFFFFFF  }
0xb5: {  	_ =	strace $0x9000004E  }
0xb6: {  	_ =	sfence  }
0xb7: {  	s30 =	sld [smem:$0x0];
	_ =	sdelay $0x2  }
0xb8: {  	s31 =	sshll.u32 s1, $0xD;
	s1 =	sshrl.u32 s1, $0x2  }
0xb9: {  	s3 =	sand.u32 $0x4000, s31;
	s1 =	sadd.s32 s1, s30  }
0xba: {  	s0 =	sor.u32 s3, s0;
	s1 =	sshll.u32 s1, $0x11  }
0xbb: {  	s0 =	sor.u32 s1, s0  }
0xbc: {  	s0 =	sadd.s32 $0x8F2B, s0  }
0xbd: {  	[sflag:s0] =	ssyncadd.remote.s32 $0x1  }
0xbe: {  	_ =	sfence.sel $0xFFFF  }
0xbf: {  	[dreg:$0x0] =	wrdreg $0xFFFFFFFF;
	(pc) =	sbr.abs _section_cstart, $3  }
0xc0: {  	[dreg:$0x1] =	wrdreg $0xFFFFFFFF  }
0xc1: {  	_ =	task.clear_ibuf [dreg:s6], $0x2FFFF;
	_ =	strace $0x9FFFFFFF  }
0xc2: {  	(tm) =	ssettm $0x7FFFFFFF  }
0xc3: {  	_ =	shalt  }
tec
execute0_lowered:
.L_overlay_start_1:
0x0: {  	(tag) =	ssettag $0x1  }
0x1: {  	s5 =	rddreg [dreg:$0x0]  }
0x2: {  	s2 =	rddreg [dreg:$0x1]  }
0x3: {  	s0 =	srdreg.scid;
	s1 =	rddreg [dreg:$0x2];
	s3 =	simm.s32 $0x0  }
0x4: {  	s14 =	simm.s32 $0x2900;
	s15 =	simm.s32 $0x2;
	s6 =	sand.u32 $0x1, s0  }
0x5: {  	s16 =	simm.s32 $0x80;
	s0 =	stileid.u32;
	s4 =	smul.u32 $0x27100, s6  }
0x6: {  	s17 =	simm.s32 $0x50;
	s18 =	simm.s32 $0x100;
	s7 =	smul.u32 $0x2710, s0  }
0x7: {  	s19 =	simm.s32 $0x1;
	[smem:$0x7FF] =	sst s3;
	s30 =	smul.u32 $0x140000, s6  }
0x8: {  	s22 =	simm.s32 $0x0;
	s8 =	smul.u32 $0x14000, s0;
	_ =	strace $0x8000004D  }
0x9: {  	s9 =	smul.u32 $0x50000, s0;
	s6 =	ssub.s32 $0x2, s6;
	s20 =	sshll.u32 s0, $0x6  }
0xa: {  	s31 =	sshrl.u32 s6, $0x1;
	s20 =	sor.u32 $0x1C02, s20;
	s4 =	sadd.s32 s7, s4  }
0xb: {  	s7 =	sadd.s32 s8, s30;
	s9 =	sshrl.u32 s9, $0x2;
	s4 =	sshrl.u32 s4, $0x3  }
0xc: {  	s11 =	ssub.s32 s6, s31;
	s7 =	sshrl.u32 s7, $0x3;
	s13 =	sadd.s32 s4, s5  }
0xd: {  	s4 =	sadd.s32 $0x17200, s5;
	s10 =	sadd.s32 s7, s5;
	s5 =	sadd.s32 s9, s2  }
0xe: {  	s11 =	smax.u32 s11, $0x1;
	s6 =	sadd.s32 $0x4000, s5;
	s7 =	sadd.s32 $0x8000, s5  }
0xf: {  	s8 =	sadd.s32 $0xC000, s5;
	s9 =	sadd.s32 $0x10000, s5;
	s10 =	sadd.s32 $0x3E400, s10  }
0x10: {  	v0 =	vimm.f32 $0.0e+00;
	s12 =	sadd.s32 $0xD400, s13;
	s13 =	sadd.s32 $0x3600, s13;
	s21 =	sshrl.u32 s5, $0x3  }
.LBB2_1:
0x11: {  	s23 =	simm.s32 $0x0;
	s24 =	simm.s32 $0x200  }
.LBB2_2:
0x12: {  	p0 =	sne.s32 s24, $0xFE00;
	[tilespmem:s23+$0x2970] =	vst v0  }
0x13: {  	[tilespmem:s23+$0x2900] =	vst v0  }
0x14: {  	[tilespmem:s23+$0x2910] =	vst v0  }
.Ltmp0:
0x15: {  	[tilespmem:s23+$0x2920] =	vst v0;
	(pc) =	sbr.rel @p0 .LBB2_2-.Ltmp0, $4  }
0x16: {  	[tilespmem:s23+$0x2930] =	vst v0  }
0x17: {  	[tilespmem:s23+$0x2940] =	vst v0  }
0x18: {  	[tilespmem:s23+$0x2950] =	vst v0  }
0x19: {  	[tilespmem:s23+$0x2960] =	vst v0;
	s23 =	sshra.s32 s24, $0x2;
	s24 =	sadd.s32 $0x200, s24  }
0x1a: {  	[tilespmem:s23+$0x2970] =	vst v0  }
0x1b: {  	[tilespmem:s23+$0x2900] =	vst v0  }
0x1c: {  	[tilespmem:s23+$0x2910] =	vst v0  }
0x1d: {  	[tilespmem:s23+$0x2920] =	vst v0  }
0x1e: {  	[tilespmem:s23+$0x2930] =	vst v0  }
0x1f: {  	[tilespmem:s23+$0x2940] =	vst v0  }
0x20: {  	[tilespmem:s23+$0x2950] =	vst v0  }
0x21: {  	[tilespmem:s23+$0x2960] =	vst v0  }
0x22: {  	[spmem:s5] =	stream.linear.scatter [tilespmem:s14], [sflag:$0x2], $0x4000, $0x38;
	[tilespmem:$0x1A900] =	vst v63  }
0x23: {  	_ =	swait.ge [sflag:s15], $0x4000  }
0x24: {  	[sflag:s15] =	ssyncset.done $0x0  }
0x25: {  	[sflag:s15] =	ssyncadd.s32 $0xFFFFC000  }
0x26: {  	[spmem:s6] =	stream.linear.scatter [tilespmem:s14], [sflag:$0x2], $0x4000, $0x38;
	[tilespmem:$0x1A900] =	vst v63  }
0x27: {  	_ =	swait.ge [sflag:s15], $0x4000  }
0x28: {  	[sflag:s15] =	ssyncset.done $0x0  }
0x29: {  	[sflag:s15] =	ssyncadd.s32 $0xFFFFC000  }
0x2a: {  	[spmem:s7] =	stream.linear.scatter [tilespmem:s14], [sflag:$0x2], $0x4000, $0x38;
	[tilespmem:$0x1A900] =	vst v63  }
0x2b: {  	_ =	swait.ge [sflag:s15], $0x4000  }
0x2c: {  	[sflag:s15] =	ssyncset.done $0x0  }
0x2d: {  	[sflag:s15] =	ssyncadd.s32 $0xFFFFC000  }
0x2e: {  	[spmem:s8] =	stream.linear.scatter [tilespmem:s14], [sflag:$0x2], $0x4000, $0x38;
	[tilespmem:$0x1A900] =	vst v63  }
0x2f: {  	_ =	swait.ge [sflag:s15], $0x4000  }
0x30: {  	[sflag:s15] =	ssyncset.done $0x0  }
0x31: {  	[sflag:s15] =	ssyncadd.s32 $0xFFFFC000  }
0x32: {  	[spmem:s9] =	stream.linear.scatter [tilespmem:s14], [sflag:$0x2], $0x4000, $0x38;
	[tilespmem:$0x1A900] =	vst v63  }
0x33: {  	_ =	swait.ge [sflag:s15], $0x4000  }
0x34: {  	[sflag:s15] =	ssyncset.done $0x0  }
0x35: {  	[sflag:s15] =	ssyncadd.s32 $0xFFFFC000  }
0x36: {  	s30 =	sadd.s32 $0x0, s13;
	[bflag:$0x0] =	sbarrier.arrive $0xFFFF  }
0x37: {  	[tilespmem:s3], [sflag:$0x2] =	stream.linear.gather [hbm4b:s30+s3], $0x50, $0x38;
	[tilespmem:$0x1A900] =	vst v63  }
0x38: {  	_ =	swait.ge [sflag:s15], $0x50  }
0x39: {  	[sflag:s15] =	ssyncset.done $0x0  }
0x3a: {  	s31 =	sadd.s32 $0x0, s12;
	[sflag:s15] =	ssyncadd.s32 $0xFFFFFFB0  }
0x3b: {  	[tilespmem:s16], [sflag:$0x2] =	stream.linear.gather [hbm4b:s31+s3], $0x50, $0x38;
	[tilespmem:$0x1A900] =	vst v63  }
0x3c: {  	_ =	swait.ge [sflag:s15], $0x50  }
0x3d: {  	[sflag:s15] =	ssyncset.done $0x0  }
0x3e: {  	[sflag:s15] =	ssyncadd.s32 $0xFFFFFFB0  }
0x3f: {  	[tilespmem:s18], [sflag:$0x1] =	stream.indirect.gather [hbm4b:s4+s17], $0x80, s3, s17, $0xb8;
	[tilespmem:$0x1A900] =	vst v63  }
0x40: {  	_ =	swait.ge [sflag:s19], $0x2800  }
0x41: {  	[sflag:s19] =	ssyncset.done $0x0  }
0x42: {  	[sflag:s19] =	ssyncadd.s32 $0xFFFFD800  }
0x43: {  	[spmem:s2] =	stream.indirect.scatter.add.f32 [tilespmem:s18], [sflag:$0x2], $0x80, s16, s17, $0xb8;
	[tilespmem:$0x1A900] =	vst v63  }
0x44: {  	_ =	swait.ge [sflag:s15], $0x2800  }
0x45: {  	s23 =	simm.s32 $0xA;
	s24 =	simm.s32 $0x14;
	[sflag:s15] =	ssyncset.done $0x0  }
.LBB2_4:
0x46: {  	s25 =	sadd.s32 s23, s13  }
0x47: {  	[sflag:s15] =	ssyncadd.s32 $0xFFFFD800;
	s26 =	smov.u32 s24;
	s28 =	sadd.s32 $0xA, s24  }
0x48: {  	[tilespmem:s3], [sflag:$0x2] =	stream.linear.gather [hbm4b:s25+s3], $0x50, $0x38;
	[tilespmem:$0x1A900] =	vst v63  }
0x49: {  	p0 =	sne.s32 s24, $0x4D8;
	_ =	swait.ge [sflag:s15], $0x50  }
0x4a: {  	[sflag:s15] =	ssyncset.done $0x0  }
0x4b: {  	s24 =	sadd.s32 s23, s12;
	s23 =	smov.u32 s26;
	[sflag:s15] =	ssyncadd.s32 $0xFFFFFFB0  }
0x4c: {  	[tilespmem:s16], [sflag:$0x2] =	stream.linear.gather [hbm4b:s24+s3], $0x50, $0x38;
	[tilespmem:$0x1A900] =	vst v63  }
0x4d: {  	_ =	swait.ge [sflag:s15], $0x50  }
0x4e: {  	[sflag:s15] =	ssyncset.done $0x0  }
0x4f: {  	[sflag:s15] =	ssyncadd.s32 $0xFFFFFFB0  }
0x50: {  	[tilespmem:s18], [sflag:$0x1] =	stream.indirect.gather [hbm4b:s4+s17], $0x80, s3, s17, $0xb8;
	[tilespmem:$0x1A900] =	vst v63  }
0x51: {  	_ =	swait.ge [sflag:s19], $0x2800  }
.Ltmp1:
0x52: {  	[sflag:s19] =	ssyncset.done $0x0;
	(pc) =	sbr.rel @p0 .LBB2_4-.Ltmp1, $4  }
0x53: {  	[sflag:s19] =	ssyncadd.s32 $0xFFFFD800  }
0x54: {  	[spmem:s2] =	stream.indirect.scatter.add.f32 [tilespmem:s18], [sflag:$0x2], $0x80, s16, s17, $0xb8;
	[tilespmem:$0x1A900] =	vst v63  }
0x55: {  	_ =	swait.ge [sflag:s15], $0x2800  }
0x56: {  	s24 =	smov.u32 s28;
	[sflag:s15] =	ssyncset.done $0x0  }
0x57: {  	s24 =	sadd.s32 s23, s13;
	[sflag:s15] =	ssyncadd.s32 $0xFFFFD800  }
0x58: {  	[tilespmem:s3], [sflag:$0x2] =	stream.linear.gather [hbm4b:s24+s3], $0x50, $0x38;
	[tilespmem:$0x1A900] =	vst v63  }
0x59: {  	_ =	swait.ge [sflag:s15], $0x50  }
0x5a: {  	[sflag:s15] =	ssyncset.done $0x0  }
0x5b: {  	s31 =	sadd.s32 s23, s12;
	[sflag:s15] =	ssyncadd.s32 $0xFFFFFFB0  }
0x5c: {  	[tilespmem:s16], [sflag:$0x2] =	stream.linear.gather [hbm4b:s31+s3], $0x50, $0x38;
	[tilespmem:$0x1A900] =	vst v63  }
0x5d: {  	_ =	swait.ge [sflag:s15], $0x50  }
0x5e: {  	[sflag:s15] =	ssyncset.done $0x0  }
0x5f: {  	[sflag:s15] =	ssyncadd.s32 $0xFFFFFFB0  }
0x60: {  	[tilespmem:s18], [sflag:$0x1] =	stream.indirect.gather [hbm4b:s4+s17], $0x80, s3, s17, $0xb8;
	[tilespmem:$0x1A900] =	vst v63  }
0x61: {  	_ =	swait.ge [sflag:s19], $0x2800  }
0x62: {  	[sflag:s19] =	ssyncset.done $0x0  }
0x63: {  	[sflag:s19] =	ssyncadd.s32 $0xFFFFD800  }
0x64: {  	[spmem:s2] =	stream.indirect.scatter.add.f32 [tilespmem:s18], [sflag:$0x2], $0x80, s16, s17, $0xb8;
	[tilespmem:$0x1A900] =	vst v63  }
0x65: {  	_ =	swait.ge [sflag:s15], $0x2800  }
0x66: {  	s22 =	sadd.s32 $0x1, s22;
	[sflag:s15] =	ssyncset.done $0x0  }
0x67: {  	p0 =	sne.s32 s22, s11;
	[sflag:s15] =	ssyncadd.s32 $0xFFFFD800  }
.Ltmp2:
0x68: {  	[bflag:$0x0] =	sbarrier.arrive $0xFFFF;
	(pc) =	sbr.rel @p0 .LBB2_1-.Ltmp2, $4  }
0x69: {  	[hbm:s10], [sflag:s20] =	dma.local [spmem:s21], $0x2800  }
0x6a: {  	_ =	swait.ge [sflag:s15], $0x2800  }
0x6b: {  	[sflag:s15] =	ssyncset.done $0x0  }
0x6c: {  	[sflag:s15] =	ssyncadd.s32 $0xFFFFD800  }
0x6d: {  	_ =	sfence.sel $0x180000  }
0x6e: {  	[bflag:$0x0] =	sbarrier.arrive $0xFFFF  }
0x6f: {  	p0 =	sne.s32 s0, $0x0;
	_ =	strace $0x9000004D  }
0x70: {  	s0 =	sadd.s32 @!p0 $0x100000, s1;
	[bflag:$0x2] =	sbarrier.arrive $0xFFFF  }
0x71: {  	[sflag:s0] =	ssyncadd.tile.s32 @!p0 $0x1;
	_ =	shalt  }
.Lfunc_end2:
_tile_overlayer_lowered:
.L_overlay_start_2:
0x72: {  	(tag) =	ssettag $0x2  }
0x73: {  	s0 =	rddreg [dreg:$0x0];
	s2 =	stileid.u32  }
0x74: {  	s1 =	rddreg [dreg:$0x1];
	p0 =	sne.s32 s2, $0x0  }
0x75: {  	s3 =	rddreg [dreg:$0x2];
	[bflag:$0x3] =	sbarrier.arrive $0xFFFF;
	s2 =	simm.s32 @!p0 $0x1C02  }
0x76: {  	[timem:s3], [sflag:s2] =	dma.local @!p0 [hbm:s0], s1  }
0x77: {  	s0 =	simm.s32 @!p0 $0x2  }
0x78: {  	_ =	swait.ge @!p0 [sflag:s0], s1  }
0x79: {  	s1 =	ssub.s32 @!p0 $0x0, s1;
	[sflag:s0] =	ssyncset.done @!p0 $0x0  }
0x7a: {  	[sflag:s0] =	ssyncadd.s32 @!p0 s1  }
0x7b: {  	[bflag:$0x3] =	sbarrier.arrive $0xFFFF  }
0x7c: {  	_ =	shalt  }

</sc_bundles>
